<compile_context>
chip_gen: v7x
topology: tpu7x:2x2x1
jax: 0.10.2.dev20260603
libtpu: 0.0.44.dev20260713+nightly
codegen_flags: <defaults>
</compile_context>

<pallas_src>
import functools

import jax
import jax.numpy as jnp
import numpy as np
from jax import lax
from jax.experimental import pallas as pl
from jax.experimental.pallas import tpu as pltpu
from jax.experimental.pallas import tpu_sc as plsc

_B, _T, _C = 64, 576, 768
_ROWS = _B * _T

_FWD = np.array([
    121,480,35,130,263,557,148,197,410,398,45,520,176,569,462,446,366,575,257,179,139,315,501,188,
    312,499,318,448,304,99,309,567,144,152,517,189,487,552,544,516,325,31,112,532,518,495,356,493,
    507,543,268,429,538,409,541,85,63,117,417,174,565,441,509,525,481,272,114,254,564,524,82,65,7,
    350,4,101,463,452,444,102,78,163,157,302,183,29,240,177,278,259,108,553,305,83,129,367,212,277,
    504,300,44,211,16,58,123,562,37,336,111,19,61,540,447,2,142,34,542,369,339,551,156,436,5,461,
    415,90,363,514,175,167,284,379,251,110,72,155,178,323,291,388,269,535,354,573,533,368,219,510,
    153,30,275,42,186,342,406,468,439,307,256,419,246,3,362,380,327,393,70,566,378,400,271,522,488,
    311,67,273,223,422,39,56,274,192,169,349,218,195,476,173,245,241,69,383,80,22,571,6,321,199,
    345,118,235,54,442,479,423,266,77,425,147,18,340,298,249,294,375,382,10,570,11,234,53,236,455,
    528,94,515,332,511,331,437,353,489,287,32,217,283,355,529,407,159,440,15,470,184,49,548,137,50,
    558,138,20,563,549,445,237,280,253,185,527,460,43,389,335,561,258,370,344,92,8,503,324,140,233,
    24,81,239,314,453,96,475,467,154,135,472,490,469,559,500,264,160,106,128,265,426,386,191,9,200,
    40,187,71,346,438,333,248,164,207,93,59,201,158,210,420,402,75,508,131,411,97,66,25,196,424,
    364,497,242,338,206,243,397,341,450,414,238,560,295,432,431,308,73,512,320,13,52,556,491,203,
    289,303,202,255,194,88,250,337,62,230,150,261,330,262,209,132,357,87,76,198,486,60,244,457,47,
    392,374,276,33,79,451,180,403,247,14,459,286,421,458,228,17,38,86,550,231,190,232,545,482,23,
    536,105,484,395,427,301,474,376,555,405,546,494,471,391,574,534,313,220,0,473,145,371,213,226,
    381,133,281,41,64,572,416,21,443,161,279,285,166,124,116,449,26,165,168,193,57,208,181,89,146,
    182,126,125,297,1,115,28,113,530,225,361,351,537,465,172,377,162,48,170,466,505,227,36,252,502,
    492,521,119,151,385,306,120,372,390,224,523,122,270,100,568,418,433,329,365,396,526,91,519,222,
    55,496,498,103,51,293,215,384,127,98,483,506,282,107,27,322,74,136,229,319,328,531,430,343,204,
    221,296,12,134,454,477,554,408,109,84,539,428,317,513,358,394,299,205,171,288,143,68,267,216,
    435,547,149,485,434,141,464,334,404,104,352,95,387,316,214,290,46,310,348,401,260,478,292,359,
    326,347,456,399,373,412,360,413,
], dtype=np.int32)
_BWD = np.argsort(_FWD).astype(np.int32)

_SRC_ROWS = (
    np.arange(_B, dtype=np.int32)[:, None] * _T + _FWD[None, :]
).reshape(-1)

_NC, _NS = 2, 16
_NW = _NC * _NS
_RPW = _ROWS // _NW
_CHUNK = 72
_NBUF = 2
_NCHUNK = _RPW // _CHUNK


@functools.partial(
    pl.kernel,
    mesh=plsc.VectorSubcoreMesh(core_axis_name="c", subcore_axis_name="s"),
    out_type=jax.ShapeDtypeStruct((_ROWS, _C), jnp.float32),
    scratch_types=(
        [pltpu.VMEM((_NCHUNK, _CHUNK), jnp.int32)]
        + [pltpu.VMEM((_CHUNK, _C), jnp.float32)] * _NBUF
        + [pltpu.SemaphoreType.DMA] * (2 * _NBUF)
    ),
)
def _shuffle_rows(p_hbm, idx_hbm, out_hbm, idx_v, *rest):
    bufs = rest[:_NBUF]
    gsem = rest[_NBUF:2 * _NBUF]
    osem = rest[2 * _NBUF:]
    wid = lax.axis_index("s") * _NC + lax.axis_index("c")
    base = wid * _RPW
    pltpu.sync_copy(idx_hbm.at[wid], idx_v)

    def start_gather(ci):
        b = ci % _NBUF
        return pltpu.async_copy(
            p_hbm.at[idx_v.at[ci]], bufs[b], gsem[b]
        )

    gd = [None] * _NBUF
    od = [None] * _NBUF
    gd[0] = start_gather(0)
    for ci in range(_NCHUNK):
        b = ci % _NBUF
        if ci + 1 < _NCHUNK:
            nb = (ci + 1) % _NBUF
            if od[nb] is not None:
                od[nb].wait()
            gd[nb] = start_gather(ci + 1)
        gd[b].wait()
        od[b] = pltpu.async_copy(
            bufs[b], out_hbm.at[pl.ds(base + ci * _CHUNK, _CHUNK)], osem[b]
        )
    for k in range(_NBUF, 0, -1):
        if od[(_NCHUNK - k) % _NBUF] is not None:
            od[(_NCHUNK - k) % _NBUF].wait()


def kernel(patches):
    flat = patches.reshape(_ROWS, _C)
    idx3d = jnp.asarray(_SRC_ROWS.reshape(_NW, _NCHUNK, _CHUNK))
    shuffled = _shuffle_rows(flat, idx3d).reshape(_B, _T, _C)
    fwd_b = jnp.broadcast_to(jnp.asarray(_FWD)[None, :], (_B, _T))
    bwd_b = jnp.broadcast_to(jnp.asarray(_BWD)[None, :], (_B, _T))
    return (shuffled, fwd_b, bwd_b)

# --- scband reference (transcript-rebuilt; emitter-appended) ---
"""Pipeline reference for scband-patch-shuffle-62277025792409 (READ-ONLY COPY).

The authoritative reference and input builder live on the scoring server;
editing this copy changes nothing except your own understanding.
"""

import jax, jax.numpy as jnp
import numpy as np

def setup_inputs(seed: int = 0) -> dict:
    key = jax.random.key(seed)
    patches = jax.random.normal(key, (64, 576, 768), dtype=jnp.float32)
    return {"patches": patches}

def reference(patches):
    B, T, C = patches.shape
    # random_indexes(T): a single permutation shared across the batch
    # (original uses np.random.shuffle; here a fixed jax PRNG key for determinism)
    forward_indexes = jax.random.permutation(jax.random.key(42), T)
    backward_indexes = jnp.argsort(forward_indexes)
    forward_b = jnp.broadcast_to(forward_indexes[None, :], (B, T))
    backward_b = jnp.broadcast_to(backward_indexes[None, :], (B, T))
    # take_indexes: gather along the token dim, index repeated over channels
    idx = jnp.broadcast_to(forward_b[:, :, None], (B, T, C))
    shuffled = jnp.take_along_axis(patches, idx, axis=1)
    return (shuffled, forward_b, backward_b)

if __name__ == "__main__":
    import jax
    _d = setup_inputs()
    print(jax.jit(kernel)(*tuple(_d.values())))

</pallas_src>

<mosaic_0001>
#map = affine_map<(d0, d1) -> (0, 0)>
#map1 = affine_map<(d0, d1) -> (0, 0, 0)>
module attributes {stable_mosaic.version = 14 : i64} {
  func.func @_shuffle_rows(%arg0: i32, %arg1: i32, %arg2: memref<36864x768xf32, #tpu.memory_space<hbm>>, %arg3: memref<32x16x72xi32, #tpu.memory_space<hbm>>, %arg4: memref<36864x768xf32, #tpu.memory_space<hbm>>, %arg5: memref<16x72xi32, #tpu.memory_space<vmem>>, %arg6: memref<72x768xf32, #tpu.memory_space<vmem>>, %arg7: memref<72x768xf32, #tpu.memory_space<vmem>>, %arg8: memref<!tpu.dma_semaphore, #tpu.memory_space<semaphore_mem>>, %arg9: memref<!tpu.dma_semaphore, #tpu.memory_space<semaphore_mem>>, %arg10: memref<!tpu.dma_semaphore, #tpu.memory_space<semaphore_mem>>, %arg11: memref<!tpu.dma_semaphore, #tpu.memory_space<semaphore_mem>>) attributes {dimension_semantics = [#tpu.dimension_semantics<core_parallel>, #tpu.dimension_semantics<subcore_parallel>], iteration_bounds = array<i64: 2, 16>, scalar_prefetch = 0 : i64, scratch_operands = 7 : i64, tpu.core_type = #tpu.core_type<sc_vector_subcore>, window_params = [{transform_indices = #map}, {transform_indices = #map1}, {transform_indices = #map}]} {
    %mul3A = arith.constant 2 : i32
    %mul3A_0 = arith.muli %arg1, %mul3A : i32
    %add3A = arith.addi %mul3A_0, %arg0 : i32
    %mul3A_1 = arith.constant 1152 : i32
    %mul3A_2 = arith.muli %add3A, %mul3A_1 : i32
    "tpu.region"() ({
      %run_scoped3A = tpu.sem_alloc : memref<!tpu.dma_semaphore, #tpu.memory_space<semaphore_mem>>
      %dma_start3A_385 = arith.constant 0 : i32
      %dma_start3A_386 = arith.constant 0 : i32
      %dma_start3A_387 = tpu.memref_slice %arg3[%add3A, %dma_start3A_385, %dma_start3A_386] : memref<32x16x72xi32, #tpu.memory_space<hbm>> -> memref<1x16x72xi32, #tpu.memory_space<hbm>>
      %dma_start3A_388 = tpu.memref_squeeze %dma_start3A_387 : memref<1x16x72xi32, #tpu.memory_space<hbm>> -> memref<16x72xi32, #tpu.memory_space<hbm>>
      %dma_start3A_389 = arith.constant 0 : i32
      %dma_start3A_390 = arith.constant 0 : i32
      %dma_start3A_391 = tpu.memref_slice %arg3[%add3A, %dma_start3A_389, %dma_start3A_390] : memref<32x16x72xi32, #tpu.memory_space<hbm>> -> memref<1x16x72xi32, #tpu.memory_space<hbm>>
      %dma_start3A_392 = tpu.memref_squeeze %dma_start3A_391 : memref<1x16x72xi32, #tpu.memory_space<hbm>> -> memref<16x72xi32, #tpu.memory_space<hbm>>
      tpu.enqueue_dma source(%dma_start3A_392 : memref<16x72xi32, #tpu.memory_space<hbm>>) target(%arg5 : memref<16x72xi32, #tpu.memory_space<vmem>>) target_semaphore(%run_scoped3A : memref<!tpu.dma_semaphore, #tpu.memory_space<semaphore_mem>>)
      %dma_wait3A_393 = arith.constant 0 : i32
      %dma_wait3A_394 = arith.constant 0 : i32
      %dma_wait3A_395 = tpu.memref_slice %arg3[%add3A, %dma_wait3A_393, %dma_wait3A_394] : memref<32x16x72xi32, #tpu.memory_space<hbm>> -> memref<1x16x72xi32, #tpu.memory_space<hbm>>
      %dma_wait3A_396 = tpu.memref_squeeze %dma_wait3A_395 : memref<1x16x72xi32, #tpu.memory_space<hbm>> -> memref<16x72xi32, #tpu.memory_space<hbm>>
      %dma_wait3A_397 = arith.constant 0 : i32
      %dma_wait3A_398 = arith.constant 0 : i32
      %dma_wait3A_399 = tpu.memref_slice %arg3[%add3A, %dma_wait3A_397, %dma_wait3A_398] : memref<32x16x72xi32, #tpu.memory_space<hbm>> -> memref<1x16x72xi32, #tpu.memory_space<hbm>>
      %dma_wait3A_400 = tpu.memref_squeeze %dma_wait3A_399 : memref<1x16x72xi32, #tpu.memory_space<hbm>> -> memref<16x72xi32, #tpu.memory_space<hbm>>
      tpu.wait_dma2 semaphore(%run_scoped3A : memref<!tpu.dma_semaphore, #tpu.memory_space<semaphore_mem>>) src(%dma_wait3A_400 : memref<16x72xi32, #tpu.memory_space<hbm>>) dst(%arg5 : memref<16x72xi32, #tpu.memory_space<vmem>>)
      tpu.yield
    }) : () -> ()
    %dma_start3A = arith.constant 0 : i32
    %dma_start3A_3 = arith.constant 0 : i32
    %dma_start3A_4 = tpu.memref_slice %arg5[%dma_start3A, %dma_start3A_3] : memref<16x72xi32, #tpu.memory_space<vmem>> -> memref<1x72xi32, #tpu.memory_space<vmem>>
    %dma_start3A_5 = tpu.memref_squeeze %dma_start3A_4 : memref<1x72xi32, #tpu.memory_space<vmem>> -> memref<72xi32, #tpu.memory_space<vmem>>
    %dma_start3A_6 = arith.constant 0 : i32
    %dma_start3A_7 = arith.constant 0 : i32
    %dma_start3A_8 = tpu.memref_slice %arg2[%dma_start3A_6, %dma_start3A_7] : memref<36864x768xf32, #tpu.memory_space<hbm>> -> memref<36864x768xf32, #tpu.memory_space<hbm>>
    tpu.enqueue_indirect_dma source(%dma_start3A_8 : memref<36864x768xf32, #tpu.memory_space<hbm>>) target(%arg6 : memref<72x768xf32, #tpu.memory_space<vmem>>) offsets(%dma_start3A_5 : memref<72xi32, #tpu.memory_space<vmem>>) semaphore(%arg8 : memref<!tpu.dma_semaphore, #tpu.memory_space<semaphore_mem>>)
    %dma_start3A_9 = arith.constant 1 : i32
    %dma_start3A_10 = arith.constant 0 : i32
    %dma_start3A_11 = tpu.memref_slice %arg5[%dma_start3A_9, %dma_start3A_10] : memref<16x72xi32, #tpu.memory_space<vmem>> -> memref<1x72xi32, #tpu.memory_space<vmem>>
    %dma_start3A_12 = tpu.memref_squeeze %dma_start3A_11 : memref<1x72xi32, #tpu.memory_space<vmem>> -> memref<72xi32, #tpu.memory_space<vmem>>
    %dma_start3A_13 = arith.constant 0 : i32
    %dma_start3A_14 = arith.constant 0 : i32
    %dma_start3A_15 = tpu.memref_slice %arg2[%dma_start3A_13, %dma_start3A_14] : memref<36864x768xf32, #tpu.memory_space<hbm>> -> memref<36864x768xf32, #tpu.memory_space<hbm>>
    tpu.enqueue_indirect_dma source(%dma_start3A_15 : memref<36864x768xf32, #tpu.memory_space<hbm>>) target(%arg7 : memref<72x768xf32, #tpu.memory_space<vmem>>) offsets(%dma_start3A_12 : memref<72xi32, #tpu.memory_space<vmem>>) semaphore(%arg9 : memref<!tpu.dma_semaphore, #tpu.memory_space<semaphore_mem>>)
    %dma_wait3A = arith.constant 0 : i32
    %dma_wait3A_16 = arith.constant 0 : i32
    %dma_wait3A_17 = tpu.memref_slice %arg5[%dma_wait3A, %dma_wait3A_16] : memref<16x72xi32, #tpu.memory_space<vmem>> -> memref<1x72xi32, #tpu.memory_space<vmem>>
    %dma_wait3A_18 = tpu.memref_squeeze %dma_wait3A_17 : memref<1x72xi32, #tpu.memory_space<vmem>> -> memref<72xi32, #tpu.memory_space<vmem>>
    %dma_wait3A_19 = arith.constant 0 : i32
    %dma_wait3A_20 = arith.constant 0 : i32
    %dma_wait3A_21 = tpu.memref_slice %arg2[%dma_wait3A_19, %dma_wait3A_20] : memref<36864x768xf32, #tpu.memory_space<hbm>> -> memref<36864x768xf32, #tpu.memory_space<hbm>>
    tpu.wait_indirect_dma semaphore(%arg8 : memref<!tpu.dma_semaphore, #tpu.memory_space<semaphore_mem>>) src(%dma_wait3A_21 : memref<36864x768xf32, #tpu.memory_space<hbm>>) dst(%arg6 : memref<72x768xf32, #tpu.memory_space<vmem>>)
    %add3A_22 = arith.constant 0 : i32
    %add3A_23 = arith.addi %mul3A_2, %add3A_22 : i32
    %dma_start3A_24 = arith.constant 0 : i32
    %dma_start3A_25 = tpu.memref_slice %arg4[%add3A_23, %dma_start3A_24] : memref<36864x768xf32, #tpu.memory_space<hbm>> -> memref<72x768xf32, #tpu.memory_space<hbm>>
    %dma_start3A_26 = arith.constant 0 : i32
    %dma_start3A_27 = tpu.memref_slice %arg4[%add3A_23, %dma_start3A_26] : memref<36864x768xf32, #tpu.memory_space<hbm>> -> memref<72x768xf32, #tpu.memory_space<hbm>>
    tpu.enqueue_dma source(%arg6 : memref<72x768xf32, #tpu.memory_space<vmem>>) target(%dma_start3A_27 : memref<72x768xf32, #tpu.memory_space<hbm>>) target_semaphore(%arg10 : memref<!tpu.dma_semaphore, #tpu.memory_space<semaphore_mem>>)
    %dma_wait3A_28 = arith.constant 0 : i32
    %dma_wait3A_29 = tpu.memref_slice %arg4[%add3A_23, %dma_wait3A_28] : memref<36864x768xf32, #tpu.memory_space<hbm>> -> memref<72x768xf32, #tpu.memory_space<hbm>>
    %dma_wait3A_30 = arith.constant 0 : i32
    %dma_wait3A_31 = tpu.memref_slice %arg4[%add3A_23, %dma_wait3A_30] : memref<36864x768xf32, #tpu.memory_space<hbm>> -> memref<72x768xf32, #tpu.memory_space<hbm>>
    tpu.wait_dma2 semaphore(%arg10 : memref<!tpu.dma_semaphore, #tpu.memory_space<semaphore_mem>>) src(%arg6 : memref<72x768xf32, #tpu.memory_space<vmem>>) dst(%dma_wait3A_31 : memref<72x768xf32, #tpu.memory_space<hbm>>)
    %dma_start3A_32 = arith.constant 2 : i32
    %dma_start3A_33 = arith.constant 0 : i32
    %dma_start3A_34 = tpu.memref_slice %arg5[%dma_start3A_32, %dma_start3A_33] : memref<16x72xi32, #tpu.memory_space<vmem>> -> memref<1x72xi32, #tpu.memory_space<vmem>>
    %dma_start3A_35 = tpu.memref_squeeze %dma_start3A_34 : memref<1x72xi32, #tpu.memory_space<vmem>> -> memref<72xi32, #tpu.memory_space<vmem>>
    %dma_start3A_36 = arith.constant 0 : i32
    %dma_start3A_37 = arith.constant 0 : i32
    %dma_start3A_38 = tpu.memref_slice %arg2[%dma_start3A_36, %dma_start3A_37] : memref<36864x768xf32, #tpu.memory_space<hbm>> -> memref<36864x768xf32, #tpu.memory_space<hbm>>
    tpu.enqueue_indirect_dma source(%dma_start3A_38 : memref<36864x768xf32, #tpu.memory_space<hbm>>) target(%arg6 : memref<72x768xf32, #tpu.memory_space<vmem>>) offsets(%dma_start3A_35 : memref<72xi32, #tpu.memory_space<vmem>>) semaphore(%arg8 : memref<!tpu.dma_semaphore, #tpu.memory_space<semaphore_mem>>)
    %dma_wait3A_39 = arith.constant 1 : i32
    %dma_wait3A_40 = arith.constant 0 : i32
    %dma_wait3A_41 = tpu.memref_slice %arg5[%dma_wait3A_39, %dma_wait3A_40] : memref<16x72xi32, #tpu.memory_space<vmem>> -> memref<1x72xi32, #tpu.memory_space<vmem>>
    %dma_wait3A_42 = tpu.memref_squeeze %dma_wait3A_41 : memref<1x72xi32, #tpu.memory_space<vmem>> -> memref<72xi32, #tpu.memory_space<vmem>>
    %dma_wait3A_43 = arith.constant 0 : i32
    %dma_wait3A_44 = arith.constant 0 : i32
    %dma_wait3A_45 = tpu.memref_slice %arg2[%dma_wait3A_43, %dma_wait3A_44] : memref<36864x768xf32, #tpu.memory_space<hbm>> -> memref<36864x768xf32, #tpu.memory_space<hbm>>
    tpu.wait_indirect_dma semaphore(%arg9 : memref<!tpu.dma_semaphore, #tpu.memory_space<semaphore_mem>>) src(%dma_wait3A_45 : memref<36864x768xf32, #tpu.memory_space<hbm>>) dst(%arg7 : memref<72x768xf32, #tpu.memory_space<vmem>>)
    %add3A_46 = arith.constant 72 : i32
    %add3A_47 = arith.addi %mul3A_2, %add3A_46 : i32
    %dma_start3A_48 = arith.constant 0 : i32
    %dma_start3A_49 = tpu.memref_slice %arg4[%add3A_47, %dma_start3A_48] : memref<36864x768xf32, #tpu.memory_space<hbm>> -> memref<72x768xf32, #tpu.memory_space<hbm>>
    %dma_start3A_50 = arith.constant 0 : i32
    %dma_start3A_51 = tpu.memref_slice %arg4[%add3A_47, %dma_start3A_50] : memref<36864x768xf32, #tpu.memory_space<hbm>> -> memref<72x768xf32, #tpu.memory_space<hbm>>
    tpu.enqueue_dma source(%arg7 : memref<72x768xf32, #tpu.memory_space<vmem>>) target(%dma_start3A_51 : memref<72x768xf32, #tpu.memory_space<hbm>>) target_semaphore(%arg11 : memref<!tpu.dma_semaphore, #tpu.memory_space<semaphore_mem>>)
    %dma_wait3A_52 = arith.constant 0 : i32
    %dma_wait3A_53 = tpu.memref_slice %arg4[%add3A_47, %dma_wait3A_52] : memref<36864x768xf32, #tpu.memory_space<hbm>> -> memref<72x768xf32, #tpu.memory_space<hbm>>
    %dma_wait3A_54 = arith.constant 0 : i32
    %dma_wait3A_55 = tpu.memref_slice %arg4[%add3A_47, %dma_wait3A_54] : memref<36864x768xf32, #tpu.memory_space<hbm>> -> memref<72x768xf32, #tpu.memory_space<hbm>>
    tpu.wait_dma2 semaphore(%arg11 : memref<!tpu.dma_semaphore, #tpu.memory_space<semaphore_mem>>) src(%arg7 : memref<72x768xf32, #tpu.memory_space<vmem>>) dst(%dma_wait3A_55 : memref<72x768xf32, #tpu.memory_space<hbm>>)
    %dma_start3A_56 = arith.constant 3 : i32
    %dma_start3A_57 = arith.constant 0 : i32
    %dma_start3A_58 = tpu.memref_slice %arg5[%dma_start3A_56, %dma_start3A_57] : memref<16x72xi32, #tpu.memory_space<vmem>> -> memref<1x72xi32, #tpu.memory_space<vmem>>
    %dma_start3A_59 = tpu.memref_squeeze %dma_start3A_58 : memref<1x72xi32, #tpu.memory_space<vmem>> -> memref<72xi32, #tpu.memory_space<vmem>>
    %dma_start3A_60 = arith.constant 0 : i32
    %dma_start3A_61 = arith.constant 0 : i32
    %dma_start3A_62 = tpu.memref_slice %arg2[%dma_start3A_60, %dma_start3A_61] : memref<36864x768xf32, #tpu.memory_space<hbm>> -> memref<36864x768xf32, #tpu.memory_space<hbm>>
    tpu.enqueue_indirect_dma source(%dma_start3A_62 : memref<36864x768xf32, #tpu.memory_space<hbm>>) target(%arg7 : memref<72x768xf32, #tpu.memory_space<vmem>>) offsets(%dma_start3A_59 : memref<72xi32, #tpu.memory_space<vmem>>) semaphore(%arg9 : memref<!tpu.dma_semaphore, #tpu.memory_space<semaphore_mem>>)
    %dma_wait3A_63 = arith.constant 2 : i32
    %dma_wait3A_64 = arith.constant 0 : i32
    %dma_wait3A_65 = tpu.memref_slice %arg5[%dma_wait3A_63, %dma_wait3A_64] : memref<16x72xi32, #tpu.memory_space<vmem>> -> memref<1x72xi32, #tpu.memory_space<vmem>>
    %dma_wait3A_66 = tpu.memref_squeeze %dma_wait3A_65 : memref<1x72xi32, #tpu.memory_space<vmem>> -> memref<72xi32, #tpu.memory_space<vmem>>
    %dma_wait3A_67 = arith.constant 0 : i32
    %dma_wait3A_68 = arith.constant 0 : i32
    %dma_wait3A_69 = tpu.memref_slice %arg2[%dma_wait3A_67, %dma_wait3A_68] : memref<36864x768xf32, #tpu.memory_space<hbm>> -> memref<36864x768xf32, #tpu.memory_space<hbm>>
    tpu.wait_indirect_dma semaphore(%arg8 : memref<!tpu.dma_semaphore, #tpu.memory_space<semaphore_mem>>) src(%dma_wait3A_69 : memref<36864x768xf32, #tpu.memory_space<hbm>>) dst(%arg6 : memref<72x768xf32, #tpu.memory_space<vmem>>)
    %add3A_70 = arith.constant 144 : i32
    %add3A_71 = arith.addi %mul3A_2, %add3A_70 : i32
    %dma_start3A_72 = arith.constant 0 : i32
    %dma_start3A_73 = tpu.memref_slice %arg4[%add3A_71, %dma_start3A_72] : memref<36864x768xf32, #tpu.memory_space<hbm>> -> memref<72x768xf32, #tpu.memory_space<hbm>>
    %dma_start3A_74 = arith.constant 0 : i32
    %dma_start3A_75 = tpu.memref_slice %arg4[%add3A_71, %dma_start3A_74] : memref<36864x768xf32, #tpu.memory_space<hbm>> -> memref<72x768xf32, #tpu.memory_space<hbm>>
    tpu.enqueue_dma source(%arg6 : memref<72x768xf32, #tpu.memory_space<vmem>>) target(%dma_start3A_75 : memref<72x768xf32, #tpu.memory_space<hbm>>) target_semaphore(%arg10 : memref<!tpu.dma_semaphore, #tpu.memory_space<semaphore_mem>>)
    %dma_wait3A_76 = arith.constant 0 : i32
    %dma_wait3A_77 = tpu.memref_slice %arg4[%add3A_71, %dma_wait3A_76] : memref<36864x768xf32, #tpu.memory_space<hbm>> -> memref<72x768xf32, #tpu.memory_space<hbm>>
    %dma_wait3A_78 = arith.constant 0 : i32
    %dma_wait3A_79 = tpu.memref_slice %arg4[%add3A_71, %dma_wait3A_78] : memref<36864x768xf32, #tpu.memory_space<hbm>> -> memref<72x768xf32, #tpu.memory_space<hbm>>
    tpu.wait_dma2 semaphore(%arg10 : memref<!tpu.dma_semaphore, #tpu.memory_space<semaphore_mem>>) src(%arg6 : memref<72x768xf32, #tpu.memory_space<vmem>>) dst(%dma_wait3A_79 : memref<72x768xf32, #tpu.memory_space<hbm>>)
    %dma_start3A_80 = arith.constant 4 : i32
    %dma_start3A_81 = arith.constant 0 : i32
    %dma_start3A_82 = tpu.memref_slice %arg5[%dma_start3A_80, %dma_start3A_81] : memref<16x72xi32, #tpu.memory_space<vmem>> -> memref<1x72xi32, #tpu.memory_space<vmem>>
    %dma_start3A_83 = tpu.memref_squeeze %dma_start3A_82 : memref<1x72xi32, #tpu.memory_space<vmem>> -> memref<72xi32, #tpu.memory_space<vmem>>
    %dma_start3A_84 = arith.constant 0 : i32
    %dma_start3A_85 = arith.constant 0 : i32
    %dma_start3A_86 = tpu.memref_slice %arg2[%dma_start3A_84, %dma_start3A_85] : memref<36864x768xf32, #tpu.memory_space<hbm>> -> memref<36864x768xf32, #tpu.memory_space<hbm>>
    tpu.enqueue_indirect_dma source(%dma_start3A_86 : memref<36864x768xf32, #tpu.memory_space<hbm>>) target(%arg6 : memref<72x768xf32, #tpu.memory_space<vmem>>) offsets(%dma_start3A_83 : memref<72xi32, #tpu.memory_space<vmem>>) semaphore(%arg8 : memref<!tpu.dma_semaphore, #tpu.memory_space<semaphore_mem>>)
    %dma_wait3A_87 = arith.constant 3 : i32
    %dma_wait3A_88 = arith.constant 0 : i32
    %dma_wait3A_89 = tpu.memref_slice %arg5[%dma_wait3A_87, %dma_wait3A_88] : memref<16x72xi32, #tpu.memory_space<vmem>> -> memref<1x72xi32, #tpu.memory_space<vmem>>
    %dma_wait3A_90 = tpu.memref_squeeze %dma_wait3A_89 : memref<1x72xi32, #tpu.memory_space<vmem>> -> memref<72xi32, #tpu.memory_space<vmem>>
    %dma_wait3A_91 = arith.constant 0 : i32
    %dma_wait3A_92 = arith.constant 0 : i32
    %dma_wait3A_93 = tpu.memref_slice %arg2[%dma_wait3A_91, %dma_wait3A_92] : memref<36864x768xf32, #tpu.memory_space<hbm>> -> memref<36864x768xf32, #tpu.memory_space<hbm>>
    tpu.wait_indirect_dma semaphore(%arg9 : memref<!tpu.dma_semaphore, #tpu.memory_space<semaphore_mem>>) src(%dma_wait3A_93 : memref<36864x768xf32, #tpu.memory_space<hbm>>) dst(%arg7 : memref<72x768xf32, #tpu.memory_space<vmem>>)
    %add3A_94 = arith.constant 216 : i32
    %add3A_95 = arith.addi %mul3A_2, %add3A_94 : i32
    %dma_start3A_96 = arith.constant 0 : i32
    %dma_start3A_97 = tpu.memref_slice %arg4[%add3A_95, %dma_start3A_96] : memref<36864x768xf32, #tpu.memory_space<hbm>> -> memref<72x768xf32, #tpu.memory_space<hbm>>
    %dma_start3A_98 = arith.constant 0 : i32
    %dma_start3A_99 = tpu.memref_slice %arg4[%add3A_95, %dma_start3A_98] : memref<36864x768xf32, #tpu.memory_space<hbm>> -> memref<72x768xf32, #tpu.memory_space<hbm>>
    tpu.enqueue_dma source(%arg7 : memref<72x768xf32, #tpu.memory_space<vmem>>) target(%dma_start3A_99 : memref<72x768xf32, #tpu.memory_space<hbm>>) target_semaphore(%arg11 : memref<!tpu.dma_semaphore, #tpu.memory_space<semaphore_mem>>)
    %dma_wait3A_100 = arith.constant 0 : i32
    %dma_wait3A_101 = tpu.memref_slice %arg4[%add3A_95, %dma_wait3A_100] : memref<36864x768xf32, #tpu.memory_space<hbm>> -> memref<72x768xf32, #tpu.memory_space<hbm>>
    %dma_wait3A_102 = arith.constant 0 : i32
    %dma_wait3A_103 = tpu.memref_slice %arg4[%add3A_95, %dma_wait3A_102] : memref<36864x768xf32, #tpu.memory_space<hbm>> -> memref<72x768xf32, #tpu.memory_space<hbm>>
    tpu.wait_dma2 semaphore(%arg11 : memref<!tpu.dma_semaphore, #tpu.memory_space<semaphore_mem>>) src(%arg7 : memref<72x768xf32, #tpu.memory_space<vmem>>) dst(%dma_wait3A_103 : memref<72x768xf32, #tpu.memory_space<hbm>>)
    %dma_start3A_104 = arith.constant 5 : i32
    %dma_start3A_105 = arith.constant 0 : i32
    %dma_start3A_106 = tpu.memref_slice %arg5[%dma_start3A_104, %dma_start3A_105] : memref<16x72xi32, #tpu.memory_space<vmem>> -> memref<1x72xi32, #tpu.memory_space<vmem>>
    %dma_start3A_107 = tpu.memref_squeeze %dma_start3A_106 : memref<1x72xi32, #tpu.memory_space<vmem>> -> memref<72xi32, #tpu.memory_space<vmem>>
    %dma_start3A_108 = arith.constant 0 : i32
    %dma_start3A_109 = arith.constant 0 : i32
    %dma_start3A_110 = tpu.memref_slice %arg2[%dma_start3A_108, %dma_start3A_109] : memref<36864x768xf32, #tpu.memory_space<hbm>> -> memref<36864x768xf32, #tpu.memory_space<hbm>>
    tpu.enqueue_indirect_dma source(%dma_start3A_110 : memref<36864x768xf32, #tpu.memory_space<hbm>>) target(%arg7 : memref<72x768xf32, #tpu.memory_space<vmem>>) offsets(%dma_start3A_107 : memref<72xi32, #tpu.memory_space<vmem>>) semaphore(%arg9 : memref<!tpu.dma_semaphore, #tpu.memory_space<semaphore_mem>>)
    %dma_wait3A_111 = arith.constant 4 : i32
    %dma_wait3A_112 = arith.constant 0 : i32
    %dma_wait3A_113 = tpu.memref_slice %arg5[%dma_wait3A_111, %dma_wait3A_112] : memref<16x72xi32, #tpu.memory_space<vmem>> -> memref<1x72xi32, #tpu.memory_space<vmem>>
    %dma_wait3A_114 = tpu.memref_squeeze %dma_wait3A_113 : memref<1x72xi32, #tpu.memory_space<vmem>> -> memref<72xi32, #tpu.memory_space<vmem>>
    %dma_wait3A_115 = arith.constant 0 : i32
    %dma_wait3A_116 = arith.constant 0 : i32
    %dma_wait3A_117 = tpu.memref_slice %arg2[%dma_wait3A_115, %dma_wait3A_116] : memref<36864x768xf32, #tpu.memory_space<hbm>> -> memref<36864x768xf32, #tpu.memory_space<hbm>>
    tpu.wait_indirect_dma semaphore(%arg8 : memref<!tpu.dma_semaphore, #tpu.memory_space<semaphore_mem>>) src(%dma_wait3A_117 : memref<36864x768xf32, #tpu.memory_space<hbm>>) dst(%arg6 : memref<72x768xf32, #tpu.memory_space<vmem>>)
    %add3A_118 = arith.constant 288 : i32
    %add3A_119 = arith.addi %mul3A_2, %add3A_118 : i32
    %dma_start3A_120 = arith.constant 0 : i32
    %dma_start3A_121 = tpu.memref_slice %arg4[%add3A_119, %dma_start3A_120] : memref<36864x768xf32, #tpu.memory_space<hbm>> -> memref<72x768xf32, #tpu.memory_space<hbm>>
    %dma_start3A_122 = arith.constant 0 : i32
    %dma_start3A_123 = tpu.memref_slice %arg4[%add3A_119, %dma_start3A_122] : memref<36864x768xf32, #tpu.memory_space<hbm>> -> memref<72x768xf32, #tpu.memory_space<hbm>>
    tpu.enqueue_dma source(%arg6 : memref<72x768xf32, #tpu.memory_space<vmem>>) target(%dma_start3A_123 : memref<72x768xf32, #tpu.memory_space<hbm>>) target_semaphore(%arg10 : memref<!tpu.dma_semaphore, #tpu.memory_space<semaphore_mem>>)
    %dma_wait3A_124 = arith.constant 0 : i32
    %dma_wait3A_125 = tpu.memref_slice %arg4[%add3A_119, %dma_wait3A_124] : memref<36864x768xf32, #tpu.memory_space<hbm>> -> memref<72x768xf32, #tpu.memory_space<hbm>>
    %dma_wait3A_126 = arith.constant 0 : i32
    %dma_wait3A_127 = tpu.memref_slice %arg4[%add3A_119, %dma_wait3A_126] : memref<36864x768xf32, #tpu.memory_space<hbm>> -> memref<72x768xf32, #tpu.memory_space<hbm>>
    tpu.wait_dma2 semaphore(%arg10 : memref<!tpu.dma_semaphore, #tpu.memory_space<semaphore_mem>>) src(%arg6 : memref<72x768xf32, #tpu.memory_space<vmem>>) dst(%dma_wait3A_127 : memref<72x768xf32, #tpu.memory_space<hbm>>)
    %dma_start3A_128 = arith.constant 6 : i32
    %dma_start3A_129 = arith.constant 0 : i32
    %dma_start3A_130 = tpu.memref_slice %arg5[%dma_start3A_128, %dma_start3A_129] : memref<16x72xi32, #tpu.memory_space<vmem>> -> memref<1x72xi32, #tpu.memory_space<vmem>>
    %dma_start3A_131 = tpu.memref_squeeze %dma_start3A_130 : memref<1x72xi32, #tpu.memory_space<vmem>> -> memref<72xi32, #tpu.memory_space<vmem>>
    %dma_start3A_132 = arith.constant 0 : i32
    %dma_start3A_133 = arith.constant 0 : i32
    %dma_start3A_134 = tpu.memref_slice %arg2[%dma_start3A_132, %dma_start3A_133] : memref<36864x768xf32, #tpu.memory_space<hbm>> -> memref<36864x768xf32, #tpu.memory_space<hbm>>
    tpu.enqueue_indirect_dma source(%dma_start3A_134 : memref<36864x768xf32, #tpu.memory_space<hbm>>) target(%arg6 : memref<72x768xf32, #tpu.memory_space<vmem>>) offsets(%dma_start3A_131 : memref<72xi32, #tpu.memory_space<vmem>>) semaphore(%arg8 : memref<!tpu.dma_semaphore, #tpu.memory_space<semaphore_mem>>)
    %dma_wait3A_135 = arith.constant 5 : i32
    %dma_wait3A_136 = arith.constant 0 : i32
    %dma_wait3A_137 = tpu.memref_slice %arg5[%dma_wait3A_135, %dma_wait3A_136] : memref<16x72xi32, #tpu.memory_space<vmem>> -> memref<1x72xi32, #tpu.memory_space<vmem>>
    %dma_wait3A_138 = tpu.memref_squeeze %dma_wait3A_137 : memref<1x72xi32, #tpu.memory_space<vmem>> -> memref<72xi32, #tpu.memory_space<vmem>>
    %dma_wait3A_139 = arith.constant 0 : i32
    %dma_wait3A_140 = arith.constant 0 : i32
    %dma_wait3A_141 = tpu.memref_slice %arg2[%dma_wait3A_139, %dma_wait3A_140] : memref<36864x768xf32, #tpu.memory_space<hbm>> -> memref<36864x768xf32, #tpu.memory_space<hbm>>
    tpu.wait_indirect_dma semaphore(%arg9 : memref<!tpu.dma_semaphore, #tpu.memory_space<semaphore_mem>>) src(%dma_wait3A_141 : memref<36864x768xf32, #tpu.memory_space<hbm>>) dst(%arg7 : memref<72x768xf32, #tpu.memory_space<vmem>>)
    %add3A_142 = arith.constant 360 : i32
    %add3A_143 = arith.addi %mul3A_2, %add3A_142 : i32
    %dma_start3A_144 = arith.constant 0 : i32
    %dma_start3A_145 = tpu.memref_slice %arg4[%add3A_143, %dma_start3A_144] : memref<36864x768xf32, #tpu.memory_space<hbm>> -> memref<72x768xf32, #tpu.memory_space<hbm>>
    %dma_start3A_146 = arith.constant 0 : i32
    %dma_start3A_147 = tpu.memref_slice %arg4[%add3A_143, %dma_start3A_146] : memref<36864x768xf32, #tpu.memory_space<hbm>> -> memref<72x768xf32, #tpu.memory_space<hbm>>
    tpu.enqueue_dma source(%arg7 : memref<72x768xf32, #tpu.memory_space<vmem>>) target(%dma_start3A_147 : memref<72x768xf32, #tpu.memory_space<hbm>>) target_semaphore(%arg11 : memref<!tpu.dma_semaphore, #tpu.memory_space<semaphore_mem>>)
    %dma_wait3A_148 = arith.constant 0 : i32
    %dma_wait3A_149 = tpu.memref_slice %arg4[%add3A_143, %dma_wait3A_148] : memref<36864x768xf32, #tpu.memory_space<hbm>> -> memref<72x768xf32, #tpu.memory_space<hbm>>
    %dma_wait3A_150 = arith.constant 0 : i32
    %dma_wait3A_151 = tpu.memref_slice %arg4[%add3A_143, %dma_wait3A_150] : memref<36864x768xf32, #tpu.memory_space<hbm>> -> memref<72x768xf32, #tpu.memory_space<hbm>>
    tpu.wait_dma2 semaphore(%arg11 : memref<!tpu.dma_semaphore, #tpu.memory_space<semaphore_mem>>) src(%arg7 : memref<72x768xf32, #tpu.memory_space<vmem>>) dst(%dma_wait3A_151 : memref<72x768xf32, #tpu.memory_space<hbm>>)
    %dma_start3A_152 = arith.constant 7 : i32
    %dma_start3A_153 = arith.constant 0 : i32
    %dma_start3A_154 = tpu.memref_slice %arg5[%dma_start3A_152, %dma_start3A_153] : memref<16x72xi32, #tpu.memory_space<vmem>> -> memref<1x72xi32, #tpu.memory_space<vmem>>
    %dma_start3A_155 = tpu.memref_squeeze %dma_start3A_154 : memref<1x72xi32, #tpu.memory_space<vmem>> -> memref<72xi32, #tpu.memory_space<vmem>>
    %dma_start3A_156 = arith.constant 0 : i32
    %dma_start3A_157 = arith.constant 0 : i32
    %dma_start3A_158 = tpu.memref_slice %arg2[%dma_start3A_156, %dma_start3A_157] : memref<36864x768xf32, #tpu.memory_space<hbm>> -> memref<36864x768xf32, #tpu.memory_space<hbm>>
    tpu.enqueue_indirect_dma source(%dma_start3A_158 : memref<36864x768xf32, #tpu.memory_space<hbm>>) target(%arg7 : memref<72x768xf32, #tpu.memory_space<vmem>>) offsets(%dma_start3A_155 : memref<72xi32, #tpu.memory_space<vmem>>) semaphore(%arg9 : memref<!tpu.dma_semaphore, #tpu.memory_space<semaphore_mem>>)
    %dma_wait3A_159 = arith.constant 6 : i32
    %dma_wait3A_160 = arith.constant 0 : i32
    %dma_wait3A_161 = tpu.memref_slice %arg5[%dma_wait3A_159, %dma_wait3A_160] : memref<16x72xi32, #tpu.memory_space<vmem>> -> memref<1x72xi32, #tpu.memory_space<vmem>>
    %dma_wait3A_162 = tpu.memref_squeeze %dma_wait3A_161 : memref<1x72xi32, #tpu.memory_space<vmem>> -> memref<72xi32, #tpu.memory_space<vmem>>
    %dma_wait3A_163 = arith.constant 0 : i32
    %dma_wait3A_164 = arith.constant 0 : i32
    %dma_wait3A_165 = tpu.memref_slice %arg2[%dma_wait3A_163, %dma_wait3A_164] : memref<36864x768xf32, #tpu.memory_space<hbm>> -> memref<36864x768xf32, #tpu.memory_space<hbm>>
    tpu.wait_indirect_dma semaphore(%arg8 : memref<!tpu.dma_semaphore, #tpu.memory_space<semaphore_mem>>) src(%dma_wait3A_165 : memref<36864x768xf32, #tpu.memory_space<hbm>>) dst(%arg6 : memref<72x768xf32, #tpu.memory_space<vmem>>)
    %add3A_166 = arith.constant 432 : i32
    %add3A_167 = arith.addi %mul3A_2, %add3A_166 : i32
    %dma_start3A_168 = arith.constant 0 : i32
    %dma_start3A_169 = tpu.memref_slice %arg4[%add3A_167, %dma_start3A_168] : memref<36864x768xf32, #tpu.memory_space<hbm>> -> memref<72x768xf32, #tpu.memory_space<hbm>>
    %dma_start3A_170 = arith.constant 0 : i32
    %dma_start3A_171 = tpu.memref_slice %arg4[%add3A_167, %dma_start3A_170] : memref<36864x768xf32, #tpu.memory_space<hbm>> -> memref<72x768xf32, #tpu.memory_space<hbm>>
    tpu.enqueue_dma source(%arg6 : memref<72x768xf32, #tpu.memory_space<vmem>>) target(%dma_start3A_171 : memref<72x768xf32, #tpu.memory_space<hbm>>) target_semaphore(%arg10 : memref<!tpu.dma_semaphore, #tpu.memory_space<semaphore_mem>>)
    %dma_wait3A_172 = arith.constant 0 : i32
    %dma_wait3A_173 = tpu.memref_slice %arg4[%add3A_167, %dma_wait3A_172] : memref<36864x768xf32, #tpu.memory_space<hbm>> -> memref<72x768xf32, #tpu.memory_space<hbm>>
    %dma_wait3A_174 = arith.constant 0 : i32
    %dma_wait3A_175 = tpu.memref_slice %arg4[%add3A_167, %dma_wait3A_174] : memref<36864x768xf32, #tpu.memory_space<hbm>> -> memref<72x768xf32, #tpu.memory_space<hbm>>
    tpu.wait_dma2 semaphore(%arg10 : memref<!tpu.dma_semaphore, #tpu.memory_space<semaphore_mem>>) src(%arg6 : memref<72x768xf32, #tpu.memory_space<vmem>>) dst(%dma_wait3A_175 : memref<72x768xf32, #tpu.memory_space<hbm>>)
    %dma_start3A_176 = arith.constant 8 : i32
    %dma_start3A_177 = arith.constant 0 : i32
    %dma_start3A_178 = tpu.memref_slice %arg5[%dma_start3A_176, %dma_start3A_177] : memref<16x72xi32, #tpu.memory_space<vmem>> -> memref<1x72xi32, #tpu.memory_space<vmem>>
    %dma_start3A_179 = tpu.memref_squeeze %dma_start3A_178 : memref<1x72xi32, #tpu.memory_space<vmem>> -> memref<72xi32, #tpu.memory_space<vmem>>
    %dma_start3A_180 = arith.constant 0 : i32
    %dma_start3A_181 = arith.constant 0 : i32
    %dma_start3A_182 = tpu.memref_slice %arg2[%dma_start3A_180, %dma_start3A_181] : memref<36864x768xf32, #tpu.memory_space<hbm>> -> memref<36864x768xf32, #tpu.memory_space<hbm>>
    tpu.enqueue_indirect_dma source(%dma_start3A_182 : memref<36864x768xf32, #tpu.memory_space<hbm>>) target(%arg6 : memref<72x768xf32, #tpu.memory_space<vmem>>) offsets(%dma_start3A_179 : memref<72xi32, #tpu.memory_space<vmem>>) semaphore(%arg8 : memref<!tpu.dma_semaphore, #tpu.memory_space<semaphore_mem>>)
    %dma_wait3A_183 = arith.constant 7 : i32
    %dma_wait3A_184 = arith.constant 0 : i32
    %dma_wait3A_185 = tpu.memref_slice %arg5[%dma_wait3A_183, %dma_wait3A_184] : memref<16x72xi32, #tpu.memory_space<vmem>> -> memref<1x72xi32, #tpu.memory_space<vmem>>
    %dma_wait3A_186 = tpu.memref_squeeze %dma_wait3A_185 : memref<1x72xi32, #tpu.memory_space<vmem>> -> memref<72xi32, #tpu.memory_space<vmem>>
    %dma_wait3A_187 = arith.constant 0 : i32
    %dma_wait3A_188 = arith.constant 0 : i32
    %dma_wait3A_189 = tpu.memref_slice %arg2[%dma_wait3A_187, %dma_wait3A_188] : memref<36864x768xf32, #tpu.memory_space<hbm>> -> memref<36864x768xf32, #tpu.memory_space<hbm>>
    tpu.wait_indirect_dma semaphore(%arg9 : memref<!tpu.dma_semaphore, #tpu.memory_space<semaphore_mem>>) src(%dma_wait3A_189 : memref<36864x768xf32, #tpu.memory_space<hbm>>) dst(%arg7 : memref<72x768xf32, #tpu.memory_space<vmem>>)
    %add3A_190 = arith.constant 504 : i32
    %add3A_191 = arith.addi %mul3A_2, %add3A_190 : i32
    %dma_start3A_192 = arith.constant 0 : i32
    %dma_start3A_193 = tpu.memref_slice %arg4[%add3A_191, %dma_start3A_192] : memref<36864x768xf32, #tpu.memory_space<hbm>> -> memref<72x768xf32, #tpu.memory_space<hbm>>
    %dma_start3A_194 = arith.constant 0 : i32
    %dma_start3A_195 = tpu.memref_slice %arg4[%add3A_191, %dma_start3A_194] : memref<36864x768xf32, #tpu.memory_space<hbm>> -> memref<72x768xf32, #tpu.memory_space<hbm>>
    tpu.enqueue_dma source(%arg7 : memref<72x768xf32, #tpu.memory_space<vmem>>) target(%dma_start3A_195 : memref<72x768xf32, #tpu.memory_space<hbm>>) target_semaphore(%arg11 : memref<!tpu.dma_semaphore, #tpu.memory_space<semaphore_mem>>)
    %dma_wait3A_196 = arith.constant 0 : i32
    %dma_wait3A_197 = tpu.memref_slice %arg4[%add3A_191, %dma_wait3A_196] : memref<36864x768xf32, #tpu.memory_space<hbm>> -> memref<72x768xf32, #tpu.memory_space<hbm>>
    %dma_wait3A_198 = arith.constant 0 : i32
    %dma_wait3A_199 = tpu.memref_slice %arg4[%add3A_191, %dma_wait3A_198] : memref<36864x768xf32, #tpu.memory_space<hbm>> -> memref<72x768xf32, #tpu.memory_space<hbm>>
    tpu.wait_dma2 semaphore(%arg11 : memref<!tpu.dma_semaphore, #tpu.memory_space<semaphore_mem>>) src(%arg7 : memref<72x768xf32, #tpu.memory_space<vmem>>) dst(%dma_wait3A_199 : memref<72x768xf32, #tpu.memory_space<hbm>>)
    %dma_start3A_200 = arith.constant 9 : i32
    %dma_start3A_201 = arith.constant 0 : i32
    %dma_start3A_202 = tpu.memref_slice %arg5[%dma_start3A_200, %dma_start3A_201] : memref<16x72xi32, #tpu.memory_space<vmem>> -> memref<1x72xi32, #tpu.memory_space<vmem>>
    %dma_start3A_203 = tpu.memref_squeeze %dma_start3A_202 : memref<1x72xi32, #tpu.memory_space<vmem>> -> memref<72xi32, #tpu.memory_space<vmem>>
    %dma_start3A_204 = arith.constant 0 : i32
    %dma_start3A_205 = arith.constant 0 : i32
    %dma_start3A_206 = tpu.memref_slice %arg2[%dma_start3A_204, %dma_start3A_205] : memref<36864x768xf32, #tpu.memory_space<hbm>> -> memref<36864x768xf32, #tpu.memory_space<hbm>>
    tpu.enqueue_indirect_dma source(%dma_start3A_206 : memref<36864x768xf32, #tpu.memory_space<hbm>>) target(%arg7 : memref<72x768xf32, #tpu.memory_space<vmem>>) offsets(%dma_start3A_203 : memref<72xi32, #tpu.memory_space<vmem>>) semaphore(%arg9 : memref<!tpu.dma_semaphore, #tpu.memory_space<semaphore_mem>>)
    %dma_wait3A_207 = arith.constant 8 : i32
    %dma_wait3A_208 = arith.constant 0 : i32
    %dma_wait3A_209 = tpu.memref_slice %arg5[%dma_wait3A_207, %dma_wait3A_208] : memref<16x72xi32, #tpu.memory_space<vmem>> -> memref<1x72xi32, #tpu.memory_space<vmem>>
    %dma_wait3A_210 = tpu.memref_squeeze %dma_wait3A_209 : memref<1x72xi32, #tpu.memory_space<vmem>> -> memref<72xi32, #tpu.memory_space<vmem>>
    %dma_wait3A_211 = arith.constant 0 : i32
    %dma_wait3A_212 = arith.constant 0 : i32
    %dma_wait3A_213 = tpu.memref_slice %arg2[%dma_wait3A_211, %dma_wait3A_212] : memref<36864x768xf32, #tpu.memory_space<hbm>> -> memref<36864x768xf32, #tpu.memory_space<hbm>>
    tpu.wait_indirect_dma semaphore(%arg8 : memref<!tpu.dma_semaphore, #tpu.memory_space<semaphore_mem>>) src(%dma_wait3A_213 : memref<36864x768xf32, #tpu.memory_space<hbm>>) dst(%arg6 : memref<72x768xf32, #tpu.memory_space<vmem>>)
    %add3A_214 = arith.constant 576 : i32
    %add3A_215 = arith.addi %mul3A_2, %add3A_214 : i32
    %dma_start3A_216 = arith.constant 0 : i32
    %dma_start3A_217 = tpu.memref_slice %arg4[%add3A_215, %dma_start3A_216] : memref<36864x768xf32, #tpu.memory_space<hbm>> -> memref<72x768xf32, #tpu.memory_space<hbm>>
    %dma_start3A_218 = arith.constant 0 : i32
    %dma_start3A_219 = tpu.memref_slice %arg4[%add3A_215, %dma_start3A_218] : memref<36864x768xf32, #tpu.memory_space<hbm>> -> memref<72x768xf32, #tpu.memory_space<hbm>>
    tpu.enqueue_dma source(%arg6 : memref<72x768xf32, #tpu.memory_space<vmem>>) target(%dma_start3A_219 : memref<72x768xf32, #tpu.memory_space<hbm>>) target_semaphore(%arg10 : memref<!tpu.dma_semaphore, #tpu.memory_space<semaphore_mem>>)
    %dma_wait3A_220 = arith.constant 0 : i32
    %dma_wait3A_221 = tpu.memref_slice %arg4[%add3A_215, %dma_wait3A_220] : memref<36864x768xf32, #tpu.memory_space<hbm>> -> memref<72x768xf32, #tpu.memory_space<hbm>>
    %dma_wait3A_222 = arith.constant 0 : i32
    %dma_wait3A_223 = tpu.memref_slice %arg4[%add3A_215, %dma_wait3A_222] : memref<36864x768xf32, #tpu.memory_space<hbm>> -> memref<72x768xf32, #tpu.memory_space<hbm>>
    tpu.wait_dma2 semaphore(%arg10 : memref<!tpu.dma_semaphore, #tpu.memory_space<semaphore_mem>>) src(%arg6 : memref<72x768xf32, #tpu.memory_space<vmem>>) dst(%dma_wait3A_223 : memref<72x768xf32, #tpu.memory_space<hbm>>)
    %dma_start3A_224 = arith.constant 10 : i32
    %dma_start3A_225 = arith.constant 0 : i32
    %dma_start3A_226 = tpu.memref_slice %arg5[%dma_start3A_224, %dma_start3A_225] : memref<16x72xi32, #tpu.memory_space<vmem>> -> memref<1x72xi32, #tpu.memory_space<vmem>>
    %dma_start3A_227 = tpu.memref_squeeze %dma_start3A_226 : memref<1x72xi32, #tpu.memory_space<vmem>> -> memref<72xi32, #tpu.memory_space<vmem>>
    %dma_start3A_228 = arith.constant 0 : i32
    %dma_start3A_229 = arith.constant 0 : i32
    %dma_start3A_230 = tpu.memref_slice %arg2[%dma_start3A_228, %dma_start3A_229] : memref<36864x768xf32, #tpu.memory_space<hbm>> -> memref<36864x768xf32, #tpu.memory_space<hbm>>
    tpu.enqueue_indirect_dma source(%dma_start3A_230 : memref<36864x768xf32, #tpu.memory_space<hbm>>) target(%arg6 : memref<72x768xf32, #tpu.memory_space<vmem>>) offsets(%dma_start3A_227 : memref<72xi32, #tpu.memory_space<vmem>>) semaphore(%arg8 : memref<!tpu.dma_semaphore, #tpu.memory_space<semaphore_mem>>)
    %dma_wait3A_231 = arith.constant 9 : i32
    %dma_wait3A_232 = arith.constant 0 : i32
    %dma_wait3A_233 = tpu.memref_slice %arg5[%dma_wait3A_231, %dma_wait3A_232] : memref<16x72xi32, #tpu.memory_space<vmem>> -> memref<1x72xi32, #tpu.memory_space<vmem>>
    %dma_wait3A_234 = tpu.memref_squeeze %dma_wait3A_233 : memref<1x72xi32, #tpu.memory_space<vmem>> -> memref<72xi32, #tpu.memory_space<vmem>>
    %dma_wait3A_235 = arith.constant 0 : i32
    %dma_wait3A_236 = arith.constant 0 : i32
    %dma_wait3A_237 = tpu.memref_slice %arg2[%dma_wait3A_235, %dma_wait3A_236] : memref<36864x768xf32, #tpu.memory_space<hbm>> -> memref<36864x768xf32, #tpu.memory_space<hbm>>
    tpu.wait_indirect_dma semaphore(%arg9 : memref<!tpu.dma_semaphore, #tpu.memory_space<semaphore_mem>>) src(%dma_wait3A_237 : memref<36864x768xf32, #tpu.memory_space<hbm>>) dst(%arg7 : memref<72x768xf32, #tpu.memory_space<vmem>>)
    %add3A_238 = arith.constant 648 : i32
    %add3A_239 = arith.addi %mul3A_2, %add3A_238 : i32
    %dma_start3A_240 = arith.constant 0 : i32
    %dma_start3A_241 = tpu.memref_slice %arg4[%add3A_239, %dma_start3A_240] : memref<36864x768xf32, #tpu.memory_space<hbm>> -> memref<72x768xf32, #tpu.memory_space<hbm>>
    %dma_start3A_242 = arith.constant 0 : i32
    %dma_start3A_243 = tpu.memref_slice %arg4[%add3A_239, %dma_start3A_242] : memref<36864x768xf32, #tpu.memory_space<hbm>> -> memref<72x768xf32, #tpu.memory_space<hbm>>
    tpu.enqueue_dma source(%arg7 : memref<72x768xf32, #tpu.memory_space<vmem>>) target(%dma_start3A_243 : memref<72x768xf32, #tpu.memory_space<hbm>>) target_semaphore(%arg11 : memref<!tpu.dma_semaphore, #tpu.memory_space<semaphore_mem>>)
    %dma_wait3A_244 = arith.constant 0 : i32
    %dma_wait3A_245 = tpu.memref_slice %arg4[%add3A_239, %dma_wait3A_244] : memref<36864x768xf32, #tpu.memory_space<hbm>> -> memref<72x768xf32, #tpu.memory_space<hbm>>
    %dma_wait3A_246 = arith.constant 0 : i32
    %dma_wait3A_247 = tpu.memref_slice %arg4[%add3A_239, %dma_wait3A_246] : memref<36864x768xf32, #tpu.memory_space<hbm>> -> memref<72x768xf32, #tpu.memory_space<hbm>>
    tpu.wait_dma2 semaphore(%arg11 : memref<!tpu.dma_semaphore, #tpu.memory_space<semaphore_mem>>) src(%arg7 : memref<72x768xf32, #tpu.memory_space<vmem>>) dst(%dma_wait3A_247 : memref<72x768xf32, #tpu.memory_space<hbm>>)
    %dma_start3A_248 = arith.constant 11 : i32
    %dma_start3A_249 = arith.constant 0 : i32
    %dma_start3A_250 = tpu.memref_slice %arg5[%dma_start3A_248, %dma_start3A_249] : memref<16x72xi32, #tpu.memory_space<vmem>> -> memref<1x72xi32, #tpu.memory_space<vmem>>
    %dma_start3A_251 = tpu.memref_squeeze %dma_start3A_250 : memref<1x72xi32, #tpu.memory_space<vmem>> -> memref<72xi32, #tpu.memory_space<vmem>>
    %dma_start3A_252 = arith.constant 0 : i32
    %dma_start3A_253 = arith.constant 0 : i32
    %dma_start3A_254 = tpu.memref_slice %arg2[%dma_start3A_252, %dma_start3A_253] : memref<36864x768xf32, #tpu.memory_space<hbm>> -> memref<36864x768xf32, #tpu.memory_space<hbm>>
    tpu.enqueue_indirect_dma source(%dma_start3A_254 : memref<36864x768xf32, #tpu.memory_space<hbm>>) target(%arg7 : memref<72x768xf32, #tpu.memory_space<vmem>>) offsets(%dma_start3A_251 : memref<72xi32, #tpu.memory_space<vmem>>) semaphore(%arg9 : memref<!tpu.dma_semaphore, #tpu.memory_space<semaphore_mem>>)
    %dma_wait3A_255 = arith.constant 10 : i32
    %dma_wait3A_256 = arith.constant 0 : i32
    %dma_wait3A_257 = tpu.memref_slice %arg5[%dma_wait3A_255, %dma_wait3A_256] : memref<16x72xi32, #tpu.memory_space<vmem>> -> memref<1x72xi32, #tpu.memory_space<vmem>>
    %dma_wait3A_258 = tpu.memref_squeeze %dma_wait3A_257 : memref<1x72xi32, #tpu.memory_space<vmem>> -> memref<72xi32, #tpu.memory_space<vmem>>
    %dma_wait3A_259 = arith.constant 0 : i32
    %dma_wait3A_260 = arith.constant 0 : i32
    %dma_wait3A_261 = tpu.memref_slice %arg2[%dma_wait3A_259, %dma_wait3A_260] : memref<36864x768xf32, #tpu.memory_space<hbm>> -> memref<36864x768xf32, #tpu.memory_space<hbm>>
    tpu.wait_indirect_dma semaphore(%arg8 : memref<!tpu.dma_semaphore, #tpu.memory_space<semaphore_mem>>) src(%dma_wait3A_261 : memref<36864x768xf32, #tpu.memory_space<hbm>>) dst(%arg6 : memref<72x768xf32, #tpu.memory_space<vmem>>)
    %add3A_262 = arith.constant 720 : i32
    %add3A_263 = arith.addi %mul3A_2, %add3A_262 : i32
    %dma_start3A_264 = arith.constant 0 : i32
    %dma_start3A_265 = tpu.memref_slice %arg4[%add3A_263, %dma_start3A_264] : memref<36864x768xf32, #tpu.memory_space<hbm>> -> memref<72x768xf32, #tpu.memory_space<hbm>>
    %dma_start3A_266 = arith.constant 0 : i32
    %dma_start3A_267 = tpu.memref_slice %arg4[%add3A_263, %dma_start3A_266] : memref<36864x768xf32, #tpu.memory_space<hbm>> -> memref<72x768xf32, #tpu.memory_space<hbm>>
    tpu.enqueue_dma source(%arg6 : memref<72x768xf32, #tpu.memory_space<vmem>>) target(%dma_start3A_267 : memref<72x768xf32, #tpu.memory_space<hbm>>) target_semaphore(%arg10 : memref<!tpu.dma_semaphore, #tpu.memory_space<semaphore_mem>>)
    %dma_wait3A_268 = arith.constant 0 : i32
    %dma_wait3A_269 = tpu.memref_slice %arg4[%add3A_263, %dma_wait3A_268] : memref<36864x768xf32, #tpu.memory_space<hbm>> -> memref<72x768xf32, #tpu.memory_space<hbm>>
    %dma_wait3A_270 = arith.constant 0 : i32
    %dma_wait3A_271 = tpu.memref_slice %arg4[%add3A_263, %dma_wait3A_270] : memref<36864x768xf32, #tpu.memory_space<hbm>> -> memref<72x768xf32, #tpu.memory_space<hbm>>
    tpu.wait_dma2 semaphore(%arg10 : memref<!tpu.dma_semaphore, #tpu.memory_space<semaphore_mem>>) src(%arg6 : memref<72x768xf32, #tpu.memory_space<vmem>>) dst(%dma_wait3A_271 : memref<72x768xf32, #tpu.memory_space<hbm>>)
    %dma_start3A_272 = arith.constant 12 : i32
    %dma_start3A_273 = arith.constant 0 : i32
    %dma_start3A_274 = tpu.memref_slice %arg5[%dma_start3A_272, %dma_start3A_273] : memref<16x72xi32, #tpu.memory_space<vmem>> -> memref<1x72xi32, #tpu.memory_space<vmem>>
    %dma_start3A_275 = tpu.memref_squeeze %dma_start3A_274 : memref<1x72xi32, #tpu.memory_space<vmem>> -> memref<72xi32, #tpu.memory_space<vmem>>
    %dma_start3A_276 = arith.constant 0 : i32
    %dma_start3A_277 = arith.constant 0 : i32
    %dma_start3A_278 = tpu.memref_slice %arg2[%dma_start3A_276, %dma_start3A_277] : memref<36864x768xf32, #tpu.memory_space<hbm>> -> memref<36864x768xf32, #tpu.memory_space<hbm>>
    tpu.enqueue_indirect_dma source(%dma_start3A_278 : memref<36864x768xf32, #tpu.memory_space<hbm>>) target(%arg6 : memref<72x768xf32, #tpu.memory_space<vmem>>) offsets(%dma_start3A_275 : memref<72xi32, #tpu.memory_space<vmem>>) semaphore(%arg8 : memref<!tpu.dma_semaphore, #tpu.memory_space<semaphore_mem>>)
    %dma_wait3A_279 = arith.constant 11 : i32
    %dma_wait3A_280 = arith.constant 0 : i32
    %dma_wait3A_281 = tpu.memref_slice %arg5[%dma_wait3A_279, %dma_wait3A_280] : memref<16x72xi32, #tpu.memory_space<vmem>> -> memref<1x72xi32, #tpu.memory_space<vmem>>
    %dma_wait3A_282 = tpu.memref_squeeze %dma_wait3A_281 : memref<1x72xi32, #tpu.memory_space<vmem>> -> memref<72xi32, #tpu.memory_space<vmem>>
    %dma_wait3A_283 = arith.constant 0 : i32
    %dma_wait3A_284 = arith.constant 0 : i32
    %dma_wait3A_285 = tpu.memref_slice %arg2[%dma_wait3A_283, %dma_wait3A_284] : memref<36864x768xf32, #tpu.memory_space<hbm>> -> memref<36864x768xf32, #tpu.memory_space<hbm>>
    tpu.wait_indirect_dma semaphore(%arg9 : memref<!tpu.dma_semaphore, #tpu.memory_space<semaphore_mem>>) src(%dma_wait3A_285 : memref<36864x768xf32, #tpu.memory_space<hbm>>) dst(%arg7 : memref<72x768xf32, #tpu.memory_space<vmem>>)
    %add3A_286 = arith.constant 792 : i32
    %add3A_287 = arith.addi %mul3A_2, %add3A_286 : i32
    %dma_start3A_288 = arith.constant 0 : i32
    %dma_start3A_289 = tpu.memref_slice %arg4[%add3A_287, %dma_start3A_288] : memref<36864x768xf32, #tpu.memory_space<hbm>> -> memref<72x768xf32, #tpu.memory_space<hbm>>
    %dma_start3A_290 = arith.constant 0 : i32
    %dma_start3A_291 = tpu.memref_slice %arg4[%add3A_287, %dma_start3A_290] : memref<36864x768xf32, #tpu.memory_space<hbm>> -> memref<72x768xf32, #tpu.memory_space<hbm>>
    tpu.enqueue_dma source(%arg7 : memref<72x768xf32, #tpu.memory_space<vmem>>) target(%dma_start3A_291 : memref<72x768xf32, #tpu.memory_space<hbm>>) target_semaphore(%arg11 : memref<!tpu.dma_semaphore, #tpu.memory_space<semaphore_mem>>)
    %dma_wait3A_292 = arith.constant 0 : i32
    %dma_wait3A_293 = tpu.memref_slice %arg4[%add3A_287, %dma_wait3A_292] : memref<36864x768xf32, #tpu.memory_space<hbm>> -> memref<72x768xf32, #tpu.memory_space<hbm>>
    %dma_wait3A_294 = arith.constant 0 : i32
    %dma_wait3A_295 = tpu.memref_slice %arg4[%add3A_287, %dma_wait3A_294] : memref<36864x768xf32, #tpu.memory_space<hbm>> -> memref<72x768xf32, #tpu.memory_space<hbm>>
    tpu.wait_dma2 semaphore(%arg11 : memref<!tpu.dma_semaphore, #tpu.memory_space<semaphore_mem>>) src(%arg7 : memref<72x768xf32, #tpu.memory_space<vmem>>) dst(%dma_wait3A_295 : memref<72x768xf32, #tpu.memory_space<hbm>>)
    %dma_start3A_296 = arith.constant 13 : i32
    %dma_start3A_297 = arith.constant 0 : i32
    %dma_start3A_298 = tpu.memref_slice %arg5[%dma_start3A_296, %dma_start3A_297] : memref<16x72xi32, #tpu.memory_space<vmem>> -> memref<1x72xi32, #tpu.memory_space<vmem>>
    %dma_start3A_299 = tpu.memref_squeeze %dma_start3A_298 : memref<1x72xi32, #tpu.memory_space<vmem>> -> memref<72xi32, #tpu.memory_space<vmem>>
    %dma_start3A_300 = arith.constant 0 : i32
    %dma_start3A_301 = arith.constant 0 : i32
    %dma_start3A_302 = tpu.memref_slice %arg2[%dma_start3A_300, %dma_start3A_301] : memref<36864x768xf32, #tpu.memory_space<hbm>> -> memref<36864x768xf32, #tpu.memory_space<hbm>>
    tpu.enqueue_indirect_dma source(%dma_start3A_302 : memref<36864x768xf32, #tpu.memory_space<hbm>>) target(%arg7 : memref<72x768xf32, #tpu.memory_space<vmem>>) offsets(%dma_start3A_299 : memref<72xi32, #tpu.memory_space<vmem>>) semaphore(%arg9 : memref<!tpu.dma_semaphore, #tpu.memory_space<semaphore_mem>>)
    %dma_wait3A_303 = arith.constant 12 : i32
    %dma_wait3A_304 = arith.constant 0 : i32
    %dma_wait3A_305 = tpu.memref_slice %arg5[%dma_wait3A_303, %dma_wait3A_304] : memref<16x72xi32, #tpu.memory_space<vmem>> -> memref<1x72xi32, #tpu.memory_space<vmem>>
    %dma_wait3A_306 = tpu.memref_squeeze %dma_wait3A_305 : memref<1x72xi32, #tpu.memory_space<vmem>> -> memref<72xi32, #tpu.memory_space<vmem>>
    %dma_wait3A_307 = arith.constant 0 : i32
    %dma_wait3A_308 = arith.constant 0 : i32
    %dma_wait3A_309 = tpu.memref_slice %arg2[%dma_wait3A_307, %dma_wait3A_308] : memref<36864x768xf32, #tpu.memory_space<hbm>> -> memref<36864x768xf32, #tpu.memory_space<hbm>>
    tpu.wait_indirect_dma semaphore(%arg8 : memref<!tpu.dma_semaphore, #tpu.memory_space<semaphore_mem>>) src(%dma_wait3A_309 : memref<36864x768xf32, #tpu.memory_space<hbm>>) dst(%arg6 : memref<72x768xf32, #tpu.memory_space<vmem>>)
    %add3A_310 = arith.constant 864 : i32
    %add3A_311 = arith.addi %mul3A_2, %add3A_310 : i32
    %dma_start3A_312 = arith.constant 0 : i32
    %dma_start3A_313 = tpu.memref_slice %arg4[%add3A_311, %dma_start3A_312] : memref<36864x768xf32, #tpu.memory_space<hbm>> -> memref<72x768xf32, #tpu.memory_space<hbm>>
    %dma_start3A_314 = arith.constant 0 : i32
    %dma_start3A_315 = tpu.memref_slice %arg4[%add3A_311, %dma_start3A_314] : memref<36864x768xf32, #tpu.memory_space<hbm>> -> memref<72x768xf32, #tpu.memory_space<hbm>>
    tpu.enqueue_dma source(%arg6 : memref<72x768xf32, #tpu.memory_space<vmem>>) target(%dma_start3A_315 : memref<72x768xf32, #tpu.memory_space<hbm>>) target_semaphore(%arg10 : memref<!tpu.dma_semaphore, #tpu.memory_space<semaphore_mem>>)
    %dma_wait3A_316 = arith.constant 0 : i32
    %dma_wait3A_317 = tpu.memref_slice %arg4[%add3A_311, %dma_wait3A_316] : memref<36864x768xf32, #tpu.memory_space<hbm>> -> memref<72x768xf32, #tpu.memory_space<hbm>>
    %dma_wait3A_318 = arith.constant 0 : i32
    %dma_wait3A_319 = tpu.memref_slice %arg4[%add3A_311, %dma_wait3A_318] : memref<36864x768xf32, #tpu.memory_space<hbm>> -> memref<72x768xf32, #tpu.memory_space<hbm>>
    tpu.wait_dma2 semaphore(%arg10 : memref<!tpu.dma_semaphore, #tpu.memory_space<semaphore_mem>>) src(%arg6 : memref<72x768xf32, #tpu.memory_space<vmem>>) dst(%dma_wait3A_319 : memref<72x768xf32, #tpu.memory_space<hbm>>)
    %dma_start3A_320 = arith.constant 14 : i32
    %dma_start3A_321 = arith.constant 0 : i32
    %dma_start3A_322 = tpu.memref_slice %arg5[%dma_start3A_320, %dma_start3A_321] : memref<16x72xi32, #tpu.memory_space<vmem>> -> memref<1x72xi32, #tpu.memory_space<vmem>>
    %dma_start3A_323 = tpu.memref_squeeze %dma_start3A_322 : memref<1x72xi32, #tpu.memory_space<vmem>> -> memref<72xi32, #tpu.memory_space<vmem>>
    %dma_start3A_324 = arith.constant 0 : i32
    %dma_start3A_325 = arith.constant 0 : i32
    %dma_start3A_326 = tpu.memref_slice %arg2[%dma_start3A_324, %dma_start3A_325] : memref<36864x768xf32, #tpu.memory_space<hbm>> -> memref<36864x768xf32, #tpu.memory_space<hbm>>
    tpu.enqueue_indirect_dma source(%dma_start3A_326 : memref<36864x768xf32, #tpu.memory_space<hbm>>) target(%arg6 : memref<72x768xf32, #tpu.memory_space<vmem>>) offsets(%dma_start3A_323 : memref<72xi32, #tpu.memory_space<vmem>>) semaphore(%arg8 : memref<!tpu.dma_semaphore, #tpu.memory_space<semaphore_mem>>)
    %dma_wait3A_327 = arith.constant 13 : i32
    %dma_wait3A_328 = arith.constant 0 : i32
    %dma_wait3A_329 = tpu.memref_slice %arg5[%dma_wait3A_327, %dma_wait3A_328] : memref<16x72xi32, #tpu.memory_space<vmem>> -> memref<1x72xi32, #tpu.memory_space<vmem>>
    %dma_wait3A_330 = tpu.memref_squeeze %dma_wait3A_329 : memref<1x72xi32, #tpu.memory_space<vmem>> -> memref<72xi32, #tpu.memory_space<vmem>>
    %dma_wait3A_331 = arith.constant 0 : i32
    %dma_wait3A_332 = arith.constant 0 : i32
    %dma_wait3A_333 = tpu.memref_slice %arg2[%dma_wait3A_331, %dma_wait3A_332] : memref<36864x768xf32, #tpu.memory_space<hbm>> -> memref<36864x768xf32, #tpu.memory_space<hbm>>
    tpu.wait_indirect_dma semaphore(%arg9 : memref<!tpu.dma_semaphore, #tpu.memory_space<semaphore_mem>>) src(%dma_wait3A_333 : memref<36864x768xf32, #tpu.memory_space<hbm>>) dst(%arg7 : memref<72x768xf32, #tpu.memory_space<vmem>>)
    %add3A_334 = arith.constant 936 : i32
    %add3A_335 = arith.addi %mul3A_2, %add3A_334 : i32
    %dma_start3A_336 = arith.constant 0 : i32
    %dma_start3A_337 = tpu.memref_slice %arg4[%add3A_335, %dma_start3A_336] : memref<36864x768xf32, #tpu.memory_space<hbm>> -> memref<72x768xf32, #tpu.memory_space<hbm>>
    %dma_start3A_338 = arith.constant 0 : i32
    %dma_start3A_339 = tpu.memref_slice %arg4[%add3A_335, %dma_start3A_338] : memref<36864x768xf32, #tpu.memory_space<hbm>> -> memref<72x768xf32, #tpu.memory_space<hbm>>
    tpu.enqueue_dma source(%arg7 : memref<72x768xf32, #tpu.memory_space<vmem>>) target(%dma_start3A_339 : memref<72x768xf32, #tpu.memory_space<hbm>>) target_semaphore(%arg11 : memref<!tpu.dma_semaphore, #tpu.memory_space<semaphore_mem>>)
    %dma_wait3A_340 = arith.constant 0 : i32
    %dma_wait3A_341 = tpu.memref_slice %arg4[%add3A_335, %dma_wait3A_340] : memref<36864x768xf32, #tpu.memory_space<hbm>> -> memref<72x768xf32, #tpu.memory_space<hbm>>
    %dma_wait3A_342 = arith.constant 0 : i32
    %dma_wait3A_343 = tpu.memref_slice %arg4[%add3A_335, %dma_wait3A_342] : memref<36864x768xf32, #tpu.memory_space<hbm>> -> memref<72x768xf32, #tpu.memory_space<hbm>>
    tpu.wait_dma2 semaphore(%arg11 : memref<!tpu.dma_semaphore, #tpu.memory_space<semaphore_mem>>) src(%arg7 : memref<72x768xf32, #tpu.memory_space<vmem>>) dst(%dma_wait3A_343 : memref<72x768xf32, #tpu.memory_space<hbm>>)
    %dma_start3A_344 = arith.constant 15 : i32
    %dma_start3A_345 = arith.constant 0 : i32
    %dma_start3A_346 = tpu.memref_slice %arg5[%dma_start3A_344, %dma_start3A_345] : memref<16x72xi32, #tpu.memory_space<vmem>> -> memref<1x72xi32, #tpu.memory_space<vmem>>
    %dma_start3A_347 = tpu.memref_squeeze %dma_start3A_346 : memref<1x72xi32, #tpu.memory_space<vmem>> -> memref<72xi32, #tpu.memory_space<vmem>>
    %dma_start3A_348 = arith.constant 0 : i32
    %dma_start3A_349 = arith.constant 0 : i32
    %dma_start3A_350 = tpu.memref_slice %arg2[%dma_start3A_348, %dma_start3A_349] : memref<36864x768xf32, #tpu.memory_space<hbm>> -> memref<36864x768xf32, #tpu.memory_space<hbm>>
    tpu.enqueue_indirect_dma source(%dma_start3A_350 : memref<36864x768xf32, #tpu.memory_space<hbm>>) target(%arg7 : memref<72x768xf32, #tpu.memory_space<vmem>>) offsets(%dma_start3A_347 : memref<72xi32, #tpu.memory_space<vmem>>) semaphore(%arg9 : memref<!tpu.dma_semaphore, #tpu.memory_space<semaphore_mem>>)
    %dma_wait3A_351 = arith.constant 14 : i32
    %dma_wait3A_352 = arith.constant 0 : i32
    %dma_wait3A_353 = tpu.memref_slice %arg5[%dma_wait3A_351, %dma_wait3A_352] : memref<16x72xi32, #tpu.memory_space<vmem>> -> memref<1x72xi32, #tpu.memory_space<vmem>>
    %dma_wait3A_354 = tpu.memref_squeeze %dma_wait3A_353 : memref<1x72xi32, #tpu.memory_space<vmem>> -> memref<72xi32, #tpu.memory_space<vmem>>
    %dma_wait3A_355 = arith.constant 0 : i32
    %dma_wait3A_356 = arith.constant 0 : i32
    %dma_wait3A_357 = tpu.memref_slice %arg2[%dma_wait3A_355, %dma_wait3A_356] : memref<36864x768xf32, #tpu.memory_space<hbm>> -> memref<36864x768xf32, #tpu.memory_space<hbm>>
    tpu.wait_indirect_dma semaphore(%arg8 : memref<!tpu.dma_semaphore, #tpu.memory_space<semaphore_mem>>) src(%dma_wait3A_357 : memref<36864x768xf32, #tpu.memory_space<hbm>>) dst(%arg6 : memref<72x768xf32, #tpu.memory_space<vmem>>)
    %add3A_358 = arith.constant 1008 : i32
    %add3A_359 = arith.addi %mul3A_2, %add3A_358 : i32
    %dma_start3A_360 = arith.constant 0 : i32
    %dma_start3A_361 = tpu.memref_slice %arg4[%add3A_359, %dma_start3A_360] : memref<36864x768xf32, #tpu.memory_space<hbm>> -> memref<72x768xf32, #tpu.memory_space<hbm>>
    %dma_start3A_362 = arith.constant 0 : i32
    %dma_start3A_363 = tpu.memref_slice %arg4[%add3A_359, %dma_start3A_362] : memref<36864x768xf32, #tpu.memory_space<hbm>> -> memref<72x768xf32, #tpu.memory_space<hbm>>
    tpu.enqueue_dma source(%arg6 : memref<72x768xf32, #tpu.memory_space<vmem>>) target(%dma_start3A_363 : memref<72x768xf32, #tpu.memory_space<hbm>>) target_semaphore(%arg10 : memref<!tpu.dma_semaphore, #tpu.memory_space<semaphore_mem>>)
    %dma_wait3A_364 = arith.constant 15 : i32
    %dma_wait3A_365 = arith.constant 0 : i32
    %dma_wait3A_366 = tpu.memref_slice %arg5[%dma_wait3A_364, %dma_wait3A_365] : memref<16x72xi32, #tpu.memory_space<vmem>> -> memref<1x72xi32, #tpu.memory_space<vmem>>
    %dma_wait3A_367 = tpu.memref_squeeze %dma_wait3A_366 : memref<1x72xi32, #tpu.memory_space<vmem>> -> memref<72xi32, #tpu.memory_space<vmem>>
    %dma_wait3A_368 = arith.constant 0 : i32
    %dma_wait3A_369 = arith.constant 0 : i32
    %dma_wait3A_370 = tpu.memref_slice %arg2[%dma_wait3A_368, %dma_wait3A_369] : memref<36864x768xf32, #tpu.memory_space<hbm>> -> memref<36864x768xf32, #tpu.memory_space<hbm>>
    tpu.wait_indirect_dma semaphore(%arg9 : memref<!tpu.dma_semaphore, #tpu.memory_space<semaphore_mem>>) src(%dma_wait3A_370 : memref<36864x768xf32, #tpu.memory_space<hbm>>) dst(%arg7 : memref<72x768xf32, #tpu.memory_space<vmem>>)
    %add3A_371 = arith.constant 1080 : i32
    %add3A_372 = arith.addi %mul3A_2, %add3A_371 : i32
    %dma_start3A_373 = arith.constant 0 : i32
    %dma_start3A_374 = tpu.memref_slice %arg4[%add3A_372, %dma_start3A_373] : memref<36864x768xf32, #tpu.memory_space<hbm>> -> memref<72x768xf32, #tpu.memory_space<hbm>>
    %dma_start3A_375 = arith.constant 0 : i32
    %dma_start3A_376 = tpu.memref_slice %arg4[%add3A_372, %dma_start3A_375] : memref<36864x768xf32, #tpu.memory_space<hbm>> -> memref<72x768xf32, #tpu.memory_space<hbm>>
    tpu.enqueue_dma source(%arg7 : memref<72x768xf32, #tpu.memory_space<vmem>>) target(%dma_start3A_376 : memref<72x768xf32, #tpu.memory_space<hbm>>) target_semaphore(%arg11 : memref<!tpu.dma_semaphore, #tpu.memory_space<semaphore_mem>>)
    %dma_wait3A_377 = arith.constant 0 : i32
    %dma_wait3A_378 = tpu.memref_slice %arg4[%add3A_359, %dma_wait3A_377] : memref<36864x768xf32, #tpu.memory_space<hbm>> -> memref<72x768xf32, #tpu.memory_space<hbm>>
    %dma_wait3A_379 = arith.constant 0 : i32
    %dma_wait3A_380 = tpu.memref_slice %arg4[%add3A_359, %dma_wait3A_379] : memref<36864x768xf32, #tpu.memory_space<hbm>> -> memref<72x768xf32, #tpu.memory_space<hbm>>
    tpu.wait_dma2 semaphore(%arg10 : memref<!tpu.dma_semaphore, #tpu.memory_space<semaphore_mem>>) src(%arg6 : memref<72x768xf32, #tpu.memory_space<vmem>>) dst(%dma_wait3A_380 : memref<72x768xf32, #tpu.memory_space<hbm>>)
    %dma_wait3A_381 = arith.constant 0 : i32
    %dma_wait3A_382 = tpu.memref_slice %arg4[%add3A_372, %dma_wait3A_381] : memref<36864x768xf32, #tpu.memory_space<hbm>> -> memref<72x768xf32, #tpu.memory_space<hbm>>
    %dma_wait3A_383 = arith.constant 0 : i32
    %dma_wait3A_384 = tpu.memref_slice %arg4[%add3A_372, %dma_wait3A_383] : memref<36864x768xf32, #tpu.memory_space<hbm>> -> memref<72x768xf32, #tpu.memory_space<hbm>>
    tpu.wait_dma2 semaphore(%arg11 : memref<!tpu.dma_semaphore, #tpu.memory_space<semaphore_mem>>) src(%arg7 : memref<72x768xf32, #tpu.memory_space<vmem>>) dst(%dma_wait3A_384 : memref<72x768xf32, #tpu.memory_space<hbm>>)
    return
  }
}

</mosaic_0001>

<sc_bundles>
// kernel: kernel.3.cloned.1.call-start
scs
__scs_entry_jumppad:
0x0: {  	(pc) =	sbr.rel $0x88, $3  }
0x1: {  	(tag) =	ssettag $0x0;
	lr =	simm.s32 $0x1  }
0x2: {  	[smem:$0x3FA0] =	sst lr;
	_ =	strace $0xD0000000  }
0x3: {  	_ = 	snop  }
0x4: {  	_ = 	snop  }
0x5: {  	_ = 	snop  }
0x6: {  	_ = 	snop  }
0x7: {  	_ = 	snop  }
__scs_overlays_trampoline_lowered:
0x8: {  	[smem:$0x3FAF] =	sst s0  }
0x9: {  	[smem:$0x3FB0] =	sst s1  }
0xa: {  	[smem:$0x3FB1] =	sst s2  }
0xb: {  	[smem:$0x3FB2] =	sst s3  }
0xc: {  	[smem:$0x3FB3] =	sst s4  }
0xd: {  	[smem:$0x3FB4] =	sst s5  }
0xe: {  	[smem:$0x3FB5] =	sst s6  }
0xf: {  	[smem:$0x3FB6] =	sst s7  }
0x10: {  	[smem:$0x3FB7] =	sst s8  }
0x11: {  	[smem:$0x3FB8] =	sst s9;
	s0 =	simm.s32 @!p0 $0x0  }
0x12: {  	s1 =	sld [smem:$0x3F9E];
	s0 =	simm.s32 @p0 $0x1  }
0x13: {  	[smem:$0x3FB9] =	sst s0;
	s0 =	simm.s32 @!p1 $0x0  }
0x14: {  	s2 =	sld [smem:$0x3F9D];
	s0 =	simm.s32 @p1 $0x1  }
0x15: {  	[smem:$0x3FBA] =	sst s0;
	s0 =	simm.s32 @!p2 $0x0  }
0x16: {  	s3 =	sld [smem:$0x3FDB];
	s0 =	simm.s32 @p2 $0x1  }
0x17: {  	s4 =	simm.s32 $0x1BF5;
	[smem:$0x3FBC] =	sst s0  }
0x18: {  	s0 =	sld [smem:$0x3F9F];
	_ =	swait.ge [sflag:s4], $0x0  }
0x19: {  	s7 =	sld [smem:$0x3FA0]  }
0x1a: {  	s8 =	sadd.s32 $0xFFFFE003, lr  }
0x1b: {  	s9 =	sadd.s32 $0xFFFFFEF7, lr;
	s5 =	simm.s32 $0xFFFFFFFF;
	p2 =	slt.u32 s8, $0xFFFFF086  }
0x1c: {  	p1 =	slt.u32 s9, $0xF7A;
	s5 =	simm.s32 @!p2 $0x0  }
0x1d: {  	s5 =	simm.s32 @p1 $0x1;
	p0 =	seq.s32 s7, s2  }
0x1e: {  	s7 =	smul.u32 @!p0 $0xF7A, s2;
	p2 =	seq.s32 @!p0 s5, $0x0  }
0x1f: {  	s9 =	smul.u32 $0xF7A, s1;
	s8 =	simm.s32 @!p0 $0x1BF5;
	p2 =	por !p2, p0  }
0x20: {  	[sflag:s8] =	ssyncset.s32 @!p0 $0xFFFFF086;
	s6 =	sadd.s32 @!p0 s3, s7;
	s7 =	simm.s32 @!p0 $0x108  }
0x21: {  	s3 =	sadd.s32 s3, s9;
	s6 =	sadd.s32 @!p0 $0x88, s6;
	s7 =	simm.s32 @p2 $0x1082  }
0x22: {  	[simem:s7], [sflag:s8] =	dma.local @!p0 [hbm:s6], $0xF7A  }
0x23: {  	s9 =	sor.u32 $0xD0000000, s2;
	s6 =	simm.s32 $0x108;
	_ =	swait.ge @!p0 [sflag:s8], $0x0  }
0x24: {  	s3 =	sadd.s32 $0x88, s3;
	s6 =	simm.s32 @!p1 $0x1082;
	[sflag:s4] =	ssyncset.s32 $0xFFFFF086  }
0x25: {  	[simem:s6], [sflag:s4] =	dma.local [hbm:s3], $0xF7A  }
0x26: {  	[smem:$0x3FA0] =	sst s1;
	(tag) =	ssettag s2;
	_ =	strace s9  }
0x27: {  	s1 =	sld [smem:$0x3FB0]  }
0x28: {  	s2 =	sld [smem:$0x3FB1]  }
0x29: {  	s4 =	sld [smem:$0x3FB3]  }
0x2a: {  	p0 =	seq.s32 s5, $0x0;
	s5 =	sld [smem:$0x3FB4]  }
0x2b: {  	s6 =	sld [smem:$0x3FB5]  }
0x2c: {  	s7 =	sld [smem:$0x3FB6]  }
0x2d: {  	s3 =	simm.s32 $0x108;
	s8 =	sld [smem:$0x3FB7]  }
0x2e: {  	s3 =	simm.s32 @!p0 $0x1082;
	s9 =	sld [smem:$0x3FB8]  }
0x2f: {  	lr =	sadd.s32 s0, s3;
	s0 =	sld [smem:$0x3FAF]  }
0x30: {  	s3 =	sld [smem:$0x3FB2]  }
0x31: {  	[smem:$0x3FBB] =	sst s10  }
0x32: {  	s10 =	sld [smem:$0x3FB9];
	_ =	sdelay $0x3  }
0x33: {  	p0 =	seq.s32 s10, $0x1;
	s10 =	sld [smem:$0x3FBB];
	_ =	sdelay $0x3  }
0x34: {  	[smem:$0x3FBB] =	sst s10  }
0x35: {  	s10 =	sld [smem:$0x3FBA];
	_ =	sdelay $0x3  }
0x36: {  	p1 =	seq.s32 s10, $0x1;
	s10 =	sld [smem:$0x3FBB];
	_ =	sdelay $0x3  }
0x37: {  	[smem:$0x3FBB] =	sst s10  }
0x38: {  	s10 =	sld [smem:$0x3FBC]  }
0x39: {  	_ = 	snop;
	(pc) =	sbr.ind lr, $3  }
0x3a: {  	_ = 	snop  }
0x3b: {  	_ = 	snop  }
0x3c: {  	p2 =	seq.s32 s10, $0x1;
	s10 =	sld [smem:$0x3FBB]  }
0x3d: {  	_ =	shalt  }
0x3e: {  	_ =	shalt  }
0x3f: {  	_ =	shalt  }
0x40: {  	_ =	shalt  }
0x41: {  	_ =	shalt  }
0x42: {  	_ =	shalt  }
0x43: {  	_ =	shalt  }
0x44: {  	_ =	shalt  }
0x45: {  	_ =	shalt  }
0x46: {  	_ =	shalt  }
0x47: {  	_ =	shalt  }
0x48: {  	_ =	shalt  }
0x49: {  	_ =	shalt  }
0x4a: {  	_ =	shalt  }
0x4b: {  	_ =	shalt  }
0x4c: {  	_ =	shalt  }
0x4d: {  	_ =	shalt  }
0x4e: {  	_ =	shalt  }
0x4f: {  	_ =	shalt  }
0x50: {  	_ =	shalt  }
0x51: {  	_ =	shalt  }
0x52: {  	_ =	shalt  }
0x53: {  	_ =	shalt  }
0x54: {  	_ =	shalt  }
0x55: {  	_ =	shalt  }
0x56: {  	_ =	shalt  }
0x57: {  	_ =	shalt  }
0x58: {  	_ =	shalt  }
0x59: {  	_ =	shalt  }
0x5a: {  	_ =	shalt  }
0x5b: {  	_ =	shalt  }
0x5c: {  	_ =	shalt  }
0x5d: {  	_ =	shalt  }
0x5e: {  	_ =	shalt  }
0x5f: {  	_ =	shalt  }
0x60: {  	_ =	shalt  }
0x61: {  	_ =	shalt  }
0x62: {  	_ =	shalt  }
0x63: {  	_ =	shalt  }
0x64: {  	_ =	shalt  }
0x65: {  	_ =	shalt  }
0x66: {  	_ =	shalt  }
0x67: {  	_ =	shalt  }
0x68: {  	_ =	shalt  }
0x69: {  	_ =	shalt  }
0x6a: {  	_ =	shalt  }
0x6b: {  	_ =	shalt  }
0x6c: {  	_ =	shalt  }
0x6d: {  	_ =	shalt  }
0x6e: {  	_ =	shalt  }
0x6f: {  	_ =	shalt  }
0x70: {  	_ =	shalt  }
0x71: {  	_ =	shalt  }
0x72: {  	_ =	shalt  }
0x73: {  	_ =	shalt  }
0x74: {  	_ =	shalt  }
0x75: {  	_ =	shalt  }
0x76: {  	_ =	shalt  }
0x77: {  	_ =	shalt  }
0x78: {  	_ =	shalt  }
0x79: {  	_ =	shalt  }
0x7a: {  	_ =	shalt  }
0x7b: {  	_ =	shalt  }
0x7c: {  	_ =	shalt  }
0x7d: {  	_ =	shalt  }
0x7e: {  	_ =	shalt  }
0x7f: {  	_ =	shalt  }
0x80: {  	_ =	shalt  }
0x81: {  	_ =	shalt  }
0x82: {  	_ =	shalt  }
0x83: {  	_ =	shalt  }
0x84: {  	_ =	shalt  }
0x85: {  	_ =	shalt  }
0x86: {  	_ =	shalt  }
0x87: {  	_ =	shalt  }
.Lfunc_end0:
.L_simem_size_0:
called_computation_lowered:
.L_overlay_start_0:
0x88: {  	s2 =	sld [smem:$0x3FD9]  }
0x89: {  	s3 =	sld [smem:$0x3FFE];
	_ =	sdelay $0x1  }
0x8a: {  	s1 =	srdreg.scid  }
0x8b: {  	s0 =	sand.u32 $0x1, s1  }
0x8c: {  	s14 =	sshll.u32 s0, $0xA;
	s2 =	sadd.s32 s3, s2  }
0x8d: {  	s2 =	sadd.s32 s2, s14  }
0x8e: {  	[smem:$0x3FC7] =	sst s2  }
0x8f: {  	_ = 	snop  }
0x90: {  	s2 =	sld [smem:$0x3FD0];
	_ =	sdelay $0x2  }
0x91: {  	s4 =	simm.s32 $0xA;
	s5 =	simm.s32 $0x10;
	s15 =	sld [smem:$0x3FC9]  }
0x92: {  	[smem:s5], [sflag:s4] =	dma.local [hbm:s2], $0x1  }
0x93: {  	_ =	swait.eq [sflag:s4], $0x1  }
0x94: {  	[sflag:s4] =	ssyncset.done $0x0  }
0x95: {  	[sflag:s4] =	ssyncadd.s32 $0xFFFFFFFF  }
0x96: {  	s16 =	sld [smem:$0x10];
	(tm) =	ssettm $0x1  }
0x97: {  	s17 =	sld [smem:$0x3FFB];
	_ =	sdelay $0x3  }
0x98: {  	_ =	strace s17  }
0x99: {  	s4 =	sld [smem:$0x3FFC];
	_ =	sdelay $0x3  }
0x9a: {  	_ =	strace s4  }
0x9b: {  	s4 =	sld [smem:$0x3FFD];
	_ =	sdelay $0x3  }
0x9c: {  	_ =	strace s4  }
0x9d: {  	_ =	strace $0x8FFFFFFF  }
0x9e: {  	s18 =	sld [smem:$0x3FDB];
	_ =	sdelay $0x1  }
0x9f: {  	s19 =	simm.s32 $_scs_section_size  }
0xa0: {  	s6 =	simm.s32 $_size__tile_overlayer_lowered;
	s7 =	simm.s32 $_tile_overlayer_lowered  }
0xa1: {  	s22 =	simm.s32 $0x1BFF;
	s21 =	sshll.u32 s7, $0x1;
	s4 =	sadd.s32 s19, s18  }
0xa2: {  	s8 =	simm.s32 $0x0;
	s20 =	sshll.u32 s6, $0x1;
	s6 =	sadd.s32 s21, s4  }
0xa3: {  	[timem:s8], [sflag:s22] =	dma.local [hbm:s6], s20  }
0xa4: {  	_ =	swait.ge [sflag:s22], s20  }
0xa5: {  	s5 =	ssub.s32 $0x0, s20;
	[sflag:s22] =	ssyncset.done $0x0  }
0xa6: {  	[sflag:s22] =	ssyncadd.s32 s5;
	_ =	sdelay $0x1  }
0xa7: {  	s23 =	simm.s32 $0x1B8B  }
0xa8: {  	_ =	swait.ge [sflag:s23], $0x1  }
0xa9: {  	[sflag:s23] =	ssyncset.done $0x0  }
0xaa: {  	s25 =	simm.s32 $0x1B8E;
	s24 =	sld [smem:$0x3FFE];
	[sflag:s23] =	ssyncadd.s32 $0xFFFFFFFF  }
0xab: {  	s26 =	simm.s32 $execute0_lowered;
	[smem:$0x3FD2] =	sst s25  }
0xac: {  	s6 =	sshll.u32 s26, $0x1;
	_ =	strace $0x80000046;
	[dreg:$0x1] =	wrdreg $0xFFFFFFFF  }
0xad: {  	s28 =	simm.s32 $_size_execute0_lowered;
	s4 =	sadd.s32 s4, s6;
	[dreg:$0x0] =	wrdreg $0x0  }
0xae: {  	s6 =	sshll.u32 s28, $0x1;
	[dreg:$0x2] =	wrdreg s4  }
0xaf: {  	[dreg:$0x3] =	wrdreg s6  }
0xb0: {  	[dreg:$0x4] =	wrdreg $0xC0  }
0xb1: {  	_ =	task [dreg:s8], $0x5FFFF  }
0xb2: {  	[dreg:$0x1] =	wrdreg $0xFFFFFFFF  }
0xb3: {  	[dreg:$0x0] =	wrdreg $0x60  }
0xb4: {  	[dreg:$0x2] =	wrdreg s15  }
0xb5: {  	[dreg:$0x3] =	wrdreg s24  }
0xb6: {  	[dreg:$0x4] =	wrdreg s16  }
0xb7: {  	[dreg:$0x5] =	wrdreg $0x9  }
0xb8: {  	_ =	task.clear_ibuf [dreg:s8], $0x6FFFF;
	_ =	strace $0x90000046  }
0xb9: {  	s29 =	simm.s32 $0x9;
	_ =	strace $0x80000048  }
0xba: {  	_ =	swait.ge [sflag:s29], $0x1  }
0xbb: {  	[sflag:s29] =	ssyncadd.s32 $0xFFFFFFFF  }
0xbc: {  	_ =	strace $0x90000048  }
0xbd: {  	_ =	sfence  }
0xbe: {  	s30 =	sld [smem:$0x0];
	_ =	sdelay $0x2  }
0xbf: {  	s31 =	sshll.u32 s1, $0xD;
	s1 =	sshrl.u32 s1, $0x2  }
0xc0: {  	s3 =	sand.u32 $0x4000, s31;
	s1 =	sadd.s32 s1, s30  }
0xc1: {  	s0 =	sor.u32 s3, s0;
	s1 =	sshll.u32 s1, $0x11  }
0xc2: {  	s0 =	sor.u32 s1, s0  }
0xc3: {  	s0 =	sadd.s32 $0x8F2B, s0  }
0xc4: {  	[sflag:s0] =	ssyncadd.remote.s32 $0x1  }
0xc5: {  	_ =	sfence.sel $0xFFFF  }
0xc6: {  	[dreg:$0x0] =	wrdreg $0xFFFFFFFF;
	(pc) =	sbr.abs _section_cstart, $3  }
0xc7: {  	[dreg:$0x1] =	wrdreg $0xFFFFFFFF  }
0xc8: {  	_ =	task.clear_ibuf [dreg:s8], $0x2FFFF;
	_ =	strace $0x9FFFFFFF  }
0xc9: {  	(tm) =	ssettm $0x7FFFFFFF  }
tec
execute0_lowered:
.L_overlay_start_1:
0x0: {  	(tag) =	ssettag $0x1  }
0x1: {  	s0 =	srdreg.scid  }
0x2: {  	s3 =	stileid.u32;
	s1 =	rddreg [dreg:$0x0]  }
0x3: {  	s4 =	rddreg [dreg:$0x1];
	s2 =	sand.u32 $0x1, s0;
	s26 =	sshll.u32 s3, $0x1  }
0x4: {  	s0 =	rddreg [dreg:$0x2];
	s5 =	sor.u32 s2, s26  }
0x5: {  	s3 =	simm.s32 $0x0;
	s6 =	smul.u32 $0x480, s5;
	s5 =	sshll.u32 s5, $0x8  }
0x6: {  	[smem:$0x7FF] =	sst s3;
	s2 =	ssub.s32 $0x2, s2;
	s4 =	sadd.s32 s5, s4  }
0x7: {  	_ =	strace $0x80000047;
	s7 =	sshrl.u32 s6, $0x3;
	s4 =	sadd.s32 $0x800, s4  }
0x8: {  	s8 =	sadd.s32 $0xD8, s6;
	s10 =	sadd.s32 $0x168, s6;
	s13 =	sadd.s32 $0x1F8, s6  }
0x9: {  	s15 =	sadd.s32 $0x288, s6;
	s21 =	sadd.s32 $0x318, s6;
	s28 =	smul.u32 $0x1800, s7  }
0xa: {  	s24 =	sadd.s32 $0x3A8, s6;
	s6 =	sadd.s32 $0x438, s6;
	s7 =	smul.u32 $0x300, s7  }
0xb: {  	[dreg:$0x4] =	wrdreg s4;
	s30 =	sshrl.u32 s8, $0x3;
	s11 =	sshrl.u32 s10, $0x3  }
0xc: {  	s14 =	sshrl.u32 s13, $0x3;
	s22 =	sshrl.u32 s21, $0x3;
	s25 =	sshrl.u32 s24, $0x3  }
0xd: {  	s6 =	sshrl.u32 s6, $0x3;
	s5 =	sshrl.u32 s28, $0x3;
	s31 =	sadd.s32 s0, s7  }
0xe: {  	s29 =	sadd.s32 s0, s5;
	s7 =	sadd.s32 $0x3600, s31;
	[dreg:$0x14] =	wrdreg s31  }
0xf: {  	s5 =	smul.u32 $0x300, s30;
	s12 =	sadd.s32 $0x6C00, s31;
	[dreg:$0x6] =	wrdreg s7  }
0x10: {  	s16 =	sadd.s32 $0xA200, s31;
	s19 =	sadd.s32 $0xD800, s31;
	[dreg:$0x8] =	wrdreg s12  }
0x11: {  	s23 =	sadd.s32 $0x10E00, s31;
	s26 =	sadd.s32 $0x14400, s31;
	[dreg:$0xa] =	wrdreg s16  }
0x12: {  	s30 =	sshrl.u32 s2, $0x1;
	s31 =	sadd.s32 $0x17A00, s31;
	[dreg:$0xc] =	wrdreg s19  }
0x13: {  	s4 =	sadd.s32 $0x1B00, s29;
	s7 =	sshrl.u32 s15, $0x3;
	[dreg:$0xe] =	wrdreg s23  }
0x14: {  	[dreg:$0x10] =	wrdreg s26;
	s29 =	smul.u32 $0x300, s6;
	s2 =	ssub.s32 s2, s30  }
0x15: {  	[dreg:$0x12] =	wrdreg s31;
	s6 =	sadd.s32 $0x200, s1;
	s23 =	simm.s32 $0x800  }
0x16: {  	s15 =	simm.s32 $0x3;
	[dreg:$0x5] =	wrdreg s4;
	s4 =	smul.u32 $0x300, s11  }
0x17: {  	s16 =	simm.s32 $0x2;
	s9 =	sadd.s32 s0, s5;
	s5 =	smul.u32 $0x300, s14  }
0x18: {  	s18 =	smul.u32 $0x300, s7;
	[dreg:$0x7] =	wrdreg s9;
	s4 =	sadd.s32 s0, s4  }
0x19: {  	s17 =	sadd.s32 s0, s5;
	s5 =	smul.u32 $0x300, s25;
	[dreg:$0x9] =	wrdreg s4  }
0x1a: {  	s20 =	sadd.s32 s0, s18;
	[dreg:$0xb] =	wrdreg s17;
	s4 =	smul.u32 $0x300, s22  }
0x1b: {  	s11 =	simm.s32 $0xE000;
	[dreg:$0xd] =	wrdreg s20;
	s28 =	sadd.s32 s0, s5  }
0x1c: {  	v2 =	vlaneseq.u32;
	s14 =	simm.s32 $0x1;
	s4 =	sadd.s32 s0, s4;
	[dreg:$0x11] =	wrdreg s28  }
0x1d: {  	vm0 =	vmmov $0xffff;
	v1 =	vshrl.u32 v2, $0x3;
	s17 =	simm.s32 $0x4;
	s0 =	sadd.s32 s0, s29;
	[dreg:$0xf] =	wrdreg s4  }
0x1e: {  	v0 =	vand.u32 $0x7, v2;
	v2 =	vor.u32 $0x8, v2;
	v1 =	vmul.u32 $0x8, v1;
	s5 =	sadd.s32 $0x100, s1;
	[dreg:$0x13] =	wrdreg s0;
	s0 =	smax.u32 s2, $0x1  }
.LBB2_1:
0x1f: {  	[dreg:$0x15] =	wrdreg s0  }
0x20: {  	s18 =	rddreg [dreg:$0x4];
	s2 =	simm.s32 $0x5  }
0x21: {  	[tilespmem:s3], [sflag:$0x5] =	stream.linear.gather [hbm4b:s18+s3], $0x800, $0x38;
	[tilespmem:$0x1B800] =	vst v63  }
0x22: {  	_ =	swait.ge [sflag:s2], $0x800  }
0x23: {  	[sflag:s2] =	ssyncset.done $0x0  }
0x24: {  	[sflag:s2] =	ssyncadd.s32 $0xFFFFF800  }
0x25: {  	v3 =	vld [tilespmem:$0x0];
	_ =	sdelay $0x4  }
0x26: {  	v4 =	vshrl.u32 v3, $0x3  }
0x27: {  	v4 =	vmul.u32 $0x30, v4  }
0x28: {  	v3 =	vand.u32 $0x7, v3  }
0x29: {  	v3 =	vor.u32 v3, v4  }
0x2a: {  	v4 =	vperm.xlane v3, v0;
	_ =	sdelay $0x1  }
0x2b: {  	v4 =	vadd.s32 v1, v4;
	_ =	sdelay $0x3  }
0x2c: {  	v3 =	vperm.xlane v3, v2  }
0x2d: {  	[tilespmem:s23], [sflag:$0x1] =	stream.indirect_vreg.gather [hbm4b:s1+s3], $0x80, v4, vm0, $0xb8;
	[tilespmem:$0x1B800] =	vst v63  }
0x2e: {  	s4 =	simm.s32 $0x1000;
	v3 =	vadd.s32 v1, v3  }
0x2f: {  	[tilespmem:s4], [sflag:$0x1] =	stream.indirect_vreg.gather [hbm4b:s5+s3], $0x80, v4, vm0, $0xb8;
	[tilespmem:$0x1B800] =	vst v63  }
0x30: {  	s7 =	simm.s32 $0x1800  }
0x31: {  	[tilespmem:s7], [sflag:$0x1] =	stream.indirect_vreg.gather [hbm4b:s6+s3], $0x80, v4, vm0, $0xb8;
	[tilespmem:$0x1B800] =	vst v63  }
0x32: {  	s8 =	simm.s32 $0x2000  }
0x33: {  	[tilespmem:s8], [sflag:$0x1] =	stream.indirect_vreg.gather [hbm4b:s1+s3], $0x80, v3, vm0, $0xb8;
	[tilespmem:$0x1B800] =	vst v63  }
0x34: {  	s9 =	simm.s32 $0x2800  }
0x35: {  	[tilespmem:s9], [sflag:$0x1] =	stream.indirect_vreg.gather [hbm4b:s5+s3], $0x80, v3, vm0, $0xb8;
	[tilespmem:$0x1B800] =	vst v63  }
0x36: {  	s10 =	simm.s32 $0x3000  }
0x37: {  	[tilespmem:s10], [sflag:$0x1] =	stream.indirect_vreg.gather [hbm4b:s6+s3], $0x80, v3, vm0, $0xb8;
	[tilespmem:$0x1B800] =	vst v63  }
0x38: {  	v3 =	vld [tilespmem:$0x10];
	_ =	sdelay $0x4  }
0x39: {  	v41 =	vshrl.u32 v3, $0x3  }
0x3a: {  	v4 =	vmul.u32 $0x30, v41  }
0x3b: {  	v3 =	vand.u32 $0x7, v3  }
0x3c: {  	v3 =	vor.u32 v3, v4  }
0x3d: {  	v4 =	vperm.xlane v3, v0;
	_ =	sdelay $0x1  }
0x3e: {  	v4 =	vadd.s32 v1, v4;
	_ =	sdelay $0x3  }
0x3f: {  	s12 =	simm.s32 $0x3800;
	v3 =	vperm.xlane v3, v2  }
0x40: {  	[tilespmem:s12], [sflag:$0x1] =	stream.indirect_vreg.gather [hbm4b:s1+s3], $0x80, v4, vm0, $0xb8;
	[tilespmem:$0x1B800] =	vst v63  }
0x41: {  	s13 =	simm.s32 $0x4000;
	v3 =	vadd.s32 v1, v3  }
0x42: {  	[tilespmem:s13], [sflag:$0x1] =	stream.indirect_vreg.gather [hbm4b:s5+s3], $0x80, v4, vm0, $0xb8;
	[tilespmem:$0x1B800] =	vst v63  }
0x43: {  	s18 =	simm.s32 $0x4800  }
0x44: {  	[tilespmem:s18], [sflag:$0x1] =	stream.indirect_vreg.gather [hbm4b:s6+s3], $0x80, v4, vm0, $0xb8;
	[tilespmem:$0x1B800] =	vst v63  }
0x45: {  	s19 =	simm.s32 $0x5000  }
0x46: {  	[tilespmem:s19], [sflag:$0x1] =	stream.indirect_vreg.gather [hbm4b:s1+s3], $0x80, v3, vm0, $0xb8;
	[tilespmem:$0x1B800] =	vst v63  }
0x47: {  	s20 =	simm.s32 $0x5800  }
0x48: {  	[tilespmem:s20], [sflag:$0x1] =	stream.indirect_vreg.gather [hbm4b:s5+s3], $0x80, v3, vm0, $0xb8;
	[tilespmem:$0x1B800] =	vst v63  }
0x49: {  	s21 =	simm.s32 $0x6000  }
0x4a: {  	[tilespmem:s21], [sflag:$0x1] =	stream.indirect_vreg.gather [hbm4b:s6+s3], $0x80, v3, vm0, $0xb8;
	[tilespmem:$0x1B800] =	vst v63  }
0x4b: {  	v3 =	vld [tilespmem:$0x20];
	_ =	sdelay $0x4  }
0x4c: {  	v42 =	vshrl.u32 v3, $0x3  }
0x4d: {  	v4 =	vmul.u32 $0x30, v42  }
0x4e: {  	v3 =	vand.u32 $0x7, v3  }
0x4f: {  	v3 =	vor.u32 v3, v4  }
0x50: {  	v4 =	vperm.xlane v3, v0;
	_ =	sdelay $0x1  }
0x51: {  	v4 =	vadd.s32 v1, v4;
	_ =	sdelay $0x3  }
0x52: {  	s22 =	simm.s32 $0x6800;
	v3 =	vperm.xlane v3, v2  }
0x53: {  	[tilespmem:s22], [sflag:$0x1] =	stream.indirect_vreg.gather [hbm4b:s1+s3], $0x80, v4, vm0, $0xb8;
	[tilespmem:$0x1B800] =	vst v63  }
0x54: {  	s24 =	simm.s32 $0x7000;
	v3 =	vadd.s32 v1, v3  }
0x55: {  	[tilespmem:s24], [sflag:$0x1] =	stream.indirect_vreg.gather [hbm4b:s5+s3], $0x80, v4, vm0, $0xb8;
	[tilespmem:$0x1B800] =	vst v63  }
0x56: {  	s25 =	simm.s32 $0x7800  }
0x57: {  	[tilespmem:s25], [sflag:$0x1] =	stream.indirect_vreg.gather [hbm4b:s6+s3], $0x80, v4, vm0, $0xb8;
	[tilespmem:$0x1B800] =	vst v63  }
0x58: {  	s26 =	simm.s32 $0x8000  }
0x59: {  	[tilespmem:s26], [sflag:$0x1] =	stream.indirect_vreg.gather [hbm4b:s1+s3], $0x80, v3, vm0, $0xb8;
	[tilespmem:$0x1B800] =	vst v63  }
0x5a: {  	s28 =	simm.s32 $0x8800  }
0x5b: {  	[tilespmem:s28], [sflag:$0x1] =	stream.indirect_vreg.gather [hbm4b:s5+s3], $0x80, v3, vm0, $0xb8;
	[tilespmem:$0x1B800] =	vst v63  }
0x5c: {  	s29 =	simm.s32 $0x9000  }
0x5d: {  	[tilespmem:s29], [sflag:$0x1] =	stream.indirect_vreg.gather [hbm4b:s6+s3], $0x80, v3, vm0, $0xb8;
	[tilespmem:$0x1B800] =	vst v63  }
0x5e: {  	v3 =	vld [tilespmem:$0x30];
	_ =	sdelay $0x4  }
0x5f: {  	v43 =	vshrl.u32 v3, $0x3  }
0x60: {  	v4 =	vmul.u32 $0x30, v43  }
0x61: {  	v3 =	vand.u32 $0x7, v3  }
0x62: {  	v3 =	vor.u32 v3, v4  }
0x63: {  	v4 =	vperm.xlane v3, v0;
	_ =	sdelay $0x1  }
0x64: {  	v4 =	vadd.s32 v1, v4;
	_ =	sdelay $0x3  }
0x65: {  	s30 =	simm.s32 $0x9800;
	v3 =	vperm.xlane v3, v2  }
0x66: {  	[tilespmem:s30], [sflag:$0x1] =	stream.indirect_vreg.gather [hbm4b:s1+s3], $0x80, v4, vm0, $0xb8;
	[tilespmem:$0x1B800] =	vst v63  }
0x67: {  	s31 =	simm.s32 $0xA000;
	v3 =	vadd.s32 v1, v3  }
0x68: {  	[tilespmem:s31], [sflag:$0x1] =	stream.indirect_vreg.gather [hbm4b:s5+s3], $0x80, v4, vm0, $0xb8;
	[tilespmem:$0x1B800] =	vst v63  }
0x69: {  	s2 =	simm.s32 $0xA800  }
0x6a: {  	[tilespmem:s2], [sflag:$0x1] =	stream.indirect_vreg.gather [hbm4b:s6+s3], $0x80, v4, vm0, $0xb8;
	[tilespmem:$0x1B800] =	vst v63  }
0x6b: {  	s4 =	simm.s32 $0xB000  }
0x6c: {  	[tilespmem:s4], [sflag:$0x1] =	stream.indirect_vreg.gather [hbm4b:s1+s3], $0x80, v3, vm0, $0xb8;
	[tilespmem:$0x1B800] =	vst v63  }
0x6d: {  	s7 =	simm.s32 $0xB800  }
0x6e: {  	[tilespmem:s7], [sflag:$0x1] =	stream.indirect_vreg.gather [hbm4b:s5+s3], $0x80, v3, vm0, $0xb8;
	[tilespmem:$0x1B800] =	vst v63  }
0x6f: {  	s10 =	simm.s32 $0xC000  }
0x70: {  	[tilespmem:s10], [sflag:$0x1] =	stream.indirect_vreg.gather [hbm4b:s6+s3], $0x80, v3, vm0, $0xb8;
	[tilespmem:$0x1B800] =	vst v63  }
0x71: {  	v3 =	vld.msk [tilespmem:$0x40], $0xff;
	_ =	sdelay $0x4  }
0x72: {  	v44 =	vshrl.u32 v3, $0x3  }
0x73: {  	v4 =	vmul.u32 $0x30, v44  }
0x74: {  	v3 =	vand.u32 $0x7, v3  }
0x75: {  	v3 =	vor.u32 v3, v4  }
0x76: {  	v3 =	vperm.xlane v3, v0;
	_ =	sdelay $0x1  }
0x77: {  	v3 =	vadd.s32 v1, v3;
	_ =	sdelay $0x3  }
0x78: {  	s18 =	simm.s32 $0xC800  }
0x79: {  	[tilespmem:s18], [sflag:$0x1] =	stream.indirect_vreg.gather [hbm4b:s1+s3], $0x80, v3, vm0, $0xb8;
	[tilespmem:$0x1B800] =	vst v63  }
0x7a: {  	s22 =	simm.s32 $0xD000  }
0x7b: {  	[tilespmem:s22], [sflag:$0x1] =	stream.indirect_vreg.gather [hbm4b:s5+s3], $0x80, v3, vm0, $0xb8;
	[tilespmem:$0x1B800] =	vst v63  }
0x7c: {  	s24 =	simm.s32 $0xD800  }
0x7d: {  	[tilespmem:s24], [sflag:$0x1] =	stream.indirect_vreg.gather [hbm4b:s6+s3], $0x80, v3, vm0, $0xb8;
	[tilespmem:$0x1B800] =	vst v63  }
0x7e: {  	v3 =	vld [tilespmem:$0x80];
	_ =	sdelay $0x4  }
0x7f: {  	v45 =	vshrl.u32 v3, $0x3  }
0x80: {  	v4 =	vmul.u32 $0x30, v45  }
0x81: {  	v3 =	vand.u32 $0x7, v3  }
0x82: {  	v3 =	vor.u32 v3, v4  }
0x83: {  	v4 =	vperm.xlane v3, v0;
	_ =	sdelay $0x1  }
0x84: {  	v4 =	vadd.s32 v1, v4;
	_ =	sdelay $0x3  }
0x85: {  	v3 =	vperm.xlane v3, v2  }
0x86: {  	[tilespmem:s11], [sflag:$0x2] =	stream.indirect_vreg.gather [hbm4b:s1+s3], $0x80, v4, vm0, $0xb8;
	[tilespmem:$0x1B800] =	vst v63  }
0x87: {  	s25 =	simm.s32 $0xE800;
	v3 =	vadd.s32 v1, v3  }
0x88: {  	[tilespmem:s25], [sflag:$0x2] =	stream.indirect_vreg.gather [hbm4b:s5+s3], $0x80, v4, vm0, $0xb8;
	[tilespmem:$0x1B800] =	vst v63  }
0x89: {  	s26 =	simm.s32 $0xF000  }
0x8a: {  	[tilespmem:s26], [sflag:$0x2] =	stream.indirect_vreg.gather [hbm4b:s6+s3], $0x80, v4, vm0, $0xb8;
	[tilespmem:$0x1B800] =	vst v63  }
0x8b: {  	s28 =	simm.s32 $0xF800  }
0x8c: {  	[tilespmem:s28], [sflag:$0x2] =	stream.indirect_vreg.gather [hbm4b:s1+s3], $0x80, v3, vm0, $0xb8;
	[tilespmem:$0x1B800] =	vst v63  }
0x8d: {  	s29 =	simm.s32 $0x10000  }
0x8e: {  	[tilespmem:s29], [sflag:$0x2] =	stream.indirect_vreg.gather [hbm4b:s5+s3], $0x80, v3, vm0, $0xb8;
	[tilespmem:$0x1B800] =	vst v63  }
0x8f: {  	s31 =	simm.s32 $0x10800  }
0x90: {  	[tilespmem:s31], [sflag:$0x2] =	stream.indirect_vreg.gather [hbm4b:s6+s3], $0x80, v3, vm0, $0xb8;
	[tilespmem:$0x1B800] =	vst v63  }
0x91: {  	v3 =	vld [tilespmem:$0x90];
	_ =	sdelay $0x4  }
0x92: {  	v46 =	vshrl.u32 v3, $0x3  }
0x93: {  	v4 =	vmul.u32 $0x30, v46  }
0x94: {  	v3 =	vand.u32 $0x7, v3  }
0x95: {  	v3 =	vor.u32 v3, v4  }
0x96: {  	v4 =	vperm.xlane v3, v0;
	_ =	sdelay $0x1  }
0x97: {  	v4 =	vadd.s32 v1, v4;
	_ =	sdelay $0x3  }
0x98: {  	s0 =	simm.s32 $0x11000;
	v3 =	vperm.xlane v3, v2  }
0x99: {  	[tilespmem:s0], [sflag:$0x2] =	stream.indirect_vreg.gather [hbm4b:s1+s3], $0x80, v4, vm0, $0xb8;
	[tilespmem:$0x1B800] =	vst v63  }
0x9a: {  	s2 =	simm.s32 $0x11800;
	v3 =	vadd.s32 v1, v3  }
0x9b: {  	[tilespmem:s2], [sflag:$0x2] =	stream.indirect_vreg.gather [hbm4b:s5+s3], $0x80, v4, vm0, $0xb8;
	[tilespmem:$0x1B800] =	vst v63  }
0x9c: {  	s4 =	simm.s32 $0x12000  }
0x9d: {  	[tilespmem:s4], [sflag:$0x2] =	stream.indirect_vreg.gather [hbm4b:s6+s3], $0x80, v4, vm0, $0xb8;
	[tilespmem:$0x1B800] =	vst v63  }
0x9e: {  	s7 =	simm.s32 $0x12800  }
0x9f: {  	[tilespmem:s7], [sflag:$0x2] =	stream.indirect_vreg.gather [hbm4b:s1+s3], $0x80, v3, vm0, $0xb8;
	[tilespmem:$0x1B800] =	vst v63  }
0xa0: {  	s10 =	simm.s32 $0x13000  }
0xa1: {  	[tilespmem:s10], [sflag:$0x2] =	stream.indirect_vreg.gather [hbm4b:s5+s3], $0x80, v3, vm0, $0xb8;
	[tilespmem:$0x1B800] =	vst v63  }
0xa2: {  	s22 =	simm.s32 $0x13800  }
0xa3: {  	[tilespmem:s22], [sflag:$0x2] =	stream.indirect_vreg.gather [hbm4b:s6+s3], $0x80, v3, vm0, $0xb8;
	[tilespmem:$0x1B800] =	vst v63  }
0xa4: {  	v3 =	vld [tilespmem:$0xA0];
	_ =	sdelay $0x4  }
0xa5: {  	v47 =	vshrl.u32 v3, $0x3  }
0xa6: {  	v4 =	vmul.u32 $0x30, v47  }
0xa7: {  	v3 =	vand.u32 $0x7, v3  }
0xa8: {  	v3 =	vor.u32 v3, v4  }
0xa9: {  	v4 =	vperm.xlane v3, v0;
	_ =	sdelay $0x1  }
0xaa: {  	v4 =	vadd.s32 v1, v4;
	_ =	sdelay $0x3  }
0xab: {  	s24 =	simm.s32 $0x14000;
	v3 =	vperm.xlane v3, v2  }
0xac: {  	[tilespmem:s24], [sflag:$0x2] =	stream.indirect_vreg.gather [hbm4b:s1+s3], $0x80, v4, vm0, $0xb8;
	[tilespmem:$0x1B800] =	vst v63  }
0xad: {  	s25 =	simm.s32 $0x14800;
	v3 =	vadd.s32 v1, v3  }
0xae: {  	[tilespmem:s25], [sflag:$0x2] =	stream.indirect_vreg.gather [hbm4b:s5+s3], $0x80, v4, vm0, $0xb8;
	[tilespmem:$0x1B800] =	vst v63  }
0xaf: {  	s26 =	simm.s32 $0x15000  }
0xb0: {  	[tilespmem:s26], [sflag:$0x2] =	stream.indirect_vreg.gather [hbm4b:s6+s3], $0x80, v4, vm0, $0xb8;
	[tilespmem:$0x1B800] =	vst v63  }
0xb1: {  	s28 =	simm.s32 $0x15800  }
0xb2: {  	[tilespmem:s28], [sflag:$0x2] =	stream.indirect_vreg.gather [hbm4b:s1+s3], $0x80, v3, vm0, $0xb8;
	[tilespmem:$0x1B800] =	vst v63  }
0xb3: {  	s29 =	simm.s32 $0x16000  }
0xb4: {  	[tilespmem:s29], [sflag:$0x2] =	stream.indirect_vreg.gather [hbm4b:s5+s3], $0x80, v3, vm0, $0xb8;
	[tilespmem:$0x1B800] =	vst v63  }
0xb5: {  	s0 =	simm.s32 $0x16800  }
0xb6: {  	[tilespmem:s0], [sflag:$0x2] =	stream.indirect_vreg.gather [hbm4b:s6+s3], $0x80, v3, vm0, $0xb8;
	[tilespmem:$0x1B800] =	vst v63  }
0xb7: {  	v3 =	vld [tilespmem:$0xB0];
	_ =	sdelay $0x4  }
0xb8: {  	v48 =	vshrl.u32 v3, $0x3  }
0xb9: {  	v4 =	vmul.u32 $0x30, v48  }
0xba: {  	v3 =	vand.u32 $0x7, v3  }
0xbb: {  	v3 =	vor.u32 v3, v4  }
0xbc: {  	v4 =	vperm.xlane v3, v0;
	_ =	sdelay $0x1  }
0xbd: {  	v4 =	vadd.s32 v1, v4;
	_ =	sdelay $0x3  }
0xbe: {  	s2 =	simm.s32 $0x17000;
	v3 =	vperm.xlane v3, v2  }
0xbf: {  	[tilespmem:s2], [sflag:$0x2] =	stream.indirect_vreg.gather [hbm4b:s1+s3], $0x80, v4, vm0, $0xb8;
	[tilespmem:$0x1B800] =	vst v63  }
0xc0: {  	s4 =	simm.s32 $0x17800;
	v3 =	vadd.s32 v1, v3  }
0xc1: {  	[tilespmem:s4], [sflag:$0x2] =	stream.indirect_vreg.gather [hbm4b:s5+s3], $0x80, v4, vm0, $0xb8;
	[tilespmem:$0x1B800] =	vst v63  }
0xc2: {  	s7 =	simm.s32 $0x18000  }
0xc3: {  	[tilespmem:s7], [sflag:$0x2] =	stream.indirect_vreg.gather [hbm4b:s6+s3], $0x80, v4, vm0, $0xb8;
	[tilespmem:$0x1B800] =	vst v63  }
0xc4: {  	s10 =	simm.s32 $0x18800  }
0xc5: {  	[tilespmem:s10], [sflag:$0x2] =	stream.indirect_vreg.gather [hbm4b:s1+s3], $0x80, v3, vm0, $0xb8;
	[tilespmem:$0x1B800] =	vst v63  }
0xc6: {  	s22 =	simm.s32 $0x19000  }
0xc7: {  	[tilespmem:s22], [sflag:$0x2] =	stream.indirect_vreg.gather [hbm4b:s5+s3], $0x80, v3, vm0, $0xb8;
	[tilespmem:$0x1B800] =	vst v63  }
0xc8: {  	s24 =	simm.s32 $0x19800  }
0xc9: {  	[tilespmem:s24], [sflag:$0x2] =	stream.indirect_vreg.gather [hbm4b:s6+s3], $0x80, v3, vm0, $0xb8;
	[tilespmem:$0x1B800] =	vst v63  }
0xca: {  	v3 =	vld.msk [tilespmem:$0xC0], $0xff;
	_ =	sdelay $0x4  }
0xcb: {  	v49 =	vshrl.u32 v3, $0x3  }
0xcc: {  	v4 =	vmul.u32 $0x30, v49  }
0xcd: {  	v3 =	vand.u32 $0x7, v3  }
0xce: {  	v3 =	vor.u32 v3, v4  }
0xcf: {  	v3 =	vperm.xlane v3, v0;
	_ =	sdelay $0x1  }
0xd0: {  	v3 =	vadd.s32 v1, v3;
	_ =	sdelay $0x3  }
0xd1: {  	s25 =	simm.s32 $0x1A000  }
0xd2: {  	[tilespmem:s25], [sflag:$0x2] =	stream.indirect_vreg.gather [hbm4b:s1+s3], $0x80, v3, vm0, $0xb8;
	[tilespmem:$0x1B800] =	vst v63  }
0xd3: {  	s26 =	simm.s32 $0x1A800  }
0xd4: {  	[tilespmem:s26], [sflag:$0x2] =	stream.indirect_vreg.gather [hbm4b:s5+s3], $0x80, v3, vm0, $0xb8;
	[tilespmem:$0x1B800] =	vst v63  }
0xd5: {  	s28 =	simm.s32 $0x1B000  }
0xd6: {  	[tilespmem:s28], [sflag:$0x2] =	stream.indirect_vreg.gather [hbm4b:s6+s3], $0x80, v3, vm0, $0xb8;
	[tilespmem:$0x1B800] =	vst v63  }
0xd7: {  	_ =	swait.ge [sflag:s14], $0xD800  }
0xd8: {  	[sflag:s14] =	ssyncset.done $0x0  }
0xd9: {  	s29 =	rddreg [dreg:$0x14];
	[sflag:s14] =	ssyncadd.s32 $0xFFFF2800  }
0xda: {  	[hbm4b:s29+s3] =	stream.linear.scatter [tilespmem:s23], [sflag:$0x3], $0xD800, $0x38;
	[tilespmem:$0x1B800] =	vst v63  }
0xdb: {  	_ =	swait.ge [sflag:s15], $0xD800  }
0xdc: {  	[sflag:s15] =	ssyncset.done $0x0  }
0xdd: {  	[sflag:s15] =	ssyncadd.s32 $0xFFFF2800  }
0xde: {  	v3 =	vld [tilespmem:$0x100];
	_ =	sdelay $0x4  }
0xdf: {  	v50 =	vshrl.u32 v3, $0x3  }
0xe0: {  	v4 =	vmul.u32 $0x30, v50  }
0xe1: {  	v3 =	vand.u32 $0x7, v3  }
0xe2: {  	v3 =	vor.u32 v3, v4  }
0xe3: {  	v4 =	vperm.xlane v3, v0;
	_ =	sdelay $0x1  }
0xe4: {  	v4 =	vadd.s32 v1, v4;
	_ =	sdelay $0x3  }
0xe5: {  	v3 =	vperm.xlane v3, v2  }
0xe6: {  	[tilespmem:s23], [sflag:$0x1] =	stream.indirect_vreg.gather [hbm4b:s1+s3], $0x80, v4, vm0, $0xb8;
	[tilespmem:$0x1B800] =	vst v63  }
0xe7: {  	s0 =	simm.s32 $0x1000;
	v3 =	vadd.s32 v1, v3  }
0xe8: {  	[tilespmem:s0], [sflag:$0x1] =	stream.indirect_vreg.gather [hbm4b:s5+s3], $0x80, v4, vm0, $0xb8;
	[tilespmem:$0x1B800] =	vst v63  }
0xe9: {  	s2 =	simm.s32 $0x1800  }
0xea: {  	[tilespmem:s2], [sflag:$0x1] =	stream.indirect_vreg.gather [hbm4b:s6+s3], $0x80, v4, vm0, $0xb8;
	[tilespmem:$0x1B800] =	vst v63  }
0xeb: {  	s4 =	simm.s32 $0x2000  }
0xec: {  	[tilespmem:s4], [sflag:$0x1] =	stream.indirect_vreg.gather [hbm4b:s1+s3], $0x80, v3, vm0, $0xb8;
	[tilespmem:$0x1B800] =	vst v63  }
0xed: {  	s7 =	simm.s32 $0x2800  }
0xee: {  	[tilespmem:s7], [sflag:$0x1] =	stream.indirect_vreg.gather [hbm4b:s5+s3], $0x80, v3, vm0, $0xb8;
	[tilespmem:$0x1B800] =	vst v63  }
0xef: {  	s8 =	simm.s32 $0x3000  }
0xf0: {  	[tilespmem:s8], [sflag:$0x1] =	stream.indirect_vreg.gather [hbm4b:s6+s3], $0x80, v3, vm0, $0xb8;
	[tilespmem:$0x1B800] =	vst v63  }
0xf1: {  	v3 =	vld [tilespmem:$0x110];
	_ =	sdelay $0x4  }
0xf2: {  	v51 =	vshrl.u32 v3, $0x3  }
0xf3: {  	v4 =	vmul.u32 $0x30, v51  }
0xf4: {  	v3 =	vand.u32 $0x7, v3  }
0xf5: {  	v3 =	vor.u32 v3, v4  }
0xf6: {  	v4 =	vperm.xlane v3, v0;
	_ =	sdelay $0x1  }
0xf7: {  	v4 =	vadd.s32 v1, v4;
	_ =	sdelay $0x3  }
0xf8: {  	s9 =	simm.s32 $0x3800;
	v3 =	vperm.xlane v3, v2  }
0xf9: {  	[tilespmem:s9], [sflag:$0x1] =	stream.indirect_vreg.gather [hbm4b:s1+s3], $0x80, v4, vm0, $0xb8;
	[tilespmem:$0x1B800] =	vst v63  }
0xfa: {  	s8 =	simm.s32 $0x4000;
	v3 =	vadd.s32 v1, v3  }
0xfb: {  	[tilespmem:s8], [sflag:$0x1] =	stream.indirect_vreg.gather [hbm4b:s5+s3], $0x80, v4, vm0, $0xb8;
	[tilespmem:$0x1B800] =	vst v63  }
0xfc: {  	s9 =	simm.s32 $0x4800  }
0xfd: {  	[tilespmem:s9], [sflag:$0x1] =	stream.indirect_vreg.gather [hbm4b:s6+s3], $0x80, v4, vm0, $0xb8;
	[tilespmem:$0x1B800] =	vst v63  }
0xfe: {  	s10 =	simm.s32 $0x5000  }
0xff: {  	[tilespmem:s10], [sflag:$0x1] =	stream.indirect_vreg.gather [hbm4b:s1+s3], $0x80, v3, vm0, $0xb8;
	[tilespmem:$0x1B800] =	vst v63  }
0x100: {  	s22 =	simm.s32 $0x5800  }
0x101: {  	[tilespmem:s22], [sflag:$0x1] =	stream.indirect_vreg.gather [hbm4b:s5+s3], $0x80, v3, vm0, $0xb8;
	[tilespmem:$0x1B800] =	vst v63  }
0x102: {  	s12 =	simm.s32 $0x6000  }
0x103: {  	[tilespmem:s12], [sflag:$0x1] =	stream.indirect_vreg.gather [hbm4b:s6+s3], $0x80, v3, vm0, $0xb8;
	[tilespmem:$0x1B800] =	vst v63  }
0x104: {  	v3 =	vld [tilespmem:$0x120];
	_ =	sdelay $0x4  }
0x105: {  	v52 =	vshrl.u32 v3, $0x3  }
0x106: {  	v4 =	vmul.u32 $0x30, v52  }
0x107: {  	v3 =	vand.u32 $0x7, v3  }
0x108: {  	v3 =	vor.u32 v3, v4  }
0x109: {  	v4 =	vperm.xlane v3, v0;
	_ =	sdelay $0x1  }
0x10a: {  	v4 =	vadd.s32 v1, v4;
	_ =	sdelay $0x3  }
0x10b: {  	s13 =	simm.s32 $0x6800;
	v3 =	vperm.xlane v3, v2  }
0x10c: {  	[tilespmem:s13], [sflag:$0x1] =	stream.indirect_vreg.gather [hbm4b:s1+s3], $0x80, v4, vm0, $0xb8;
	[tilespmem:$0x1B800] =	vst v63  }
0x10d: {  	s24 =	simm.s32 $0x7000;
	v3 =	vadd.s32 v1, v3  }
0x10e: {  	[tilespmem:s24], [sflag:$0x1] =	stream.indirect_vreg.gather [hbm4b:s5+s3], $0x80, v4, vm0, $0xb8;
	[tilespmem:$0x1B800] =	vst v63  }
0x10f: {  	s25 =	simm.s32 $0x7800  }
0x110: {  	[tilespmem:s25], [sflag:$0x1] =	stream.indirect_vreg.gather [hbm4b:s6+s3], $0x80, v4, vm0, $0xb8;
	[tilespmem:$0x1B800] =	vst v63  }
0x111: {  	s26 =	simm.s32 $0x8000  }
0x112: {  	[tilespmem:s26], [sflag:$0x1] =	stream.indirect_vreg.gather [hbm4b:s1+s3], $0x80, v3, vm0, $0xb8;
	[tilespmem:$0x1B800] =	vst v63  }
0x113: {  	s28 =	simm.s32 $0x8800  }
0x114: {  	[tilespmem:s28], [sflag:$0x1] =	stream.indirect_vreg.gather [hbm4b:s5+s3], $0x80, v3, vm0, $0xb8;
	[tilespmem:$0x1B800] =	vst v63  }
0x115: {  	s19 =	simm.s32 $0x9000  }
0x116: {  	[tilespmem:s19], [sflag:$0x1] =	stream.indirect_vreg.gather [hbm4b:s6+s3], $0x80, v3, vm0, $0xb8;
	[tilespmem:$0x1B800] =	vst v63  }
0x117: {  	v3 =	vld [tilespmem:$0x130];
	_ =	sdelay $0x4  }
0x118: {  	v53 =	vshrl.u32 v3, $0x3  }
0x119: {  	v4 =	vmul.u32 $0x30, v53  }
0x11a: {  	v3 =	vand.u32 $0x7, v3  }
0x11b: {  	v3 =	vor.u32 v3, v4  }
0x11c: {  	v4 =	vperm.xlane v3, v0;
	_ =	sdelay $0x1  }
0x11d: {  	v4 =	vadd.s32 v1, v4;
	_ =	sdelay $0x3  }
0x11e: {  	s20 =	simm.s32 $0x9800;
	v3 =	vperm.xlane v3, v2  }
0x11f: {  	[tilespmem:s20], [sflag:$0x1] =	stream.indirect_vreg.gather [hbm4b:s1+s3], $0x80, v4, vm0, $0xb8;
	[tilespmem:$0x1B800] =	vst v63  }
0x120: {  	s29 =	simm.s32 $0xA000;
	v3 =	vadd.s32 v1, v3  }
0x121: {  	[tilespmem:s29], [sflag:$0x1] =	stream.indirect_vreg.gather [hbm4b:s5+s3], $0x80, v4, vm0, $0xb8;
	[tilespmem:$0x1B800] =	vst v63  }
0x122: {  	s12 =	simm.s32 $0xA800  }
0x123: {  	[tilespmem:s12], [sflag:$0x1] =	stream.indirect_vreg.gather [hbm4b:s6+s3], $0x80, v4, vm0, $0xb8;
	[tilespmem:$0x1B800] =	vst v63  }
0x124: {  	s13 =	simm.s32 $0xB000  }
0x125: {  	[tilespmem:s13], [sflag:$0x1] =	stream.indirect_vreg.gather [hbm4b:s1+s3], $0x80, v3, vm0, $0xb8;
	[tilespmem:$0x1B800] =	vst v63  }
0x126: {  	s19 =	simm.s32 $0xB800  }
0x127: {  	[tilespmem:s19], [sflag:$0x1] =	stream.indirect_vreg.gather [hbm4b:s5+s3], $0x80, v3, vm0, $0xb8;
	[tilespmem:$0x1B800] =	vst v63  }
0x128: {  	s21 =	simm.s32 $0xC000  }
0x129: {  	[tilespmem:s21], [sflag:$0x1] =	stream.indirect_vreg.gather [hbm4b:s6+s3], $0x80, v3, vm0, $0xb8;
	[tilespmem:$0x1B800] =	vst v63  }
0x12a: {  	v3 =	vld.msk [tilespmem:$0x140], $0xff;
	_ =	sdelay $0x4  }
0x12b: {  	v54 =	vshrl.u32 v3, $0x3  }
0x12c: {  	v4 =	vmul.u32 $0x30, v54  }
0x12d: {  	v3 =	vand.u32 $0x7, v3  }
0x12e: {  	v3 =	vor.u32 v3, v4  }
0x12f: {  	v3 =	vperm.xlane v3, v0;
	_ =	sdelay $0x1  }
0x130: {  	v3 =	vadd.s32 v1, v3;
	_ =	sdelay $0x3  }
0x131: {  	s20 =	simm.s32 $0xC800  }
0x132: {  	[tilespmem:s20], [sflag:$0x1] =	stream.indirect_vreg.gather [hbm4b:s1+s3], $0x80, v3, vm0, $0xb8;
	[tilespmem:$0x1B800] =	vst v63  }
0x133: {  	s21 =	simm.s32 $0xD000  }
0x134: {  	[tilespmem:s21], [sflag:$0x1] =	stream.indirect_vreg.gather [hbm4b:s5+s3], $0x80, v3, vm0, $0xb8;
	[tilespmem:$0x1B800] =	vst v63  }
0x135: {  	s30 =	simm.s32 $0xD800  }
0x136: {  	[tilespmem:s30], [sflag:$0x1] =	stream.indirect_vreg.gather [hbm4b:s6+s3], $0x80, v3, vm0, $0xb8;
	[tilespmem:$0x1B800] =	vst v63  }
0x137: {  	_ =	swait.ge [sflag:s16], $0xD800  }
0x138: {  	[sflag:s16] =	ssyncset.done $0x0  }
0x139: {  	s30 =	rddreg [dreg:$0x5];
	[sflag:s16] =	ssyncadd.s32 $0xFFFF2800  }
0x13a: {  	[hbm4b:s30+s3] =	stream.linear.scatter [tilespmem:s11], [sflag:$0x4], $0xD800, $0x38;
	[tilespmem:$0x1B800] =	vst v63  }
0x13b: {  	_ =	swait.ge [sflag:s17], $0xD800  }
0x13c: {  	[sflag:s17] =	ssyncset.done $0x0  }
0x13d: {  	[sflag:s17] =	ssyncadd.s32 $0xFFFF2800  }
0x13e: {  	v3 =	vld [tilespmem:$0x180];
	_ =	sdelay $0x4  }
0x13f: {  	v55 =	vshrl.u32 v3, $0x3  }
0x140: {  	v4 =	vmul.u32 $0x30, v55  }
0x141: {  	v3 =	vand.u32 $0x7, v3  }
0x142: {  	v3 =	vor.u32 v3, v4  }
0x143: {  	v4 =	vperm.xlane v3, v0;
	_ =	sdelay $0x1  }
0x144: {  	v4 =	vadd.s32 v1, v4;
	_ =	sdelay $0x3  }
0x145: {  	v3 =	vperm.xlane v3, v2  }
0x146: {  	[tilespmem:s11], [sflag:$0x2] =	stream.indirect_vreg.gather [hbm4b:s1+s3], $0x80, v4, vm0, $0xb8;
	[tilespmem:$0x1B800] =	vst v63  }
0x147: {  	s30 =	simm.s32 $0xE800;
	v3 =	vadd.s32 v1, v3  }
0x148: {  	[tilespmem:s30], [sflag:$0x2] =	stream.indirect_vreg.gather [hbm4b:s5+s3], $0x80, v4, vm0, $0xb8;
	[tilespmem:$0x1B800] =	vst v63  }
0x149: {  	s18 =	simm.s32 $0xF000  }
0x14a: {  	[tilespmem:s18], [sflag:$0x2] =	stream.indirect_vreg.gather [hbm4b:s6+s3], $0x80, v4, vm0, $0xb8;
	[tilespmem:$0x1B800] =	vst v63  }
0x14b: {  	s18 =	simm.s32 $0xF800  }
0x14c: {  	[tilespmem:s18], [sflag:$0x2] =	stream.indirect_vreg.gather [hbm4b:s1+s3], $0x80, v3, vm0, $0xb8;
	[tilespmem:$0x1B800] =	vst v63  }
0x14d: {  	s18 =	simm.s32 $0x10000  }
0x14e: {  	[tilespmem:s18], [sflag:$0x2] =	stream.indirect_vreg.gather [hbm4b:s5+s3], $0x80, v3, vm0, $0xb8;
	[tilespmem:$0x1B800] =	vst v63  }
0x14f: {  	s18 =	simm.s32 $0x10800  }
0x150: {  	[tilespmem:s18], [sflag:$0x2] =	stream.indirect_vreg.gather [hbm4b:s6+s3], $0x80, v3, vm0, $0xb8;
	[tilespmem:$0x1B800] =	vst v63  }
0x151: {  	v3 =	vld [tilespmem:$0x190];
	_ =	sdelay $0x4  }
0x152: {  	v56 =	vshrl.u32 v3, $0x3  }
0x153: {  	v4 =	vmul.u32 $0x30, v56  }
0x154: {  	v3 =	vand.u32 $0x7, v3  }
0x155: {  	v3 =	vor.u32 v3, v4  }
0x156: {  	v4 =	vperm.xlane v3, v0;
	_ =	sdelay $0x1  }
0x157: {  	v4 =	vadd.s32 v1, v4;
	_ =	sdelay $0x3  }
0x158: {  	s31 =	simm.s32 $0x11000;
	v3 =	vperm.xlane v3, v2  }
0x159: {  	[tilespmem:s31], [sflag:$0x2] =	stream.indirect_vreg.gather [hbm4b:s1+s3], $0x80, v4, vm0, $0xb8;
	[tilespmem:$0x1B800] =	vst v63  }
0x15a: {  	v3 =	vadd.s32 v1, v3;
	s31 =	simm.s32 $0x11800  }
0x15b: {  	[tilespmem:s31], [sflag:$0x2] =	stream.indirect_vreg.gather [hbm4b:s5+s3], $0x80, v4, vm0, $0xb8;
	[tilespmem:$0x1B800] =	vst v63  }
0x15c: {  	s18 =	simm.s32 $0x12000  }
0x15d: {  	[tilespmem:s18], [sflag:$0x2] =	stream.indirect_vreg.gather [hbm4b:s6+s3], $0x80, v4, vm0, $0xb8;
	[tilespmem:$0x1B800] =	vst v63  }
0x15e: {  	s18 =	simm.s32 $0x12800  }
0x15f: {  	[tilespmem:s18], [sflag:$0x2] =	stream.indirect_vreg.gather [hbm4b:s1+s3], $0x80, v3, vm0, $0xb8;
	[tilespmem:$0x1B800] =	vst v63  }
0x160: {  	s18 =	simm.s32 $0x13000  }
0x161: {  	[tilespmem:s18], [sflag:$0x2] =	stream.indirect_vreg.gather [hbm4b:s5+s3], $0x80, v3, vm0, $0xb8;
	[tilespmem:$0x1B800] =	vst v63  }
0x162: {  	s18 =	simm.s32 $0x13800  }
0x163: {  	[tilespmem:s18], [sflag:$0x2] =	stream.indirect_vreg.gather [hbm4b:s6+s3], $0x80, v3, vm0, $0xb8;
	[tilespmem:$0x1B800] =	vst v63  }
0x164: {  	v3 =	vld [tilespmem:$0x1A0];
	_ =	sdelay $0x4  }
0x165: {  	v57 =	vshrl.u32 v3, $0x3  }
0x166: {  	v4 =	vmul.u32 $0x30, v57  }
0x167: {  	v3 =	vand.u32 $0x7, v3  }
0x168: {  	v3 =	vor.u32 v3, v4  }
0x169: {  	v4 =	vperm.xlane v3, v0;
	_ =	sdelay $0x1  }
0x16a: {  	v4 =	vadd.s32 v1, v4;
	_ =	sdelay $0x3  }
0x16b: {  	s18 =	simm.s32 $0x14000;
	v3 =	vperm.xlane v3, v2  }
0x16c: {  	[tilespmem:s18], [sflag:$0x2] =	stream.indirect_vreg.gather [hbm4b:s1+s3], $0x80, v4, vm0, $0xb8;
	[tilespmem:$0x1B800] =	vst v63  }
0x16d: {  	v3 =	vadd.s32 v1, v3;
	s18 =	simm.s32 $0x14800  }
0x16e: {  	[tilespmem:s18], [sflag:$0x2] =	stream.indirect_vreg.gather [hbm4b:s5+s3], $0x80, v4, vm0, $0xb8;
	[tilespmem:$0x1B800] =	vst v63  }
0x16f: {  	s18 =	simm.s32 $0x15000  }
0x170: {  	[tilespmem:s18], [sflag:$0x2] =	stream.indirect_vreg.gather [hbm4b:s6+s3], $0x80, v4, vm0, $0xb8;
	[tilespmem:$0x1B800] =	vst v63  }
0x171: {  	s18 =	simm.s32 $0x15800  }
0x172: {  	[tilespmem:s18], [sflag:$0x2] =	stream.indirect_vreg.gather [hbm4b:s1+s3], $0x80, v3, vm0, $0xb8;
	[tilespmem:$0x1B800] =	vst v63  }
0x173: {  	s18 =	simm.s32 $0x16000  }
0x174: {  	[tilespmem:s18], [sflag:$0x2] =	stream.indirect_vreg.gather [hbm4b:s5+s3], $0x80, v3, vm0, $0xb8;
	[tilespmem:$0x1B800] =	vst v63  }
0x175: {  	s18 =	simm.s32 $0x16800  }
0x176: {  	[tilespmem:s18], [sflag:$0x2] =	stream.indirect_vreg.gather [hbm4b:s6+s3], $0x80, v3, vm0, $0xb8;
	[tilespmem:$0x1B800] =	vst v63  }
0x177: {  	v3 =	vld [tilespmem:$0x1B0];
	_ =	sdelay $0x4  }
0x178: {  	v58 =	vshrl.u32 v3, $0x3  }
0x179: {  	v4 =	vmul.u32 $0x30, v58  }
0x17a: {  	v3 =	vand.u32 $0x7, v3  }
0x17b: {  	v3 =	vor.u32 v3, v4  }
0x17c: {  	v4 =	vperm.xlane v3, v0;
	_ =	sdelay $0x1  }
0x17d: {  	v4 =	vadd.s32 v1, v4;
	_ =	sdelay $0x3  }
0x17e: {  	s18 =	simm.s32 $0x17000;
	v3 =	vperm.xlane v3, v2  }
0x17f: {  	[tilespmem:s18], [sflag:$0x2] =	stream.indirect_vreg.gather [hbm4b:s1+s3], $0x80, v4, vm0, $0xb8;
	[tilespmem:$0x1B800] =	vst v63  }
0x180: {  	v3 =	vadd.s32 v1, v3;
	s18 =	simm.s32 $0x17800  }
0x181: {  	[tilespmem:s18], [sflag:$0x2] =	stream.indirect_vreg.gather [hbm4b:s5+s3], $0x80, v4, vm0, $0xb8;
	[tilespmem:$0x1B800] =	vst v63  }
0x182: {  	s18 =	simm.s32 $0x18000  }
0x183: {  	[tilespmem:s18], [sflag:$0x2] =	stream.indirect_vreg.gather [hbm4b:s6+s3], $0x80, v4, vm0, $0xb8;
	[tilespmem:$0x1B800] =	vst v63  }
0x184: {  	s18 =	simm.s32 $0x18800  }
0x185: {  	[tilespmem:s18], [sflag:$0x2] =	stream.indirect_vreg.gather [hbm4b:s1+s3], $0x80, v3, vm0, $0xb8;
	[tilespmem:$0x1B800] =	vst v63  }
0x186: {  	s18 =	simm.s32 $0x19000  }
0x187: {  	[tilespmem:s18], [sflag:$0x2] =	stream.indirect_vreg.gather [hbm4b:s5+s3], $0x80, v3, vm0, $0xb8;
	[tilespmem:$0x1B800] =	vst v63  }
0x188: {  	s18 =	simm.s32 $0x19800  }
0x189: {  	[tilespmem:s18], [sflag:$0x2] =	stream.indirect_vreg.gather [hbm4b:s6+s3], $0x80, v3, vm0, $0xb8;
	[tilespmem:$0x1B800] =	vst v63  }
0x18a: {  	v3 =	vld.msk [tilespmem:$0x1C0], $0xff;
	_ =	sdelay $0x4  }
0x18b: {  	v59 =	vshrl.u32 v3, $0x3  }
0x18c: {  	v4 =	vmul.u32 $0x30, v59  }
0x18d: {  	v3 =	vand.u32 $0x7, v3  }
0x18e: {  	v3 =	vor.u32 v3, v4  }
0x18f: {  	v3 =	vperm.xlane v3, v0;
	_ =	sdelay $0x1  }
0x190: {  	v3 =	vadd.s32 v1, v3;
	_ =	sdelay $0x3  }
0x191: {  	s18 =	simm.s32 $0x1A000  }
0x192: {  	[tilespmem:s18], [sflag:$0x2] =	stream.indirect_vreg.gather [hbm4b:s1+s3], $0x80, v3, vm0, $0xb8;
	[tilespmem:$0x1B800] =	vst v63  }
0x193: {  	s18 =	simm.s32 $0x1A800  }
0x194: {  	[tilespmem:s18], [sflag:$0x2] =	stream.indirect_vreg.gather [hbm4b:s5+s3], $0x80, v3, vm0, $0xb8;
	[tilespmem:$0x1B800] =	vst v63  }
0x195: {  	s18 =	simm.s32 $0x1B000  }
0x196: {  	[tilespmem:s18], [sflag:$0x2] =	stream.indirect_vreg.gather [hbm4b:s6+s3], $0x80, v3, vm0, $0xb8;
	[tilespmem:$0x1B800] =	vst v63  }
0x197: {  	_ =	swait.ge [sflag:s14], $0xD800  }
0x198: {  	[sflag:s14] =	ssyncset.done $0x0  }
0x199: {  	s18 =	rddreg [dreg:$0x6];
	[sflag:s14] =	ssyncadd.s32 $0xFFFF2800  }
0x19a: {  	[hbm4b:s18+s3] =	stream.linear.scatter [tilespmem:s23], [sflag:$0x3], $0xD800, $0x38;
	[tilespmem:$0x1B800] =	vst v63  }
0x19b: {  	_ =	swait.ge [sflag:s15], $0xD800  }
0x19c: {  	[sflag:s15] =	ssyncset.done $0x0  }
0x19d: {  	[sflag:s15] =	ssyncadd.s32 $0xFFFF2800  }
0x19e: {  	v3 =	vld [tilespmem:$0x200];
	_ =	sdelay $0x4  }
0x19f: {  	v60 =	vshrl.u32 v3, $0x3  }
0x1a0: {  	v4 =	vmul.u32 $0x30, v60  }
0x1a1: {  	v3 =	vand.u32 $0x7, v3  }
0x1a2: {  	v3 =	vor.u32 v3, v4  }
0x1a3: {  	v4 =	vperm.xlane v3, v0;
	_ =	sdelay $0x1  }
0x1a4: {  	v4 =	vadd.s32 v1, v4;
	_ =	sdelay $0x3  }
0x1a5: {  	v3 =	vperm.xlane v3, v2  }
0x1a6: {  	[tilespmem:s23], [sflag:$0x1] =	stream.indirect_vreg.gather [hbm4b:s1+s3], $0x80, v4, vm0, $0xb8;
	[tilespmem:$0x1B800] =	vst v63  }
0x1a7: {  	v3 =	vadd.s32 v1, v3  }
0x1a8: {  	[tilespmem:s0], [sflag:$0x1] =	stream.indirect_vreg.gather [hbm4b:s5+s3], $0x80, v4, vm0, $0xb8;
	[tilespmem:$0x1B800] =	vst v63  }
0x1a9: {  	_ = 	snop  }
0x1aa: {  	[tilespmem:s2], [sflag:$0x1] =	stream.indirect_vreg.gather [hbm4b:s6+s3], $0x80, v4, vm0, $0xb8;
	[tilespmem:$0x1B800] =	vst v63  }
0x1ab: {  	_ = 	snop  }
0x1ac: {  	[tilespmem:s4], [sflag:$0x1] =	stream.indirect_vreg.gather [hbm4b:s1+s3], $0x80, v3, vm0, $0xb8;
	[tilespmem:$0x1B800] =	vst v63  }
0x1ad: {  	_ = 	snop  }
0x1ae: {  	[tilespmem:s7], [sflag:$0x1] =	stream.indirect_vreg.gather [hbm4b:s5+s3], $0x80, v3, vm0, $0xb8;
	[tilespmem:$0x1B800] =	vst v63  }
0x1af: {  	s18 =	simm.s32 $0x3000  }
0x1b0: {  	[tilespmem:s18], [sflag:$0x1] =	stream.indirect_vreg.gather [hbm4b:s6+s3], $0x80, v3, vm0, $0xb8;
	[tilespmem:$0x1B800] =	vst v63  }
0x1b1: {  	v3 =	vld [tilespmem:$0x210];
	_ =	sdelay $0x4  }
0x1b2: {  	v61 =	vshrl.u32 v3, $0x3  }
0x1b3: {  	v4 =	vmul.u32 $0x30, v61  }
0x1b4: {  	v3 =	vand.u32 $0x7, v3  }
0x1b5: {  	v3 =	vor.u32 v3, v4  }
0x1b6: {  	v4 =	vperm.xlane v3, v0;
	_ =	sdelay $0x1  }
0x1b7: {  	v4 =	vadd.s32 v1, v4;
	_ =	sdelay $0x3  }
0x1b8: {  	s18 =	simm.s32 $0x3800;
	v3 =	vperm.xlane v3, v2  }
0x1b9: {  	[tilespmem:s18], [sflag:$0x1] =	stream.indirect_vreg.gather [hbm4b:s1+s3], $0x80, v4, vm0, $0xb8;
	[tilespmem:$0x1B800] =	vst v63  }
0x1ba: {  	v3 =	vadd.s32 v1, v3  }
0x1bb: {  	[tilespmem:s8], [sflag:$0x1] =	stream.indirect_vreg.gather [hbm4b:s5+s3], $0x80, v4, vm0, $0xb8;
	[tilespmem:$0x1B800] =	vst v63  }
0x1bc: {  	_ = 	snop  }
0x1bd: {  	[tilespmem:s9], [sflag:$0x1] =	stream.indirect_vreg.gather [hbm4b:s6+s3], $0x80, v4, vm0, $0xb8;
	[tilespmem:$0x1B800] =	vst v63  }
0x1be: {  	_ = 	snop  }
0x1bf: {  	[tilespmem:s10], [sflag:$0x1] =	stream.indirect_vreg.gather [hbm4b:s1+s3], $0x80, v3, vm0, $0xb8;
	[tilespmem:$0x1B800] =	vst v63  }
0x1c0: {  	_ = 	snop  }
0x1c1: {  	[tilespmem:s22], [sflag:$0x1] =	stream.indirect_vreg.gather [hbm4b:s5+s3], $0x80, v3, vm0, $0xb8;
	[tilespmem:$0x1B800] =	vst v63  }
0x1c2: {  	s22 =	simm.s32 $0x6000  }
0x1c3: {  	[tilespmem:s22], [sflag:$0x1] =	stream.indirect_vreg.gather [hbm4b:s6+s3], $0x80, v3, vm0, $0xb8;
	[tilespmem:$0x1B800] =	vst v63  }
0x1c4: {  	v3 =	vld [tilespmem:$0x220];
	_ =	sdelay $0x4  }
0x1c5: {  	v62 =	vshrl.u32 v3, $0x3  }
0x1c6: {  	v4 =	vmul.u32 $0x30, v62  }
0x1c7: {  	v3 =	vand.u32 $0x7, v3  }
0x1c8: {  	v3 =	vor.u32 v3, v4  }
0x1c9: {  	v4 =	vperm.xlane v3, v0;
	_ =	sdelay $0x1  }
0x1ca: {  	v4 =	vadd.s32 v1, v4;
	_ =	sdelay $0x3  }
0x1cb: {  	s22 =	simm.s32 $0x6800;
	v3 =	vperm.xlane v3, v2  }
0x1cc: {  	[tilespmem:s22], [sflag:$0x1] =	stream.indirect_vreg.gather [hbm4b:s1+s3], $0x80, v4, vm0, $0xb8;
	[tilespmem:$0x1B800] =	vst v63  }
0x1cd: {  	v3 =	vadd.s32 v1, v3  }
0x1ce: {  	[tilespmem:s24], [sflag:$0x1] =	stream.indirect_vreg.gather [hbm4b:s5+s3], $0x80, v4, vm0, $0xb8;
	[tilespmem:$0x1B800] =	vst v63  }
0x1cf: {  	_ = 	snop  }
0x1d0: {  	[tilespmem:s25], [sflag:$0x1] =	stream.indirect_vreg.gather [hbm4b:s6+s3], $0x80, v4, vm0, $0xb8;
	[tilespmem:$0x1B800] =	vst v63  }
0x1d1: {  	_ = 	snop  }
0x1d2: {  	[tilespmem:s26], [sflag:$0x1] =	stream.indirect_vreg.gather [hbm4b:s1+s3], $0x80, v3, vm0, $0xb8;
	[tilespmem:$0x1B800] =	vst v63  }
0x1d3: {  	_ = 	snop  }
0x1d4: {  	[tilespmem:s28], [sflag:$0x1] =	stream.indirect_vreg.gather [hbm4b:s5+s3], $0x80, v3, vm0, $0xb8;
	[tilespmem:$0x1B800] =	vst v63  }
0x1d5: {  	s28 =	simm.s32 $0x9000  }
0x1d6: {  	[tilespmem:s28], [sflag:$0x1] =	stream.indirect_vreg.gather [hbm4b:s6+s3], $0x80, v3, vm0, $0xb8;
	[tilespmem:$0x1B800] =	vst v63  }
0x1d7: {  	v3 =	vld [tilespmem:$0x230];
	_ =	sdelay $0x4  }
0x1d8: {  	v63 =	vshrl.u32 v3, $0x3  }
0x1d9: {  	v4 =	vmul.u32 $0x30, v63  }
0x1da: {  	v3 =	vand.u32 $0x7, v3  }
0x1db: {  	v3 =	vor.u32 v3, v4  }
0x1dc: {  	v4 =	vperm.xlane v3, v0;
	_ =	sdelay $0x1  }
0x1dd: {  	v4 =	vadd.s32 v1, v4;
	_ =	sdelay $0x3  }
0x1de: {  	s28 =	simm.s32 $0x9800;
	v3 =	vperm.xlane v3, v2  }
0x1df: {  	[tilespmem:s28], [sflag:$0x1] =	stream.indirect_vreg.gather [hbm4b:s1+s3], $0x80, v4, vm0, $0xb8;
	[tilespmem:$0x1B800] =	vst v63  }
0x1e0: {  	v3 =	vadd.s32 v1, v3  }
0x1e1: {  	[tilespmem:s29], [sflag:$0x1] =	stream.indirect_vreg.gather [hbm4b:s5+s3], $0x80, v4, vm0, $0xb8;
	[tilespmem:$0x1B800] =	vst v63  }
0x1e2: {  	_ = 	snop  }
0x1e3: {  	[tilespmem:s12], [sflag:$0x1] =	stream.indirect_vreg.gather [hbm4b:s6+s3], $0x80, v4, vm0, $0xb8;
	[tilespmem:$0x1B800] =	vst v63  }
0x1e4: {  	_ = 	snop  }
0x1e5: {  	[tilespmem:s13], [sflag:$0x1] =	stream.indirect_vreg.gather [hbm4b:s1+s3], $0x80, v3, vm0, $0xb8;
	[tilespmem:$0x1B800] =	vst v63  }
0x1e6: {  	_ = 	snop  }
0x1e7: {  	[tilespmem:s19], [sflag:$0x1] =	stream.indirect_vreg.gather [hbm4b:s5+s3], $0x80, v3, vm0, $0xb8;
	[tilespmem:$0x1B800] =	vst v63  }
0x1e8: {  	s29 =	simm.s32 $0xC000  }
0x1e9: {  	[tilespmem:s29], [sflag:$0x1] =	stream.indirect_vreg.gather [hbm4b:s6+s3], $0x80, v3, vm0, $0xb8;
	[tilespmem:$0x1B800] =	vst v63  }
0x1ea: {  	v3 =	vld.msk [tilespmem:$0x240], $0xff;
	_ =	sdelay $0x4  }
0x1eb: {  	v8 =	vshrl.u32 v3, $0x3  }
0x1ec: {  	v4 =	vmul.u32 $0x30, v8  }
0x1ed: {  	v3 =	vand.u32 $0x7, v3  }
0x1ee: {  	v3 =	vor.u32 v3, v4  }
0x1ef: {  	v3 =	vperm.xlane v3, v0;
	_ =	sdelay $0x1  }
0x1f0: {  	v3 =	vadd.s32 v1, v3;
	_ =	sdelay $0x4  }
0x1f1: {  	[tilespmem:s20], [sflag:$0x1] =	stream.indirect_vreg.gather [hbm4b:s1+s3], $0x80, v3, vm0, $0xb8;
	[tilespmem:$0x1B800] =	vst v63  }
0x1f2: {  	_ = 	snop  }
0x1f3: {  	[tilespmem:s21], [sflag:$0x1] =	stream.indirect_vreg.gather [hbm4b:s5+s3], $0x80, v3, vm0, $0xb8;
	[tilespmem:$0x1B800] =	vst v63  }
0x1f4: {  	s29 =	simm.s32 $0xD800  }
0x1f5: {  	[tilespmem:s29], [sflag:$0x1] =	stream.indirect_vreg.gather [hbm4b:s6+s3], $0x80, v3, vm0, $0xb8;
	[tilespmem:$0x1B800] =	vst v63  }
0x1f6: {  	_ =	swait.ge [sflag:s16], $0xD800  }
0x1f7: {  	[sflag:s16] =	ssyncset.done $0x0  }
0x1f8: {  	s29 =	rddreg [dreg:$0x7];
	[sflag:s16] =	ssyncadd.s32 $0xFFFF2800  }
0x1f9: {  	[hbm4b:s29+s3] =	stream.linear.scatter [tilespmem:s11], [sflag:$0x4], $0xD800, $0x38;
	[tilespmem:$0x1B800] =	vst v63  }
0x1fa: {  	_ =	swait.ge [sflag:s17], $0xD800  }
0x1fb: {  	[sflag:s17] =	ssyncset.done $0x0  }
0x1fc: {  	[sflag:s17] =	ssyncadd.s32 $0xFFFF2800  }
0x1fd: {  	v3 =	vld [tilespmem:$0x280];
	_ =	sdelay $0x4  }
0x1fe: {  	v9 =	vshrl.u32 v3, $0x3  }
0x1ff: {  	v4 =	vmul.u32 $0x30, v9  }
0x200: {  	v3 =	vand.u32 $0x7, v3  }
0x201: {  	v3 =	vor.u32 v3, v4  }
0x202: {  	v4 =	vperm.xlane v3, v0;
	_ =	sdelay $0x1  }
0x203: {  	v4 =	vadd.s32 v1, v4;
	_ =	sdelay $0x3  }
0x204: {  	v3 =	vperm.xlane v3, v2  }
0x205: {  	[tilespmem:s11], [sflag:$0x2] =	stream.indirect_vreg.gather [hbm4b:s1+s3], $0x80, v4, vm0, $0xb8;
	[tilespmem:$0x1B800] =	vst v63  }
0x206: {  	s30 =	simm.s32 $0xE800;
	v3 =	vadd.s32 v1, v3  }
0x207: {  	[tilespmem:s30], [sflag:$0x2] =	stream.indirect_vreg.gather [hbm4b:s5+s3], $0x80, v4, vm0, $0xb8;
	[tilespmem:$0x1B800] =	vst v63  }
0x208: {  	s30 =	simm.s32 $0xF000  }
0x209: {  	[tilespmem:s30], [sflag:$0x2] =	stream.indirect_vreg.gather [hbm4b:s6+s3], $0x80, v4, vm0, $0xb8;
	[tilespmem:$0x1B800] =	vst v63  }
0x20a: {  	s18 =	simm.s32 $0xF800  }
0x20b: {  	[tilespmem:s18], [sflag:$0x2] =	stream.indirect_vreg.gather [hbm4b:s1+s3], $0x80, v3, vm0, $0xb8;
	[tilespmem:$0x1B800] =	vst v63  }
0x20c: {  	s18 =	simm.s32 $0x10000  }
0x20d: {  	[tilespmem:s18], [sflag:$0x2] =	stream.indirect_vreg.gather [hbm4b:s5+s3], $0x80, v3, vm0, $0xb8;
	[tilespmem:$0x1B800] =	vst v63  }
0x20e: {  	s18 =	simm.s32 $0x10800  }
0x20f: {  	[tilespmem:s18], [sflag:$0x2] =	stream.indirect_vreg.gather [hbm4b:s6+s3], $0x80, v3, vm0, $0xb8;
	[tilespmem:$0x1B800] =	vst v63  }
0x210: {  	v3 =	vld [tilespmem:$0x290];
	_ =	sdelay $0x4  }
0x211: {  	v10 =	vshrl.u32 v3, $0x3  }
0x212: {  	v4 =	vmul.u32 $0x30, v10  }
0x213: {  	v3 =	vand.u32 $0x7, v3  }
0x214: {  	v3 =	vor.u32 v3, v4  }
0x215: {  	v4 =	vperm.xlane v3, v0;
	_ =	sdelay $0x1  }
0x216: {  	v4 =	vadd.s32 v1, v4;
	_ =	sdelay $0x3  }
0x217: {  	s18 =	simm.s32 $0x11000;
	v3 =	vperm.xlane v3, v2  }
0x218: {  	[tilespmem:s18], [sflag:$0x2] =	stream.indirect_vreg.gather [hbm4b:s1+s3], $0x80, v4, vm0, $0xb8;
	[tilespmem:$0x1B800] =	vst v63  }
0x219: {  	s31 =	simm.s32 $0x11800;
	v3 =	vadd.s32 v1, v3  }
0x21a: {  	[tilespmem:s31], [sflag:$0x2] =	stream.indirect_vreg.gather [hbm4b:s5+s3], $0x80, v4, vm0, $0xb8;
	[tilespmem:$0x1B800] =	vst v63  }
0x21b: {  	s18 =	simm.s32 $0x12000  }
0x21c: {  	[tilespmem:s18], [sflag:$0x2] =	stream.indirect_vreg.gather [hbm4b:s6+s3], $0x80, v4, vm0, $0xb8;
	[tilespmem:$0x1B800] =	vst v63  }
0x21d: {  	s18 =	simm.s32 $0x12800  }
0x21e: {  	[tilespmem:s18], [sflag:$0x2] =	stream.indirect_vreg.gather [hbm4b:s1+s3], $0x80, v3, vm0, $0xb8;
	[tilespmem:$0x1B800] =	vst v63  }
0x21f: {  	s18 =	simm.s32 $0x13000  }
0x220: {  	[tilespmem:s18], [sflag:$0x2] =	stream.indirect_vreg.gather [hbm4b:s5+s3], $0x80, v3, vm0, $0xb8;
	[tilespmem:$0x1B800] =	vst v63  }
0x221: {  	s18 =	simm.s32 $0x13800  }
0x222: {  	[tilespmem:s18], [sflag:$0x2] =	stream.indirect_vreg.gather [hbm4b:s6+s3], $0x80, v3, vm0, $0xb8;
	[tilespmem:$0x1B800] =	vst v63  }
0x223: {  	v3 =	vld [tilespmem:$0x2A0];
	_ =	sdelay $0x4  }
0x224: {  	v11 =	vshrl.u32 v3, $0x3  }
0x225: {  	v4 =	vmul.u32 $0x30, v11  }
0x226: {  	v3 =	vand.u32 $0x7, v3  }
0x227: {  	v3 =	vor.u32 v3, v4  }
0x228: {  	v4 =	vperm.xlane v3, v0;
	_ =	sdelay $0x1  }
0x229: {  	v4 =	vadd.s32 v1, v4;
	_ =	sdelay $0x3  }
0x22a: {  	s18 =	simm.s32 $0x14000;
	v3 =	vperm.xlane v3, v2  }
0x22b: {  	[tilespmem:s18], [sflag:$0x2] =	stream.indirect_vreg.gather [hbm4b:s1+s3], $0x80, v4, vm0, $0xb8;
	[tilespmem:$0x1B800] =	vst v63  }
0x22c: {  	v3 =	vadd.s32 v1, v3;
	s18 =	simm.s32 $0x14800  }
0x22d: {  	[tilespmem:s18], [sflag:$0x2] =	stream.indirect_vreg.gather [hbm4b:s5+s3], $0x80, v4, vm0, $0xb8;
	[tilespmem:$0x1B800] =	vst v63  }
0x22e: {  	s18 =	simm.s32 $0x15000  }
0x22f: {  	[tilespmem:s18], [sflag:$0x2] =	stream.indirect_vreg.gather [hbm4b:s6+s3], $0x80, v4, vm0, $0xb8;
	[tilespmem:$0x1B800] =	vst v63  }
0x230: {  	s18 =	simm.s32 $0x15800  }
0x231: {  	[tilespmem:s18], [sflag:$0x2] =	stream.indirect_vreg.gather [hbm4b:s1+s3], $0x80, v3, vm0, $0xb8;
	[tilespmem:$0x1B800] =	vst v63  }
0x232: {  	s18 =	simm.s32 $0x16000  }
0x233: {  	[tilespmem:s18], [sflag:$0x2] =	stream.indirect_vreg.gather [hbm4b:s5+s3], $0x80, v3, vm0, $0xb8;
	[tilespmem:$0x1B800] =	vst v63  }
0x234: {  	s18 =	simm.s32 $0x16800  }
0x235: {  	[tilespmem:s18], [sflag:$0x2] =	stream.indirect_vreg.gather [hbm4b:s6+s3], $0x80, v3, vm0, $0xb8;
	[tilespmem:$0x1B800] =	vst v63  }
0x236: {  	v3 =	vld [tilespmem:$0x2B0];
	_ =	sdelay $0x4  }
0x237: {  	v12 =	vshrl.u32 v3, $0x3  }
0x238: {  	v4 =	vmul.u32 $0x30, v12  }
0x239: {  	v3 =	vand.u32 $0x7, v3  }
0x23a: {  	v3 =	vor.u32 v3, v4  }
0x23b: {  	v4 =	vperm.xlane v3, v0;
	_ =	sdelay $0x1  }
0x23c: {  	v4 =	vadd.s32 v1, v4;
	_ =	sdelay $0x3  }
0x23d: {  	s18 =	simm.s32 $0x17000;
	v3 =	vperm.xlane v3, v2  }
0x23e: {  	[tilespmem:s18], [sflag:$0x2] =	stream.indirect_vreg.gather [hbm4b:s1+s3], $0x80, v4, vm0, $0xb8;
	[tilespmem:$0x1B800] =	vst v63  }
0x23f: {  	v3 =	vadd.s32 v1, v3;
	s18 =	simm.s32 $0x17800  }
0x240: {  	[tilespmem:s18], [sflag:$0x2] =	stream.indirect_vreg.gather [hbm4b:s5+s3], $0x80, v4, vm0, $0xb8;
	[tilespmem:$0x1B800] =	vst v63  }
0x241: {  	s18 =	simm.s32 $0x18000  }
0x242: {  	[tilespmem:s18], [sflag:$0x2] =	stream.indirect_vreg.gather [hbm4b:s6+s3], $0x80, v4, vm0, $0xb8;
	[tilespmem:$0x1B800] =	vst v63  }
0x243: {  	s18 =	simm.s32 $0x18800  }
0x244: {  	[tilespmem:s18], [sflag:$0x2] =	stream.indirect_vreg.gather [hbm4b:s1+s3], $0x80, v3, vm0, $0xb8;
	[tilespmem:$0x1B800] =	vst v63  }
0x245: {  	s18 =	simm.s32 $0x19000  }
0x246: {  	[tilespmem:s18], [sflag:$0x2] =	stream.indirect_vreg.gather [hbm4b:s5+s3], $0x80, v3, vm0, $0xb8;
	[tilespmem:$0x1B800] =	vst v63  }
0x247: {  	s18 =	simm.s32 $0x19800  }
0x248: {  	[tilespmem:s18], [sflag:$0x2] =	stream.indirect_vreg.gather [hbm4b:s6+s3], $0x80, v3, vm0, $0xb8;
	[tilespmem:$0x1B800] =	vst v63  }
0x249: {  	v3 =	vld.msk [tilespmem:$0x2C0], $0xff;
	_ =	sdelay $0x4  }
0x24a: {  	v13 =	vshrl.u32 v3, $0x3  }
0x24b: {  	v4 =	vmul.u32 $0x30, v13  }
0x24c: {  	v3 =	vand.u32 $0x7, v3  }
0x24d: {  	v3 =	vor.u32 v3, v4  }
0x24e: {  	v3 =	vperm.xlane v3, v0;
	_ =	sdelay $0x1  }
0x24f: {  	v3 =	vadd.s32 v1, v3;
	_ =	sdelay $0x3  }
0x250: {  	s18 =	simm.s32 $0x1A000  }
0x251: {  	[tilespmem:s18], [sflag:$0x2] =	stream.indirect_vreg.gather [hbm4b:s1+s3], $0x80, v3, vm0, $0xb8;
	[tilespmem:$0x1B800] =	vst v63  }
0x252: {  	s18 =	simm.s32 $0x1A800  }
0x253: {  	[tilespmem:s18], [sflag:$0x2] =	stream.indirect_vreg.gather [hbm4b:s5+s3], $0x80, v3, vm0, $0xb8;
	[tilespmem:$0x1B800] =	vst v63  }
0x254: {  	s18 =	simm.s32 $0x1B000  }
0x255: {  	[tilespmem:s18], [sflag:$0x2] =	stream.indirect_vreg.gather [hbm4b:s6+s3], $0x80, v3, vm0, $0xb8;
	[tilespmem:$0x1B800] =	vst v63  }
0x256: {  	_ =	swait.ge [sflag:s14], $0xD800  }
0x257: {  	[sflag:s14] =	ssyncset.done $0x0  }
0x258: {  	s18 =	rddreg [dreg:$0x8];
	[sflag:s14] =	ssyncadd.s32 $0xFFFF2800  }
0x259: {  	[hbm4b:s18+s3] =	stream.linear.scatter [tilespmem:s23], [sflag:$0x3], $0xD800, $0x38;
	[tilespmem:$0x1B800] =	vst v63  }
0x25a: {  	_ =	swait.ge [sflag:s15], $0xD800  }
0x25b: {  	[sflag:s15] =	ssyncset.done $0x0  }
0x25c: {  	[sflag:s15] =	ssyncadd.s32 $0xFFFF2800  }
0x25d: {  	v3 =	vld [tilespmem:$0x300];
	_ =	sdelay $0x4  }
0x25e: {  	v14 =	vshrl.u32 v3, $0x3  }
0x25f: {  	v4 =	vmul.u32 $0x30, v14  }
0x260: {  	v3 =	vand.u32 $0x7, v3  }
0x261: {  	v3 =	vor.u32 v3, v4  }
0x262: {  	v4 =	vperm.xlane v3, v0;
	_ =	sdelay $0x1  }
0x263: {  	v4 =	vadd.s32 v1, v4;
	_ =	sdelay $0x3  }
0x264: {  	v3 =	vperm.xlane v3, v2  }
0x265: {  	[tilespmem:s23], [sflag:$0x1] =	stream.indirect_vreg.gather [hbm4b:s1+s3], $0x80, v4, vm0, $0xb8;
	[tilespmem:$0x1B800] =	vst v63  }
0x266: {  	s18 =	simm.s32 $0x1000;
	v3 =	vadd.s32 v1, v3  }
0x267: {  	[tilespmem:s18], [sflag:$0x1] =	stream.indirect_vreg.gather [hbm4b:s5+s3], $0x80, v4, vm0, $0xb8;
	[tilespmem:$0x1B800] =	vst v63  }
0x268: {  	s0 =	simm.s32 $0x1800  }
0x269: {  	[tilespmem:s0], [sflag:$0x1] =	stream.indirect_vreg.gather [hbm4b:s6+s3], $0x80, v4, vm0, $0xb8;
	[tilespmem:$0x1B800] =	vst v63  }
0x26a: {  	s4 =	simm.s32 $0x2000  }
0x26b: {  	[tilespmem:s4], [sflag:$0x1] =	stream.indirect_vreg.gather [hbm4b:s1+s3], $0x80, v3, vm0, $0xb8;
	[tilespmem:$0x1B800] =	vst v63  }
0x26c: {  	s7 =	simm.s32 $0x2800  }
0x26d: {  	[tilespmem:s7], [sflag:$0x1] =	stream.indirect_vreg.gather [hbm4b:s5+s3], $0x80, v3, vm0, $0xb8;
	[tilespmem:$0x1B800] =	vst v63  }
0x26e: {  	s18 =	simm.s32 $0x3000  }
0x26f: {  	[tilespmem:s18], [sflag:$0x1] =	stream.indirect_vreg.gather [hbm4b:s6+s3], $0x80, v3, vm0, $0xb8;
	[tilespmem:$0x1B800] =	vst v63  }
0x270: {  	v3 =	vld [tilespmem:$0x310];
	_ =	sdelay $0x4  }
0x271: {  	v15 =	vshrl.u32 v3, $0x3  }
0x272: {  	v4 =	vmul.u32 $0x30, v15  }
0x273: {  	v3 =	vand.u32 $0x7, v3  }
0x274: {  	v3 =	vor.u32 v3, v4  }
0x275: {  	v4 =	vperm.xlane v3, v0;
	_ =	sdelay $0x1  }
0x276: {  	v4 =	vadd.s32 v1, v4;
	_ =	sdelay $0x3  }
0x277: {  	s18 =	simm.s32 $0x3800;
	v3 =	vperm.xlane v3, v2  }
0x278: {  	[tilespmem:s18], [sflag:$0x1] =	stream.indirect_vreg.gather [hbm4b:s1+s3], $0x80, v4, vm0, $0xb8;
	[tilespmem:$0x1B800] =	vst v63  }
0x279: {  	s8 =	simm.s32 $0x4000;
	v3 =	vadd.s32 v1, v3  }
0x27a: {  	[tilespmem:s8], [sflag:$0x1] =	stream.indirect_vreg.gather [hbm4b:s5+s3], $0x80, v4, vm0, $0xb8;
	[tilespmem:$0x1B800] =	vst v63  }
0x27b: {  	s9 =	simm.s32 $0x4800  }
0x27c: {  	[tilespmem:s9], [sflag:$0x1] =	stream.indirect_vreg.gather [hbm4b:s6+s3], $0x80, v4, vm0, $0xb8;
	[tilespmem:$0x1B800] =	vst v63  }
0x27d: {  	s10 =	simm.s32 $0x5000  }
0x27e: {  	[tilespmem:s10], [sflag:$0x1] =	stream.indirect_vreg.gather [hbm4b:s1+s3], $0x80, v3, vm0, $0xb8;
	[tilespmem:$0x1B800] =	vst v63  }
0x27f: {  	s2 =	simm.s32 $0x5800  }
0x280: {  	[tilespmem:s2], [sflag:$0x1] =	stream.indirect_vreg.gather [hbm4b:s5+s3], $0x80, v3, vm0, $0xb8;
	[tilespmem:$0x1B800] =	vst v63  }
0x281: {  	s18 =	simm.s32 $0x6000  }
0x282: {  	[tilespmem:s18], [sflag:$0x1] =	stream.indirect_vreg.gather [hbm4b:s6+s3], $0x80, v3, vm0, $0xb8;
	[tilespmem:$0x1B800] =	vst v63  }
0x283: {  	v3 =	vld [tilespmem:$0x320];
	_ =	sdelay $0x4  }
0x284: {  	v16 =	vshrl.u32 v3, $0x3  }
0x285: {  	v4 =	vmul.u32 $0x30, v16  }
0x286: {  	v3 =	vand.u32 $0x7, v3  }
0x287: {  	v3 =	vor.u32 v3, v4  }
0x288: {  	v4 =	vperm.xlane v3, v0;
	_ =	sdelay $0x1  }
0x289: {  	v4 =	vadd.s32 v1, v4;
	_ =	sdelay $0x3  }
0x28a: {  	s18 =	simm.s32 $0x6800;
	v3 =	vperm.xlane v3, v2  }
0x28b: {  	[tilespmem:s18], [sflag:$0x1] =	stream.indirect_vreg.gather [hbm4b:s1+s3], $0x80, v4, vm0, $0xb8;
	[tilespmem:$0x1B800] =	vst v63  }
0x28c: {  	s24 =	simm.s32 $0x7000;
	v3 =	vadd.s32 v1, v3  }
0x28d: {  	[tilespmem:s24], [sflag:$0x1] =	stream.indirect_vreg.gather [hbm4b:s5+s3], $0x80, v4, vm0, $0xb8;
	[tilespmem:$0x1B800] =	vst v63  }
0x28e: {  	s22 =	simm.s32 $0x7800  }
0x28f: {  	[tilespmem:s22], [sflag:$0x1] =	stream.indirect_vreg.gather [hbm4b:s6+s3], $0x80, v4, vm0, $0xb8;
	[tilespmem:$0x1B800] =	vst v63  }
0x290: {  	s25 =	simm.s32 $0x8000  }
0x291: {  	[tilespmem:s25], [sflag:$0x1] =	stream.indirect_vreg.gather [hbm4b:s1+s3], $0x80, v3, vm0, $0xb8;
	[tilespmem:$0x1B800] =	vst v63  }
0x292: {  	s26 =	simm.s32 $0x8800  }
0x293: {  	[tilespmem:s26], [sflag:$0x1] =	stream.indirect_vreg.gather [hbm4b:s5+s3], $0x80, v3, vm0, $0xb8;
	[tilespmem:$0x1B800] =	vst v63  }
0x294: {  	s18 =	simm.s32 $0x9000  }
0x295: {  	[tilespmem:s18], [sflag:$0x1] =	stream.indirect_vreg.gather [hbm4b:s6+s3], $0x80, v3, vm0, $0xb8;
	[tilespmem:$0x1B800] =	vst v63  }
0x296: {  	v3 =	vld [tilespmem:$0x330];
	_ =	sdelay $0x4  }
0x297: {  	v17 =	vshrl.u32 v3, $0x3  }
0x298: {  	v4 =	vmul.u32 $0x30, v17  }
0x299: {  	v3 =	vand.u32 $0x7, v3  }
0x29a: {  	v3 =	vor.u32 v3, v4  }
0x29b: {  	v4 =	vperm.xlane v3, v0;
	_ =	sdelay $0x1  }
0x29c: {  	v4 =	vadd.s32 v1, v4;
	_ =	sdelay $0x3  }
0x29d: {  	s18 =	simm.s32 $0x9800;
	v3 =	vperm.xlane v3, v2  }
0x29e: {  	[tilespmem:s18], [sflag:$0x1] =	stream.indirect_vreg.gather [hbm4b:s1+s3], $0x80, v4, vm0, $0xb8;
	[tilespmem:$0x1B800] =	vst v63  }
0x29f: {  	s28 =	simm.s32 $0xA000;
	v3 =	vadd.s32 v1, v3  }
0x2a0: {  	[tilespmem:s28], [sflag:$0x1] =	stream.indirect_vreg.gather [hbm4b:s5+s3], $0x80, v4, vm0, $0xb8;
	[tilespmem:$0x1B800] =	vst v63  }
0x2a1: {  	s12 =	simm.s32 $0xA800  }
0x2a2: {  	[tilespmem:s12], [sflag:$0x1] =	stream.indirect_vreg.gather [hbm4b:s6+s3], $0x80, v4, vm0, $0xb8;
	[tilespmem:$0x1B800] =	vst v63  }
0x2a3: {  	s13 =	simm.s32 $0xB000  }
0x2a4: {  	[tilespmem:s13], [sflag:$0x1] =	stream.indirect_vreg.gather [hbm4b:s1+s3], $0x80, v3, vm0, $0xb8;
	[tilespmem:$0x1B800] =	vst v63  }
0x2a5: {  	s19 =	simm.s32 $0xB800  }
0x2a6: {  	[tilespmem:s19], [sflag:$0x1] =	stream.indirect_vreg.gather [hbm4b:s5+s3], $0x80, v3, vm0, $0xb8;
	[tilespmem:$0x1B800] =	vst v63  }
0x2a7: {  	s18 =	simm.s32 $0xC000  }
0x2a8: {  	[tilespmem:s18], [sflag:$0x1] =	stream.indirect_vreg.gather [hbm4b:s6+s3], $0x80, v3, vm0, $0xb8;
	[tilespmem:$0x1B800] =	vst v63  }
0x2a9: {  	v3 =	vld.msk [tilespmem:$0x340], $0xff;
	_ =	sdelay $0x4  }
0x2aa: {  	v18 =	vshrl.u32 v3, $0x3  }
0x2ab: {  	v4 =	vmul.u32 $0x30, v18  }
0x2ac: {  	v3 =	vand.u32 $0x7, v3  }
0x2ad: {  	v3 =	vor.u32 v3, v4  }
0x2ae: {  	v3 =	vperm.xlane v3, v0;
	_ =	sdelay $0x1  }
0x2af: {  	v3 =	vadd.s32 v1, v3;
	_ =	sdelay $0x3  }
0x2b0: {  	s20 =	simm.s32 $0xC800  }
0x2b1: {  	[tilespmem:s20], [sflag:$0x1] =	stream.indirect_vreg.gather [hbm4b:s1+s3], $0x80, v3, vm0, $0xb8;
	[tilespmem:$0x1B800] =	vst v63  }
0x2b2: {  	s21 =	simm.s32 $0xD000  }
0x2b3: {  	[tilespmem:s21], [sflag:$0x1] =	stream.indirect_vreg.gather [hbm4b:s5+s3], $0x80, v3, vm0, $0xb8;
	[tilespmem:$0x1B800] =	vst v63  }
0x2b4: {  	s18 =	simm.s32 $0xD800  }
0x2b5: {  	[tilespmem:s18], [sflag:$0x1] =	stream.indirect_vreg.gather [hbm4b:s6+s3], $0x80, v3, vm0, $0xb8;
	[tilespmem:$0x1B800] =	vst v63  }
0x2b6: {  	_ =	swait.ge [sflag:s16], $0xD800  }
0x2b7: {  	[sflag:s16] =	ssyncset.done $0x0  }
0x2b8: {  	s18 =	rddreg [dreg:$0x9];
	[sflag:s16] =	ssyncadd.s32 $0xFFFF2800  }
0x2b9: {  	[hbm4b:s18+s3] =	stream.linear.scatter [tilespmem:s11], [sflag:$0x4], $0xD800, $0x38;
	[tilespmem:$0x1B800] =	vst v63  }
0x2ba: {  	_ =	swait.ge [sflag:s17], $0xD800  }
0x2bb: {  	[sflag:s17] =	ssyncset.done $0x0  }
0x2bc: {  	[sflag:s17] =	ssyncadd.s32 $0xFFFF2800  }
0x2bd: {  	v3 =	vld [tilespmem:$0x380];
	_ =	sdelay $0x4  }
0x2be: {  	v19 =	vshrl.u32 v3, $0x3  }
0x2bf: {  	v4 =	vmul.u32 $0x30, v19  }
0x2c0: {  	v3 =	vand.u32 $0x7, v3  }
0x2c1: {  	v3 =	vor.u32 v3, v4  }
0x2c2: {  	v4 =	vperm.xlane v3, v0;
	_ =	sdelay $0x1  }
0x2c3: {  	v4 =	vadd.s32 v1, v4;
	_ =	sdelay $0x3  }
0x2c4: {  	v3 =	vperm.xlane v3, v2  }
0x2c5: {  	[tilespmem:s11], [sflag:$0x2] =	stream.indirect_vreg.gather [hbm4b:s1+s3], $0x80, v4, vm0, $0xb8;
	[tilespmem:$0x1B800] =	vst v63  }
0x2c6: {  	s29 =	simm.s32 $0xE800;
	v3 =	vadd.s32 v1, v3  }
0x2c7: {  	[tilespmem:s29], [sflag:$0x2] =	stream.indirect_vreg.gather [hbm4b:s5+s3], $0x80, v4, vm0, $0xb8;
	[tilespmem:$0x1B800] =	vst v63  }
0x2c8: {  	s30 =	simm.s32 $0xF000  }
0x2c9: {  	[tilespmem:s30], [sflag:$0x2] =	stream.indirect_vreg.gather [hbm4b:s6+s3], $0x80, v4, vm0, $0xb8;
	[tilespmem:$0x1B800] =	vst v63  }
0x2ca: {  	s18 =	simm.s32 $0xF800  }
0x2cb: {  	[tilespmem:s18], [sflag:$0x2] =	stream.indirect_vreg.gather [hbm4b:s1+s3], $0x80, v3, vm0, $0xb8;
	[tilespmem:$0x1B800] =	vst v63  }
0x2cc: {  	s18 =	simm.s32 $0x10000  }
0x2cd: {  	[tilespmem:s18], [sflag:$0x2] =	stream.indirect_vreg.gather [hbm4b:s5+s3], $0x80, v3, vm0, $0xb8;
	[tilespmem:$0x1B800] =	vst v63  }
0x2ce: {  	s18 =	simm.s32 $0x10800  }
0x2cf: {  	[tilespmem:s18], [sflag:$0x2] =	stream.indirect_vreg.gather [hbm4b:s6+s3], $0x80, v3, vm0, $0xb8;
	[tilespmem:$0x1B800] =	vst v63  }
0x2d0: {  	v3 =	vld [tilespmem:$0x390];
	_ =	sdelay $0x4  }
0x2d1: {  	v20 =	vshrl.u32 v3, $0x3  }
0x2d2: {  	v4 =	vmul.u32 $0x30, v20  }
0x2d3: {  	v3 =	vand.u32 $0x7, v3  }
0x2d4: {  	v3 =	vor.u32 v3, v4  }
0x2d5: {  	v4 =	vperm.xlane v3, v0;
	_ =	sdelay $0x1  }
0x2d6: {  	v4 =	vadd.s32 v1, v4;
	_ =	sdelay $0x3  }
0x2d7: {  	s18 =	simm.s32 $0x11000;
	v3 =	vperm.xlane v3, v2  }
0x2d8: {  	[tilespmem:s18], [sflag:$0x2] =	stream.indirect_vreg.gather [hbm4b:s1+s3], $0x80, v4, vm0, $0xb8;
	[tilespmem:$0x1B800] =	vst v63  }
0x2d9: {  	s31 =	simm.s32 $0x11800;
	v3 =	vadd.s32 v1, v3  }
0x2da: {  	[tilespmem:s31], [sflag:$0x2] =	stream.indirect_vreg.gather [hbm4b:s5+s3], $0x80, v4, vm0, $0xb8;
	[tilespmem:$0x1B800] =	vst v63  }
0x2db: {  	s18 =	simm.s32 $0x12000  }
0x2dc: {  	[tilespmem:s18], [sflag:$0x2] =	stream.indirect_vreg.gather [hbm4b:s6+s3], $0x80, v4, vm0, $0xb8;
	[tilespmem:$0x1B800] =	vst v63  }
0x2dd: {  	s18 =	simm.s32 $0x12800  }
0x2de: {  	[tilespmem:s18], [sflag:$0x2] =	stream.indirect_vreg.gather [hbm4b:s1+s3], $0x80, v3, vm0, $0xb8;
	[tilespmem:$0x1B800] =	vst v63  }
0x2df: {  	s18 =	simm.s32 $0x13000  }
0x2e0: {  	[tilespmem:s18], [sflag:$0x2] =	stream.indirect_vreg.gather [hbm4b:s5+s3], $0x80, v3, vm0, $0xb8;
	[tilespmem:$0x1B800] =	vst v63  }
0x2e1: {  	s18 =	simm.s32 $0x13800  }
0x2e2: {  	[tilespmem:s18], [sflag:$0x2] =	stream.indirect_vreg.gather [hbm4b:s6+s3], $0x80, v3, vm0, $0xb8;
	[tilespmem:$0x1B800] =	vst v63  }
0x2e3: {  	v3 =	vld [tilespmem:$0x3A0];
	_ =	sdelay $0x4  }
0x2e4: {  	v21 =	vshrl.u32 v3, $0x3  }
0x2e5: {  	v4 =	vmul.u32 $0x30, v21  }
0x2e6: {  	v3 =	vand.u32 $0x7, v3  }
0x2e7: {  	v3 =	vor.u32 v3, v4  }
0x2e8: {  	v4 =	vperm.xlane v3, v0;
	_ =	sdelay $0x1  }
0x2e9: {  	v4 =	vadd.s32 v1, v4;
	_ =	sdelay $0x3  }
0x2ea: {  	s18 =	simm.s32 $0x14000;
	v3 =	vperm.xlane v3, v2  }
0x2eb: {  	[tilespmem:s18], [sflag:$0x2] =	stream.indirect_vreg.gather [hbm4b:s1+s3], $0x80, v4, vm0, $0xb8;
	[tilespmem:$0x1B800] =	vst v63  }
0x2ec: {  	v3 =	vadd.s32 v1, v3;
	s18 =	simm.s32 $0x14800  }
0x2ed: {  	[tilespmem:s18], [sflag:$0x2] =	stream.indirect_vreg.gather [hbm4b:s5+s3], $0x80, v4, vm0, $0xb8;
	[tilespmem:$0x1B800] =	vst v63  }
0x2ee: {  	s18 =	simm.s32 $0x15000  }
0x2ef: {  	[tilespmem:s18], [sflag:$0x2] =	stream.indirect_vreg.gather [hbm4b:s6+s3], $0x80, v4, vm0, $0xb8;
	[tilespmem:$0x1B800] =	vst v63  }
0x2f0: {  	s18 =	simm.s32 $0x15800  }
0x2f1: {  	[tilespmem:s18], [sflag:$0x2] =	stream.indirect_vreg.gather [hbm4b:s1+s3], $0x80, v3, vm0, $0xb8;
	[tilespmem:$0x1B800] =	vst v63  }
0x2f2: {  	s18 =	simm.s32 $0x16000  }
0x2f3: {  	[tilespmem:s18], [sflag:$0x2] =	stream.indirect_vreg.gather [hbm4b:s5+s3], $0x80, v3, vm0, $0xb8;
	[tilespmem:$0x1B800] =	vst v63  }
0x2f4: {  	s18 =	simm.s32 $0x16800  }
0x2f5: {  	[tilespmem:s18], [sflag:$0x2] =	stream.indirect_vreg.gather [hbm4b:s6+s3], $0x80, v3, vm0, $0xb8;
	[tilespmem:$0x1B800] =	vst v63  }
0x2f6: {  	v3 =	vld [tilespmem:$0x3B0];
	_ =	sdelay $0x4  }
0x2f7: {  	v22 =	vshrl.u32 v3, $0x3  }
0x2f8: {  	v4 =	vmul.u32 $0x30, v22  }
0x2f9: {  	v3 =	vand.u32 $0x7, v3  }
0x2fa: {  	v3 =	vor.u32 v3, v4  }
0x2fb: {  	v4 =	vperm.xlane v3, v0;
	_ =	sdelay $0x1  }
0x2fc: {  	v4 =	vadd.s32 v1, v4;
	_ =	sdelay $0x3  }
0x2fd: {  	s18 =	simm.s32 $0x17000;
	v3 =	vperm.xlane v3, v2  }
0x2fe: {  	[tilespmem:s18], [sflag:$0x2] =	stream.indirect_vreg.gather [hbm4b:s1+s3], $0x80, v4, vm0, $0xb8;
	[tilespmem:$0x1B800] =	vst v63  }
0x2ff: {  	v3 =	vadd.s32 v1, v3;
	s18 =	simm.s32 $0x17800  }
0x300: {  	[tilespmem:s18], [sflag:$0x2] =	stream.indirect_vreg.gather [hbm4b:s5+s3], $0x80, v4, vm0, $0xb8;
	[tilespmem:$0x1B800] =	vst v63  }
0x301: {  	s18 =	simm.s32 $0x18000  }
0x302: {  	[tilespmem:s18], [sflag:$0x2] =	stream.indirect_vreg.gather [hbm4b:s6+s3], $0x80, v4, vm0, $0xb8;
	[tilespmem:$0x1B800] =	vst v63  }
0x303: {  	s18 =	simm.s32 $0x18800  }
0x304: {  	[tilespmem:s18], [sflag:$0x2] =	stream.indirect_vreg.gather [hbm4b:s1+s3], $0x80, v3, vm0, $0xb8;
	[tilespmem:$0x1B800] =	vst v63  }
0x305: {  	s18 =	simm.s32 $0x19000  }
0x306: {  	[tilespmem:s18], [sflag:$0x2] =	stream.indirect_vreg.gather [hbm4b:s5+s3], $0x80, v3, vm0, $0xb8;
	[tilespmem:$0x1B800] =	vst v63  }
0x307: {  	s18 =	simm.s32 $0x19800  }
0x308: {  	[tilespmem:s18], [sflag:$0x2] =	stream.indirect_vreg.gather [hbm4b:s6+s3], $0x80, v3, vm0, $0xb8;
	[tilespmem:$0x1B800] =	vst v63  }
0x309: {  	v3 =	vld.msk [tilespmem:$0x3C0], $0xff;
	_ =	sdelay $0x4  }
0x30a: {  	v23 =	vshrl.u32 v3, $0x3  }
0x30b: {  	v4 =	vmul.u32 $0x30, v23  }
0x30c: {  	v3 =	vand.u32 $0x7, v3  }
0x30d: {  	v3 =	vor.u32 v3, v4  }
0x30e: {  	v3 =	vperm.xlane v3, v0;
	_ =	sdelay $0x1  }
0x30f: {  	v3 =	vadd.s32 v1, v3;
	_ =	sdelay $0x3  }
0x310: {  	s18 =	simm.s32 $0x1A000  }
0x311: {  	[tilespmem:s18], [sflag:$0x2] =	stream.indirect_vreg.gather [hbm4b:s1+s3], $0x80, v3, vm0, $0xb8;
	[tilespmem:$0x1B800] =	vst v63  }
0x312: {  	s18 =	simm.s32 $0x1A800  }
0x313: {  	[tilespmem:s18], [sflag:$0x2] =	stream.indirect_vreg.gather [hbm4b:s5+s3], $0x80, v3, vm0, $0xb8;
	[tilespmem:$0x1B800] =	vst v63  }
0x314: {  	s18 =	simm.s32 $0x1B000  }
0x315: {  	[tilespmem:s18], [sflag:$0x2] =	stream.indirect_vreg.gather [hbm4b:s6+s3], $0x80, v3, vm0, $0xb8;
	[tilespmem:$0x1B800] =	vst v63  }
0x316: {  	_ =	swait.ge [sflag:s14], $0xD800  }
0x317: {  	[sflag:s14] =	ssyncset.done $0x0  }
0x318: {  	s18 =	rddreg [dreg:$0xa];
	[sflag:s14] =	ssyncadd.s32 $0xFFFF2800  }
0x319: {  	[hbm4b:s18+s3] =	stream.linear.scatter [tilespmem:s23], [sflag:$0x3], $0xD800, $0x38;
	[tilespmem:$0x1B800] =	vst v63  }
0x31a: {  	_ =	swait.ge [sflag:s15], $0xD800  }
0x31b: {  	[sflag:s15] =	ssyncset.done $0x0  }
0x31c: {  	[sflag:s15] =	ssyncadd.s32 $0xFFFF2800  }
0x31d: {  	v3 =	vld [tilespmem:$0x400];
	_ =	sdelay $0x4  }
0x31e: {  	v24 =	vshrl.u32 v3, $0x3  }
0x31f: {  	v4 =	vmul.u32 $0x30, v24  }
0x320: {  	v3 =	vand.u32 $0x7, v3  }
0x321: {  	v3 =	vor.u32 v3, v4  }
0x322: {  	v4 =	vperm.xlane v3, v0;
	_ =	sdelay $0x1  }
0x323: {  	v4 =	vadd.s32 v1, v4;
	_ =	sdelay $0x3  }
0x324: {  	v3 =	vperm.xlane v3, v2  }
0x325: {  	[tilespmem:s23], [sflag:$0x1] =	stream.indirect_vreg.gather [hbm4b:s1+s3], $0x80, v4, vm0, $0xb8;
	[tilespmem:$0x1B800] =	vst v63  }
0x326: {  	s18 =	simm.s32 $0x1000;
	v3 =	vadd.s32 v1, v3  }
0x327: {  	[tilespmem:s18], [sflag:$0x1] =	stream.indirect_vreg.gather [hbm4b:s5+s3], $0x80, v4, vm0, $0xb8;
	[tilespmem:$0x1B800] =	vst v63  }
0x328: {  	s0 =	simm.s32 $0x1800  }
0x329: {  	[tilespmem:s0], [sflag:$0x1] =	stream.indirect_vreg.gather [hbm4b:s6+s3], $0x80, v4, vm0, $0xb8;
	[tilespmem:$0x1B800] =	vst v63  }
0x32a: {  	s4 =	simm.s32 $0x2000  }
0x32b: {  	[tilespmem:s4], [sflag:$0x1] =	stream.indirect_vreg.gather [hbm4b:s1+s3], $0x80, v3, vm0, $0xb8;
	[tilespmem:$0x1B800] =	vst v63  }
0x32c: {  	s7 =	simm.s32 $0x2800  }
0x32d: {  	[tilespmem:s7], [sflag:$0x1] =	stream.indirect_vreg.gather [hbm4b:s5+s3], $0x80, v3, vm0, $0xb8;
	[tilespmem:$0x1B800] =	vst v63  }
0x32e: {  	s18 =	simm.s32 $0x3000  }
0x32f: {  	[tilespmem:s18], [sflag:$0x1] =	stream.indirect_vreg.gather [hbm4b:s6+s3], $0x80, v3, vm0, $0xb8;
	[tilespmem:$0x1B800] =	vst v63  }
0x330: {  	v3 =	vld [tilespmem:$0x410];
	_ =	sdelay $0x4  }
0x331: {  	v25 =	vshrl.u32 v3, $0x3  }
0x332: {  	v4 =	vmul.u32 $0x30, v25  }
0x333: {  	v3 =	vand.u32 $0x7, v3  }
0x334: {  	v3 =	vor.u32 v3, v4  }
0x335: {  	v4 =	vperm.xlane v3, v0;
	_ =	sdelay $0x1  }
0x336: {  	v4 =	vadd.s32 v1, v4;
	_ =	sdelay $0x3  }
0x337: {  	s18 =	simm.s32 $0x3800;
	v3 =	vperm.xlane v3, v2  }
0x338: {  	[tilespmem:s18], [sflag:$0x1] =	stream.indirect_vreg.gather [hbm4b:s1+s3], $0x80, v4, vm0, $0xb8;
	[tilespmem:$0x1B800] =	vst v63  }
0x339: {  	s8 =	simm.s32 $0x4000;
	v3 =	vadd.s32 v1, v3  }
0x33a: {  	[tilespmem:s8], [sflag:$0x1] =	stream.indirect_vreg.gather [hbm4b:s5+s3], $0x80, v4, vm0, $0xb8;
	[tilespmem:$0x1B800] =	vst v63  }
0x33b: {  	s9 =	simm.s32 $0x4800  }
0x33c: {  	[tilespmem:s9], [sflag:$0x1] =	stream.indirect_vreg.gather [hbm4b:s6+s3], $0x80, v4, vm0, $0xb8;
	[tilespmem:$0x1B800] =	vst v63  }
0x33d: {  	s10 =	simm.s32 $0x5000  }
0x33e: {  	[tilespmem:s10], [sflag:$0x1] =	stream.indirect_vreg.gather [hbm4b:s1+s3], $0x80, v3, vm0, $0xb8;
	[tilespmem:$0x1B800] =	vst v63  }
0x33f: {  	s2 =	simm.s32 $0x5800  }
0x340: {  	[tilespmem:s2], [sflag:$0x1] =	stream.indirect_vreg.gather [hbm4b:s5+s3], $0x80, v3, vm0, $0xb8;
	[tilespmem:$0x1B800] =	vst v63  }
0x341: {  	s18 =	simm.s32 $0x6000  }
0x342: {  	[tilespmem:s18], [sflag:$0x1] =	stream.indirect_vreg.gather [hbm4b:s6+s3], $0x80, v3, vm0, $0xb8;
	[tilespmem:$0x1B800] =	vst v63  }
0x343: {  	v3 =	vld [tilespmem:$0x420];
	_ =	sdelay $0x4  }
0x344: {  	v26 =	vshrl.u32 v3, $0x3  }
0x345: {  	v4 =	vmul.u32 $0x30, v26  }
0x346: {  	v3 =	vand.u32 $0x7, v3  }
0x347: {  	v3 =	vor.u32 v3, v4  }
0x348: {  	v4 =	vperm.xlane v3, v0;
	_ =	sdelay $0x1  }
0x349: {  	v4 =	vadd.s32 v1, v4;
	_ =	sdelay $0x3  }
0x34a: {  	s18 =	simm.s32 $0x6800;
	v3 =	vperm.xlane v3, v2  }
0x34b: {  	[tilespmem:s18], [sflag:$0x1] =	stream.indirect_vreg.gather [hbm4b:s1+s3], $0x80, v4, vm0, $0xb8;
	[tilespmem:$0x1B800] =	vst v63  }
0x34c: {  	s24 =	simm.s32 $0x7000;
	v3 =	vadd.s32 v1, v3  }
0x34d: {  	[tilespmem:s24], [sflag:$0x1] =	stream.indirect_vreg.gather [hbm4b:s5+s3], $0x80, v4, vm0, $0xb8;
	[tilespmem:$0x1B800] =	vst v63  }
0x34e: {  	s22 =	simm.s32 $0x7800  }
0x34f: {  	[tilespmem:s22], [sflag:$0x1] =	stream.indirect_vreg.gather [hbm4b:s6+s3], $0x80, v4, vm0, $0xb8;
	[tilespmem:$0x1B800] =	vst v63  }
0x350: {  	s25 =	simm.s32 $0x8000  }
0x351: {  	[tilespmem:s25], [sflag:$0x1] =	stream.indirect_vreg.gather [hbm4b:s1+s3], $0x80, v3, vm0, $0xb8;
	[tilespmem:$0x1B800] =	vst v63  }
0x352: {  	s26 =	simm.s32 $0x8800  }
0x353: {  	[tilespmem:s26], [sflag:$0x1] =	stream.indirect_vreg.gather [hbm4b:s5+s3], $0x80, v3, vm0, $0xb8;
	[tilespmem:$0x1B800] =	vst v63  }
0x354: {  	s18 =	simm.s32 $0x9000  }
0x355: {  	[tilespmem:s18], [sflag:$0x1] =	stream.indirect_vreg.gather [hbm4b:s6+s3], $0x80, v3, vm0, $0xb8;
	[tilespmem:$0x1B800] =	vst v63  }
0x356: {  	v3 =	vld [tilespmem:$0x430];
	_ =	sdelay $0x4  }
0x357: {  	v27 =	vshrl.u32 v3, $0x3  }
0x358: {  	v4 =	vmul.u32 $0x30, v27  }
0x359: {  	v3 =	vand.u32 $0x7, v3  }
0x35a: {  	v3 =	vor.u32 v3, v4  }
0x35b: {  	v4 =	vperm.xlane v3, v0;
	_ =	sdelay $0x1  }
0x35c: {  	v4 =	vadd.s32 v1, v4;
	_ =	sdelay $0x3  }
0x35d: {  	s18 =	simm.s32 $0x9800;
	v3 =	vperm.xlane v3, v2  }
0x35e: {  	[tilespmem:s18], [sflag:$0x1] =	stream.indirect_vreg.gather [hbm4b:s1+s3], $0x80, v4, vm0, $0xb8;
	[tilespmem:$0x1B800] =	vst v63  }
0x35f: {  	s28 =	simm.s32 $0xA000;
	v3 =	vadd.s32 v1, v3  }
0x360: {  	[tilespmem:s28], [sflag:$0x1] =	stream.indirect_vreg.gather [hbm4b:s5+s3], $0x80, v4, vm0, $0xb8;
	[tilespmem:$0x1B800] =	vst v63  }
0x361: {  	s12 =	simm.s32 $0xA800  }
0x362: {  	[tilespmem:s12], [sflag:$0x1] =	stream.indirect_vreg.gather [hbm4b:s6+s3], $0x80, v4, vm0, $0xb8;
	[tilespmem:$0x1B800] =	vst v63  }
0x363: {  	s13 =	simm.s32 $0xB000  }
0x364: {  	[tilespmem:s13], [sflag:$0x1] =	stream.indirect_vreg.gather [hbm4b:s1+s3], $0x80, v3, vm0, $0xb8;
	[tilespmem:$0x1B800] =	vst v63  }
0x365: {  	s19 =	simm.s32 $0xB800  }
0x366: {  	[tilespmem:s19], [sflag:$0x1] =	stream.indirect_vreg.gather [hbm4b:s5+s3], $0x80, v3, vm0, $0xb8;
	[tilespmem:$0x1B800] =	vst v63  }
0x367: {  	s18 =	simm.s32 $0xC000  }
0x368: {  	[tilespmem:s18], [sflag:$0x1] =	stream.indirect_vreg.gather [hbm4b:s6+s3], $0x80, v3, vm0, $0xb8;
	[tilespmem:$0x1B800] =	vst v63  }
0x369: {  	v3 =	vld.msk [tilespmem:$0x440], $0xff;
	_ =	sdelay $0x4  }
0x36a: {  	v28 =	vshrl.u32 v3, $0x3  }
0x36b: {  	v4 =	vmul.u32 $0x30, v28  }
0x36c: {  	v3 =	vand.u32 $0x7, v3  }
0x36d: {  	v3 =	vor.u32 v3, v4  }
0x36e: {  	v3 =	vperm.xlane v3, v0;
	_ =	sdelay $0x1  }
0x36f: {  	v3 =	vadd.s32 v1, v3;
	_ =	sdelay $0x3  }
0x370: {  	s20 =	simm.s32 $0xC800  }
0x371: {  	[tilespmem:s20], [sflag:$0x1] =	stream.indirect_vreg.gather [hbm4b:s1+s3], $0x80, v3, vm0, $0xb8;
	[tilespmem:$0x1B800] =	vst v63  }
0x372: {  	s21 =	simm.s32 $0xD000  }
0x373: {  	[tilespmem:s21], [sflag:$0x1] =	stream.indirect_vreg.gather [hbm4b:s5+s3], $0x80, v3, vm0, $0xb8;
	[tilespmem:$0x1B800] =	vst v63  }
0x374: {  	s18 =	simm.s32 $0xD800  }
0x375: {  	[tilespmem:s18], [sflag:$0x1] =	stream.indirect_vreg.gather [hbm4b:s6+s3], $0x80, v3, vm0, $0xb8;
	[tilespmem:$0x1B800] =	vst v63  }
0x376: {  	_ =	swait.ge [sflag:s16], $0xD800  }
0x377: {  	[sflag:s16] =	ssyncset.done $0x0  }
0x378: {  	s18 =	rddreg [dreg:$0xb];
	[sflag:s16] =	ssyncadd.s32 $0xFFFF2800  }
0x379: {  	[hbm4b:s18+s3] =	stream.linear.scatter [tilespmem:s11], [sflag:$0x4], $0xD800, $0x38;
	[tilespmem:$0x1B800] =	vst v63  }
0x37a: {  	_ =	swait.ge [sflag:s17], $0xD800  }
0x37b: {  	[sflag:s17] =	ssyncset.done $0x0  }
0x37c: {  	[sflag:s17] =	ssyncadd.s32 $0xFFFF2800  }
0x37d: {  	v3 =	vld [tilespmem:$0x480];
	_ =	sdelay $0x4  }
0x37e: {  	v29 =	vshrl.u32 v3, $0x3  }
0x37f: {  	v4 =	vmul.u32 $0x30, v29  }
0x380: {  	v3 =	vand.u32 $0x7, v3  }
0x381: {  	v3 =	vor.u32 v3, v4  }
0x382: {  	v4 =	vperm.xlane v3, v0;
	_ =	sdelay $0x1  }
0x383: {  	v4 =	vadd.s32 v1, v4;
	_ =	sdelay $0x3  }
0x384: {  	v3 =	vperm.xlane v3, v2  }
0x385: {  	[tilespmem:s11], [sflag:$0x2] =	stream.indirect_vreg.gather [hbm4b:s1+s3], $0x80, v4, vm0, $0xb8;
	[tilespmem:$0x1B800] =	vst v63  }
0x386: {  	s29 =	simm.s32 $0xE800;
	v3 =	vadd.s32 v1, v3  }
0x387: {  	[tilespmem:s29], [sflag:$0x2] =	stream.indirect_vreg.gather [hbm4b:s5+s3], $0x80, v4, vm0, $0xb8;
	[tilespmem:$0x1B800] =	vst v63  }
0x388: {  	s30 =	simm.s32 $0xF000  }
0x389: {  	[tilespmem:s30], [sflag:$0x2] =	stream.indirect_vreg.gather [hbm4b:s6+s3], $0x80, v4, vm0, $0xb8;
	[tilespmem:$0x1B800] =	vst v63  }
0x38a: {  	s18 =	simm.s32 $0xF800  }
0x38b: {  	[tilespmem:s18], [sflag:$0x2] =	stream.indirect_vreg.gather [hbm4b:s1+s3], $0x80, v3, vm0, $0xb8;
	[tilespmem:$0x1B800] =	vst v63  }
0x38c: {  	s18 =	simm.s32 $0x10000  }
0x38d: {  	[tilespmem:s18], [sflag:$0x2] =	stream.indirect_vreg.gather [hbm4b:s5+s3], $0x80, v3, vm0, $0xb8;
	[tilespmem:$0x1B800] =	vst v63  }
0x38e: {  	s18 =	simm.s32 $0x10800  }
0x38f: {  	[tilespmem:s18], [sflag:$0x2] =	stream.indirect_vreg.gather [hbm4b:s6+s3], $0x80, v3, vm0, $0xb8;
	[tilespmem:$0x1B800] =	vst v63  }
0x390: {  	v3 =	vld [tilespmem:$0x490];
	_ =	sdelay $0x4  }
0x391: {  	v30 =	vshrl.u32 v3, $0x3  }
0x392: {  	v4 =	vmul.u32 $0x30, v30  }
0x393: {  	v3 =	vand.u32 $0x7, v3  }
0x394: {  	v3 =	vor.u32 v3, v4  }
0x395: {  	v4 =	vperm.xlane v3, v0;
	_ =	sdelay $0x1  }
0x396: {  	v4 =	vadd.s32 v1, v4;
	_ =	sdelay $0x3  }
0x397: {  	s18 =	simm.s32 $0x11000;
	v3 =	vperm.xlane v3, v2  }
0x398: {  	[tilespmem:s18], [sflag:$0x2] =	stream.indirect_vreg.gather [hbm4b:s1+s3], $0x80, v4, vm0, $0xb8;
	[tilespmem:$0x1B800] =	vst v63  }
0x399: {  	s31 =	simm.s32 $0x11800;
	v3 =	vadd.s32 v1, v3  }
0x39a: {  	[tilespmem:s31], [sflag:$0x2] =	stream.indirect_vreg.gather [hbm4b:s5+s3], $0x80, v4, vm0, $0xb8;
	[tilespmem:$0x1B800] =	vst v63  }
0x39b: {  	s18 =	simm.s32 $0x12000  }
0x39c: {  	[tilespmem:s18], [sflag:$0x2] =	stream.indirect_vreg.gather [hbm4b:s6+s3], $0x80, v4, vm0, $0xb8;
	[tilespmem:$0x1B800] =	vst v63  }
0x39d: {  	s18 =	simm.s32 $0x12800  }
0x39e: {  	[tilespmem:s18], [sflag:$0x2] =	stream.indirect_vreg.gather [hbm4b:s1+s3], $0x80, v3, vm0, $0xb8;
	[tilespmem:$0x1B800] =	vst v63  }
0x39f: {  	s18 =	simm.s32 $0x13000  }
0x3a0: {  	[tilespmem:s18], [sflag:$0x2] =	stream.indirect_vreg.gather [hbm4b:s5+s3], $0x80, v3, vm0, $0xb8;
	[tilespmem:$0x1B800] =	vst v63  }
0x3a1: {  	s18 =	simm.s32 $0x13800  }
0x3a2: {  	[tilespmem:s18], [sflag:$0x2] =	stream.indirect_vreg.gather [hbm4b:s6+s3], $0x80, v3, vm0, $0xb8;
	[tilespmem:$0x1B800] =	vst v63  }
0x3a3: {  	v3 =	vld [tilespmem:$0x4A0];
	_ =	sdelay $0x4  }
0x3a4: {  	v31 =	vshrl.u32 v3, $0x3  }
0x3a5: {  	v4 =	vmul.u32 $0x30, v31  }
0x3a6: {  	v3 =	vand.u32 $0x7, v3  }
0x3a7: {  	v3 =	vor.u32 v3, v4  }
0x3a8: {  	v4 =	vperm.xlane v3, v0;
	_ =	sdelay $0x1  }
0x3a9: {  	v4 =	vadd.s32 v1, v4;
	_ =	sdelay $0x3  }
0x3aa: {  	s18 =	simm.s32 $0x14000;
	v3 =	vperm.xlane v3, v2  }
0x3ab: {  	[tilespmem:s18], [sflag:$0x2] =	stream.indirect_vreg.gather [hbm4b:s1+s3], $0x80, v4, vm0, $0xb8;
	[tilespmem:$0x1B800] =	vst v63  }
0x3ac: {  	v3 =	vadd.s32 v1, v3;
	s18 =	simm.s32 $0x14800  }
0x3ad: {  	[tilespmem:s18], [sflag:$0x2] =	stream.indirect_vreg.gather [hbm4b:s5+s3], $0x80, v4, vm0, $0xb8;
	[tilespmem:$0x1B800] =	vst v63  }
0x3ae: {  	s18 =	simm.s32 $0x15000  }
0x3af: {  	[tilespmem:s18], [sflag:$0x2] =	stream.indirect_vreg.gather [hbm4b:s6+s3], $0x80, v4, vm0, $0xb8;
	[tilespmem:$0x1B800] =	vst v63  }
0x3b0: {  	s18 =	simm.s32 $0x15800  }
0x3b1: {  	[tilespmem:s18], [sflag:$0x2] =	stream.indirect_vreg.gather [hbm4b:s1+s3], $0x80, v3, vm0, $0xb8;
	[tilespmem:$0x1B800] =	vst v63  }
0x3b2: {  	s18 =	simm.s32 $0x16000  }
0x3b3: {  	[tilespmem:s18], [sflag:$0x2] =	stream.indirect_vreg.gather [hbm4b:s5+s3], $0x80, v3, vm0, $0xb8;
	[tilespmem:$0x1B800] =	vst v63  }
0x3b4: {  	s18 =	simm.s32 $0x16800  }
0x3b5: {  	[tilespmem:s18], [sflag:$0x2] =	stream.indirect_vreg.gather [hbm4b:s6+s3], $0x80, v3, vm0, $0xb8;
	[tilespmem:$0x1B800] =	vst v63  }
0x3b6: {  	v3 =	vld [tilespmem:$0x4B0];
	_ =	sdelay $0x4  }
0x3b7: {  	v32 =	vshrl.u32 v3, $0x3  }
0x3b8: {  	v4 =	vmul.u32 $0x30, v32  }
0x3b9: {  	v3 =	vand.u32 $0x7, v3  }
0x3ba: {  	v3 =	vor.u32 v3, v4  }
0x3bb: {  	v4 =	vperm.xlane v3, v0;
	_ =	sdelay $0x1  }
0x3bc: {  	v4 =	vadd.s32 v1, v4;
	_ =	sdelay $0x3  }
0x3bd: {  	s18 =	simm.s32 $0x17000;
	v3 =	vperm.xlane v3, v2  }
0x3be: {  	[tilespmem:s18], [sflag:$0x2] =	stream.indirect_vreg.gather [hbm4b:s1+s3], $0x80, v4, vm0, $0xb8;
	[tilespmem:$0x1B800] =	vst v63  }
0x3bf: {  	v3 =	vadd.s32 v1, v3;
	s18 =	simm.s32 $0x17800  }
0x3c0: {  	[tilespmem:s18], [sflag:$0x2] =	stream.indirect_vreg.gather [hbm4b:s5+s3], $0x80, v4, vm0, $0xb8;
	[tilespmem:$0x1B800] =	vst v63  }
0x3c1: {  	s18 =	simm.s32 $0x18000  }
0x3c2: {  	[tilespmem:s18], [sflag:$0x2] =	stream.indirect_vreg.gather [hbm4b:s6+s3], $0x80, v4, vm0, $0xb8;
	[tilespmem:$0x1B800] =	vst v63  }
0x3c3: {  	s18 =	simm.s32 $0x18800  }
0x3c4: {  	[tilespmem:s18], [sflag:$0x2] =	stream.indirect_vreg.gather [hbm4b:s1+s3], $0x80, v3, vm0, $0xb8;
	[tilespmem:$0x1B800] =	vst v63  }
0x3c5: {  	s18 =	simm.s32 $0x19000  }
0x3c6: {  	[tilespmem:s18], [sflag:$0x2] =	stream.indirect_vreg.gather [hbm4b:s5+s3], $0x80, v3, vm0, $0xb8;
	[tilespmem:$0x1B800] =	vst v63  }
0x3c7: {  	s18 =	simm.s32 $0x19800  }
0x3c8: {  	[tilespmem:s18], [sflag:$0x2] =	stream.indirect_vreg.gather [hbm4b:s6+s3], $0x80, v3, vm0, $0xb8;
	[tilespmem:$0x1B800] =	vst v63  }
0x3c9: {  	v3 =	vld.msk [tilespmem:$0x4C0], $0xff;
	_ =	sdelay $0x4  }
0x3ca: {  	v33 =	vshrl.u32 v3, $0x3  }
0x3cb: {  	v4 =	vmul.u32 $0x30, v33  }
0x3cc: {  	v3 =	vand.u32 $0x7, v3  }
0x3cd: {  	v3 =	vor.u32 v3, v4  }
0x3ce: {  	v3 =	vperm.xlane v3, v0;
	_ =	sdelay $0x1  }
0x3cf: {  	v3 =	vadd.s32 v1, v3;
	_ =	sdelay $0x3  }
0x3d0: {  	s18 =	simm.s32 $0x1A000  }
0x3d1: {  	[tilespmem:s18], [sflag:$0x2] =	stream.indirect_vreg.gather [hbm4b:s1+s3], $0x80, v3, vm0, $0xb8;
	[tilespmem:$0x1B800] =	vst v63  }
0x3d2: {  	s18 =	simm.s32 $0x1A800  }
0x3d3: {  	[tilespmem:s18], [sflag:$0x2] =	stream.indirect_vreg.gather [hbm4b:s5+s3], $0x80, v3, vm0, $0xb8;
	[tilespmem:$0x1B800] =	vst v63  }
0x3d4: {  	s18 =	simm.s32 $0x1B000  }
0x3d5: {  	[tilespmem:s18], [sflag:$0x2] =	stream.indirect_vreg.gather [hbm4b:s6+s3], $0x80, v3, vm0, $0xb8;
	[tilespmem:$0x1B800] =	vst v63  }
0x3d6: {  	_ =	swait.ge [sflag:s14], $0xD800  }
0x3d7: {  	[sflag:s14] =	ssyncset.done $0x0  }
0x3d8: {  	s18 =	rddreg [dreg:$0xc];
	[sflag:s14] =	ssyncadd.s32 $0xFFFF2800  }
0x3d9: {  	[hbm4b:s18+s3] =	stream.linear.scatter [tilespmem:s23], [sflag:$0x3], $0xD800, $0x38;
	[tilespmem:$0x1B800] =	vst v63  }
0x3da: {  	_ =	swait.ge [sflag:s15], $0xD800  }
0x3db: {  	[sflag:s15] =	ssyncset.done $0x0  }
0x3dc: {  	[sflag:s15] =	ssyncadd.s32 $0xFFFF2800  }
0x3dd: {  	v3 =	vld [tilespmem:$0x500];
	_ =	sdelay $0x4  }
0x3de: {  	v34 =	vshrl.u32 v3, $0x3  }
0x3df: {  	v4 =	vmul.u32 $0x30, v34  }
0x3e0: {  	v3 =	vand.u32 $0x7, v3  }
0x3e1: {  	v3 =	vor.u32 v3, v4  }
0x3e2: {  	v4 =	vperm.xlane v3, v0;
	_ =	sdelay $0x1  }
0x3e3: {  	v4 =	vadd.s32 v1, v4;
	_ =	sdelay $0x3  }
0x3e4: {  	v3 =	vperm.xlane v3, v2  }
0x3e5: {  	[tilespmem:s23], [sflag:$0x1] =	stream.indirect_vreg.gather [hbm4b:s1+s3], $0x80, v4, vm0, $0xb8;
	[tilespmem:$0x1B800] =	vst v63  }
0x3e6: {  	s18 =	simm.s32 $0x1000;
	v3 =	vadd.s32 v1, v3  }
0x3e7: {  	[tilespmem:s18], [sflag:$0x1] =	stream.indirect_vreg.gather [hbm4b:s5+s3], $0x80, v4, vm0, $0xb8;
	[tilespmem:$0x1B800] =	vst v63  }
0x3e8: {  	s0 =	simm.s32 $0x1800  }
0x3e9: {  	[tilespmem:s0], [sflag:$0x1] =	stream.indirect_vreg.gather [hbm4b:s6+s3], $0x80, v4, vm0, $0xb8;
	[tilespmem:$0x1B800] =	vst v63  }
0x3ea: {  	s4 =	simm.s32 $0x2000  }
0x3eb: {  	[tilespmem:s4], [sflag:$0x1] =	stream.indirect_vreg.gather [hbm4b:s1+s3], $0x80, v3, vm0, $0xb8;
	[tilespmem:$0x1B800] =	vst v63  }
0x3ec: {  	s7 =	simm.s32 $0x2800  }
0x3ed: {  	[tilespmem:s7], [sflag:$0x1] =	stream.indirect_vreg.gather [hbm4b:s5+s3], $0x80, v3, vm0, $0xb8;
	[tilespmem:$0x1B800] =	vst v63  }
0x3ee: {  	s18 =	simm.s32 $0x3000  }
0x3ef: {  	[tilespmem:s18], [sflag:$0x1] =	stream.indirect_vreg.gather [hbm4b:s6+s3], $0x80, v3, vm0, $0xb8;
	[tilespmem:$0x1B800] =	vst v63  }
0x3f0: {  	v3 =	vld [tilespmem:$0x510];
	_ =	sdelay $0x4  }
0x3f1: {  	v35 =	vshrl.u32 v3, $0x3  }
0x3f2: {  	v4 =	vmul.u32 $0x30, v35  }
0x3f3: {  	v3 =	vand.u32 $0x7, v3  }
0x3f4: {  	v3 =	vor.u32 v3, v4  }
0x3f5: {  	v4 =	vperm.xlane v3, v0;
	_ =	sdelay $0x1  }
0x3f6: {  	v4 =	vadd.s32 v1, v4;
	_ =	sdelay $0x3  }
0x3f7: {  	s18 =	simm.s32 $0x3800;
	v3 =	vperm.xlane v3, v2  }
0x3f8: {  	[tilespmem:s18], [sflag:$0x1] =	stream.indirect_vreg.gather [hbm4b:s1+s3], $0x80, v4, vm0, $0xb8;
	[tilespmem:$0x1B800] =	vst v63  }
0x3f9: {  	s8 =	simm.s32 $0x4000;
	v3 =	vadd.s32 v1, v3  }
0x3fa: {  	[tilespmem:s8], [sflag:$0x1] =	stream.indirect_vreg.gather [hbm4b:s5+s3], $0x80, v4, vm0, $0xb8;
	[tilespmem:$0x1B800] =	vst v63  }
0x3fb: {  	s9 =	simm.s32 $0x4800  }
0x3fc: {  	[tilespmem:s9], [sflag:$0x1] =	stream.indirect_vreg.gather [hbm4b:s6+s3], $0x80, v4, vm0, $0xb8;
	[tilespmem:$0x1B800] =	vst v63  }
0x3fd: {  	s10 =	simm.s32 $0x5000  }
0x3fe: {  	[tilespmem:s10], [sflag:$0x1] =	stream.indirect_vreg.gather [hbm4b:s1+s3], $0x80, v3, vm0, $0xb8;
	[tilespmem:$0x1B800] =	vst v63  }
0x3ff: {  	s2 =	simm.s32 $0x5800  }
0x400: {  	[tilespmem:s2], [sflag:$0x1] =	stream.indirect_vreg.gather [hbm4b:s5+s3], $0x80, v3, vm0, $0xb8;
	[tilespmem:$0x1B800] =	vst v63  }
0x401: {  	s18 =	simm.s32 $0x6000  }
0x402: {  	[tilespmem:s18], [sflag:$0x1] =	stream.indirect_vreg.gather [hbm4b:s6+s3], $0x80, v3, vm0, $0xb8;
	[tilespmem:$0x1B800] =	vst v63  }
0x403: {  	v3 =	vld [tilespmem:$0x520];
	_ =	sdelay $0x4  }
0x404: {  	v36 =	vshrl.u32 v3, $0x3  }
0x405: {  	v4 =	vmul.u32 $0x30, v36  }
0x406: {  	v3 =	vand.u32 $0x7, v3  }
0x407: {  	v3 =	vor.u32 v3, v4  }
0x408: {  	v4 =	vperm.xlane v3, v0;
	_ =	sdelay $0x1  }
0x409: {  	v4 =	vadd.s32 v1, v4;
	_ =	sdelay $0x3  }
0x40a: {  	s2 =	simm.s32 $0x6800;
	v3 =	vperm.xlane v3, v2  }
0x40b: {  	[tilespmem:s2], [sflag:$0x1] =	stream.indirect_vreg.gather [hbm4b:s1+s3], $0x80, v4, vm0, $0xb8;
	[tilespmem:$0x1B800] =	vst v63  }
0x40c: {  	s24 =	simm.s32 $0x7000;
	v3 =	vadd.s32 v1, v3  }
0x40d: {  	[tilespmem:s24], [sflag:$0x1] =	stream.indirect_vreg.gather [hbm4b:s5+s3], $0x80, v4, vm0, $0xb8;
	[tilespmem:$0x1B800] =	vst v63  }
0x40e: {  	s22 =	simm.s32 $0x7800  }
0x40f: {  	[tilespmem:s22], [sflag:$0x1] =	stream.indirect_vreg.gather [hbm4b:s6+s3], $0x80, v4, vm0, $0xb8;
	[tilespmem:$0x1B800] =	vst v63  }
0x410: {  	s25 =	simm.s32 $0x8000  }
0x411: {  	[tilespmem:s25], [sflag:$0x1] =	stream.indirect_vreg.gather [hbm4b:s1+s3], $0x80, v3, vm0, $0xb8;
	[tilespmem:$0x1B800] =	vst v63  }
0x412: {  	s26 =	simm.s32 $0x8800  }
0x413: {  	[tilespmem:s26], [sflag:$0x1] =	stream.indirect_vreg.gather [hbm4b:s5+s3], $0x80, v3, vm0, $0xb8;
	[tilespmem:$0x1B800] =	vst v63  }
0x414: {  	s18 =	simm.s32 $0x9000  }
0x415: {  	[tilespmem:s18], [sflag:$0x1] =	stream.indirect_vreg.gather [hbm4b:s6+s3], $0x80, v3, vm0, $0xb8;
	[tilespmem:$0x1B800] =	vst v63  }
0x416: {  	v3 =	vld [tilespmem:$0x530];
	_ =	sdelay $0x4  }
0x417: {  	v37 =	vshrl.u32 v3, $0x3  }
0x418: {  	v4 =	vmul.u32 $0x30, v37  }
0x419: {  	v3 =	vand.u32 $0x7, v3  }
0x41a: {  	v3 =	vor.u32 v3, v4  }
0x41b: {  	v4 =	vperm.xlane v3, v0;
	_ =	sdelay $0x1  }
0x41c: {  	v4 =	vadd.s32 v1, v4;
	_ =	sdelay $0x3  }
0x41d: {  	s2 =	simm.s32 $0x9800;
	v3 =	vperm.xlane v3, v2  }
0x41e: {  	[tilespmem:s2], [sflag:$0x1] =	stream.indirect_vreg.gather [hbm4b:s1+s3], $0x80, v4, vm0, $0xb8;
	[tilespmem:$0x1B800] =	vst v63  }
0x41f: {  	s28 =	simm.s32 $0xA000;
	v3 =	vadd.s32 v1, v3  }
0x420: {  	[tilespmem:s28], [sflag:$0x1] =	stream.indirect_vreg.gather [hbm4b:s5+s3], $0x80, v4, vm0, $0xb8;
	[tilespmem:$0x1B800] =	vst v63  }
0x421: {  	s12 =	simm.s32 $0xA800  }
0x422: {  	[tilespmem:s12], [sflag:$0x1] =	stream.indirect_vreg.gather [hbm4b:s6+s3], $0x80, v4, vm0, $0xb8;
	[tilespmem:$0x1B800] =	vst v63  }
0x423: {  	s13 =	simm.s32 $0xB000  }
0x424: {  	[tilespmem:s13], [sflag:$0x1] =	stream.indirect_vreg.gather [hbm4b:s1+s3], $0x80, v3, vm0, $0xb8;
	[tilespmem:$0x1B800] =	vst v63  }
0x425: {  	s19 =	simm.s32 $0xB800  }
0x426: {  	[tilespmem:s19], [sflag:$0x1] =	stream.indirect_vreg.gather [hbm4b:s5+s3], $0x80, v3, vm0, $0xb8;
	[tilespmem:$0x1B800] =	vst v63  }
0x427: {  	s18 =	simm.s32 $0xC000  }
0x428: {  	[tilespmem:s18], [sflag:$0x1] =	stream.indirect_vreg.gather [hbm4b:s6+s3], $0x80, v3, vm0, $0xb8;
	[tilespmem:$0x1B800] =	vst v63  }
0x429: {  	v3 =	vld.msk [tilespmem:$0x540], $0xff;
	_ =	sdelay $0x4  }
0x42a: {  	v38 =	vshrl.u32 v3, $0x3  }
0x42b: {  	v4 =	vmul.u32 $0x30, v38  }
0x42c: {  	v3 =	vand.u32 $0x7, v3  }
0x42d: {  	v3 =	vor.u32 v3, v4  }
0x42e: {  	v3 =	vperm.xlane v3, v0;
	_ =	sdelay $0x1  }
0x42f: {  	v3 =	vadd.s32 v1, v3;
	_ =	sdelay $0x3  }
0x430: {  	s20 =	simm.s32 $0xC800  }
0x431: {  	[tilespmem:s20], [sflag:$0x1] =	stream.indirect_vreg.gather [hbm4b:s1+s3], $0x80, v3, vm0, $0xb8;
	[tilespmem:$0x1B800] =	vst v63  }
0x432: {  	s21 =	simm.s32 $0xD000  }
0x433: {  	[tilespmem:s21], [sflag:$0x1] =	stream.indirect_vreg.gather [hbm4b:s5+s3], $0x80, v3, vm0, $0xb8;
	[tilespmem:$0x1B800] =	vst v63  }
0x434: {  	s19 =	simm.s32 $0xD800  }
0x435: {  	[tilespmem:s19], [sflag:$0x1] =	stream.indirect_vreg.gather [hbm4b:s6+s3], $0x80, v3, vm0, $0xb8;
	[tilespmem:$0x1B800] =	vst v63  }
0x436: {  	_ =	swait.ge [sflag:s16], $0xD800  }
0x437: {  	[sflag:s16] =	ssyncset.done $0x0  }
0x438: {  	s20 =	rddreg [dreg:$0xd];
	[sflag:s16] =	ssyncadd.s32 $0xFFFF2800  }
0x439: {  	[hbm4b:s20+s3] =	stream.linear.scatter [tilespmem:s11], [sflag:$0x4], $0xD800, $0x38;
	[tilespmem:$0x1B800] =	vst v63  }
0x43a: {  	_ =	swait.ge [sflag:s17], $0xD800  }
0x43b: {  	[sflag:s17] =	ssyncset.done $0x0  }
0x43c: {  	[sflag:s17] =	ssyncadd.s32 $0xFFFF2800  }
0x43d: {  	v3 =	vld [tilespmem:$0x580];
	_ =	sdelay $0x4  }
0x43e: {  	v39 =	vshrl.u32 v3, $0x3  }
0x43f: {  	v4 =	vmul.u32 $0x30, v39  }
0x440: {  	v3 =	vand.u32 $0x7, v3  }
0x441: {  	v3 =	vor.u32 v3, v4  }
0x442: {  	v4 =	vperm.xlane v3, v0;
	_ =	sdelay $0x1  }
0x443: {  	v4 =	vadd.s32 v1, v4;
	_ =	sdelay $0x3  }
0x444: {  	v3 =	vperm.xlane v3, v2  }
0x445: {  	[tilespmem:s11], [sflag:$0x2] =	stream.indirect_vreg.gather [hbm4b:s1+s3], $0x80, v4, vm0, $0xb8;
	[tilespmem:$0x1B800] =	vst v63  }
0x446: {  	s29 =	simm.s32 $0xE800;
	v3 =	vadd.s32 v1, v3  }
0x447: {  	[tilespmem:s29], [sflag:$0x2] =	stream.indirect_vreg.gather [hbm4b:s5+s3], $0x80, v4, vm0, $0xb8;
	[tilespmem:$0x1B800] =	vst v63  }
0x448: {  	s30 =	simm.s32 $0xF000  }
0x449: {  	[tilespmem:s30], [sflag:$0x2] =	stream.indirect_vreg.gather [hbm4b:s6+s3], $0x80, v4, vm0, $0xb8;
	[tilespmem:$0x1B800] =	vst v63  }
0x44a: {  	s21 =	simm.s32 $0xF800  }
0x44b: {  	[tilespmem:s21], [sflag:$0x2] =	stream.indirect_vreg.gather [hbm4b:s1+s3], $0x80, v3, vm0, $0xb8;
	[tilespmem:$0x1B800] =	vst v63  }
0x44c: {  	s29 =	simm.s32 $0x10000  }
0x44d: {  	[tilespmem:s29], [sflag:$0x2] =	stream.indirect_vreg.gather [hbm4b:s5+s3], $0x80, v3, vm0, $0xb8;
	[tilespmem:$0x1B800] =	vst v63  }
0x44e: {  	s30 =	simm.s32 $0x10800  }
0x44f: {  	[tilespmem:s30], [sflag:$0x2] =	stream.indirect_vreg.gather [hbm4b:s6+s3], $0x80, v3, vm0, $0xb8;
	[tilespmem:$0x1B800] =	vst v63  }
0x450: {  	v3 =	vld [tilespmem:$0x590];
	_ =	sdelay $0x4  }
0x451: {  	v40 =	vshrl.u32 v3, $0x3  }
0x452: {  	v4 =	vmul.u32 $0x30, v40  }
0x453: {  	v3 =	vand.u32 $0x7, v3  }
0x454: {  	v3 =	vor.u32 v3, v4  }
0x455: {  	v4 =	vperm.xlane v3, v0;
	_ =	sdelay $0x1  }
0x456: {  	v4 =	vadd.s32 v1, v4;
	_ =	sdelay $0x3  }
0x457: {  	s2 =	simm.s32 $0x11000;
	v3 =	vperm.xlane v3, v2  }
0x458: {  	[tilespmem:s2], [sflag:$0x2] =	stream.indirect_vreg.gather [hbm4b:s1+s3], $0x80, v4, vm0, $0xb8;
	[tilespmem:$0x1B800] =	vst v63  }
0x459: {  	s31 =	simm.s32 $0x11800;
	v3 =	vadd.s32 v1, v3  }
0x45a: {  	[tilespmem:s31], [sflag:$0x2] =	stream.indirect_vreg.gather [hbm4b:s5+s3], $0x80, v4, vm0, $0xb8;
	[tilespmem:$0x1B800] =	vst v63  }
0x45b: {  	s12 =	simm.s32 $0x12000  }
0x45c: {  	[tilespmem:s12], [sflag:$0x2] =	stream.indirect_vreg.gather [hbm4b:s6+s3], $0x80, v4, vm0, $0xb8;
	[tilespmem:$0x1B800] =	vst v63  }
0x45d: {  	s13 =	simm.s32 $0x12800  }
0x45e: {  	[tilespmem:s13], [sflag:$0x2] =	stream.indirect_vreg.gather [hbm4b:s1+s3], $0x80, v3, vm0, $0xb8;
	[tilespmem:$0x1B800] =	vst v63  }
0x45f: {  	s18 =	simm.s32 $0x13000  }
0x460: {  	[tilespmem:s18], [sflag:$0x2] =	stream.indirect_vreg.gather [hbm4b:s5+s3], $0x80, v3, vm0, $0xb8;
	[tilespmem:$0x1B800] =	vst v63  }
0x461: {  	s19 =	simm.s32 $0x13800  }
0x462: {  	[tilespmem:s19], [sflag:$0x2] =	stream.indirect_vreg.gather [hbm4b:s6+s3], $0x80, v3, vm0, $0xb8;
	[tilespmem:$0x1B800] =	vst v63  }
0x463: {  	v3 =	vld [tilespmem:$0x5A0];
	_ =	sdelay $0x4  }
0x464: {  	v41 =	vshrl.u32 v3, $0x3  }
0x465: {  	v4 =	vmul.u32 $0x30, v41  }
0x466: {  	v3 =	vand.u32 $0x7, v3  }
0x467: {  	v3 =	vor.u32 v3, v4  }
0x468: {  	v4 =	vperm.xlane v3, v0;
	_ =	sdelay $0x1  }
0x469: {  	v4 =	vadd.s32 v1, v4;
	_ =	sdelay $0x3  }
0x46a: {  	s20 =	simm.s32 $0x14000;
	v3 =	vperm.xlane v3, v2  }
0x46b: {  	[tilespmem:s20], [sflag:$0x2] =	stream.indirect_vreg.gather [hbm4b:s1+s3], $0x80, v4, vm0, $0xb8;
	[tilespmem:$0x1B800] =	vst v63  }
0x46c: {  	s21 =	simm.s32 $0x14800;
	v3 =	vadd.s32 v1, v3  }
0x46d: {  	[tilespmem:s21], [sflag:$0x2] =	stream.indirect_vreg.gather [hbm4b:s5+s3], $0x80, v4, vm0, $0xb8;
	[tilespmem:$0x1B800] =	vst v63  }
0x46e: {  	s29 =	simm.s32 $0x15000  }
0x46f: {  	[tilespmem:s29], [sflag:$0x2] =	stream.indirect_vreg.gather [hbm4b:s6+s3], $0x80, v4, vm0, $0xb8;
	[tilespmem:$0x1B800] =	vst v63  }
0x470: {  	s30 =	simm.s32 $0x15800  }
0x471: {  	[tilespmem:s30], [sflag:$0x2] =	stream.indirect_vreg.gather [hbm4b:s1+s3], $0x80, v3, vm0, $0xb8;
	[tilespmem:$0x1B800] =	vst v63  }
0x472: {  	s31 =	simm.s32 $0x16000  }
0x473: {  	[tilespmem:s31], [sflag:$0x2] =	stream.indirect_vreg.gather [hbm4b:s5+s3], $0x80, v3, vm0, $0xb8;
	[tilespmem:$0x1B800] =	vst v63  }
0x474: {  	s2 =	simm.s32 $0x16800  }
0x475: {  	[tilespmem:s2], [sflag:$0x2] =	stream.indirect_vreg.gather [hbm4b:s6+s3], $0x80, v3, vm0, $0xb8;
	[tilespmem:$0x1B800] =	vst v63  }
0x476: {  	v3 =	vld [tilespmem:$0x5B0];
	_ =	sdelay $0x4  }
0x477: {  	v42 =	vshrl.u32 v3, $0x3  }
0x478: {  	v4 =	vmul.u32 $0x30, v42  }
0x479: {  	v3 =	vand.u32 $0x7, v3  }
0x47a: {  	v3 =	vor.u32 v3, v4  }
0x47b: {  	v4 =	vperm.xlane v3, v0;
	_ =	sdelay $0x1  }
0x47c: {  	v4 =	vadd.s32 v1, v4;
	_ =	sdelay $0x3  }
0x47d: {  	s12 =	simm.s32 $0x17000;
	v3 =	vperm.xlane v3, v2  }
0x47e: {  	[tilespmem:s12], [sflag:$0x2] =	stream.indirect_vreg.gather [hbm4b:s1+s3], $0x80, v4, vm0, $0xb8;
	[tilespmem:$0x1B800] =	vst v63  }
0x47f: {  	s13 =	simm.s32 $0x17800;
	v3 =	vadd.s32 v1, v3  }
0x480: {  	[tilespmem:s13], [sflag:$0x2] =	stream.indirect_vreg.gather [hbm4b:s5+s3], $0x80, v4, vm0, $0xb8;
	[tilespmem:$0x1B800] =	vst v63  }
0x481: {  	s18 =	simm.s32 $0x18000  }
0x482: {  	[tilespmem:s18], [sflag:$0x2] =	stream.indirect_vreg.gather [hbm4b:s6+s3], $0x80, v4, vm0, $0xb8;
	[tilespmem:$0x1B800] =	vst v63  }
0x483: {  	s19 =	simm.s32 $0x18800  }
0x484: {  	[tilespmem:s19], [sflag:$0x2] =	stream.indirect_vreg.gather [hbm4b:s1+s3], $0x80, v3, vm0, $0xb8;
	[tilespmem:$0x1B800] =	vst v63  }
0x485: {  	s20 =	simm.s32 $0x19000  }
0x486: {  	[tilespmem:s20], [sflag:$0x2] =	stream.indirect_vreg.gather [hbm4b:s5+s3], $0x80, v3, vm0, $0xb8;
	[tilespmem:$0x1B800] =	vst v63  }
0x487: {  	s21 =	simm.s32 $0x19800  }
0x488: {  	[tilespmem:s21], [sflag:$0x2] =	stream.indirect_vreg.gather [hbm4b:s6+s3], $0x80, v3, vm0, $0xb8;
	[tilespmem:$0x1B800] =	vst v63  }
0x489: {  	v3 =	vld.msk [tilespmem:$0x5C0], $0xff;
	_ =	sdelay $0x4  }
0x48a: {  	v43 =	vshrl.u32 v3, $0x3  }
0x48b: {  	v4 =	vmul.u32 $0x30, v43  }
0x48c: {  	v3 =	vand.u32 $0x7, v3  }
0x48d: {  	v3 =	vor.u32 v3, v4  }
0x48e: {  	v3 =	vperm.xlane v3, v0;
	_ =	sdelay $0x1  }
0x48f: {  	v3 =	vadd.s32 v1, v3;
	_ =	sdelay $0x3  }
0x490: {  	s29 =	simm.s32 $0x1A000  }
0x491: {  	[tilespmem:s29], [sflag:$0x2] =	stream.indirect_vreg.gather [hbm4b:s1+s3], $0x80, v3, vm0, $0xb8;
	[tilespmem:$0x1B800] =	vst v63  }
0x492: {  	s30 =	simm.s32 $0x1A800  }
0x493: {  	[tilespmem:s30], [sflag:$0x2] =	stream.indirect_vreg.gather [hbm4b:s5+s3], $0x80, v3, vm0, $0xb8;
	[tilespmem:$0x1B800] =	vst v63  }
0x494: {  	s31 =	simm.s32 $0x1B000  }
0x495: {  	[tilespmem:s31], [sflag:$0x2] =	stream.indirect_vreg.gather [hbm4b:s6+s3], $0x80, v3, vm0, $0xb8;
	[tilespmem:$0x1B800] =	vst v63  }
0x496: {  	_ =	swait.ge [sflag:s14], $0xD800  }
0x497: {  	[sflag:s14] =	ssyncset.done $0x0  }
0x498: {  	s0 =	rddreg [dreg:$0xe];
	[sflag:s14] =	ssyncadd.s32 $0xFFFF2800  }
0x499: {  	[hbm4b:s0+s3] =	stream.linear.scatter [tilespmem:s23], [sflag:$0x3], $0xD800, $0x38;
	[tilespmem:$0x1B800] =	vst v63  }
0x49a: {  	_ =	swait.ge [sflag:s15], $0xD800  }
0x49b: {  	[sflag:s15] =	ssyncset.done $0x0  }
0x49c: {  	[sflag:s15] =	ssyncadd.s32 $0xFFFF2800  }
0x49d: {  	v3 =	vld [tilespmem:$0x600];
	_ =	sdelay $0x4  }
0x49e: {  	v44 =	vshrl.u32 v3, $0x3  }
0x49f: {  	v4 =	vmul.u32 $0x30, v44  }
0x4a0: {  	v3 =	vand.u32 $0x7, v3  }
0x4a1: {  	v3 =	vor.u32 v3, v4  }
0x4a2: {  	v4 =	vperm.xlane v3, v0;
	_ =	sdelay $0x1  }
0x4a3: {  	v4 =	vadd.s32 v1, v4;
	_ =	sdelay $0x3  }
0x4a4: {  	v3 =	vperm.xlane v3, v2  }
0x4a5: {  	[tilespmem:s23], [sflag:$0x1] =	stream.indirect_vreg.gather [hbm4b:s1+s3], $0x80, v4, vm0, $0xb8;
	[tilespmem:$0x1B800] =	vst v63  }
0x4a6: {  	s2 =	simm.s32 $0x1000;
	v3 =	vadd.s32 v1, v3  }
0x4a7: {  	[tilespmem:s2], [sflag:$0x1] =	stream.indirect_vreg.gather [hbm4b:s5+s3], $0x80, v4, vm0, $0xb8;
	[tilespmem:$0x1B800] =	vst v63  }
0x4a8: {  	s12 =	simm.s32 $0x1800  }
0x4a9: {  	[tilespmem:s12], [sflag:$0x1] =	stream.indirect_vreg.gather [hbm4b:s6+s3], $0x80, v4, vm0, $0xb8;
	[tilespmem:$0x1B800] =	vst v63  }
0x4aa: {  	s4 =	simm.s32 $0x2000  }
0x4ab: {  	[tilespmem:s4], [sflag:$0x1] =	stream.indirect_vreg.gather [hbm4b:s1+s3], $0x80, v3, vm0, $0xb8;
	[tilespmem:$0x1B800] =	vst v63  }
0x4ac: {  	s7 =	simm.s32 $0x2800  }
0x4ad: {  	[tilespmem:s7], [sflag:$0x1] =	stream.indirect_vreg.gather [hbm4b:s5+s3], $0x80, v3, vm0, $0xb8;
	[tilespmem:$0x1B800] =	vst v63  }
0x4ae: {  	s13 =	simm.s32 $0x3000  }
0x4af: {  	[tilespmem:s13], [sflag:$0x1] =	stream.indirect_vreg.gather [hbm4b:s6+s3], $0x80, v3, vm0, $0xb8;
	[tilespmem:$0x1B800] =	vst v63  }
0x4b0: {  	v3 =	vld [tilespmem:$0x610];
	_ =	sdelay $0x4  }
0x4b1: {  	v45 =	vshrl.u32 v3, $0x3  }
0x4b2: {  	v4 =	vmul.u32 $0x30, v45  }
0x4b3: {  	v3 =	vand.u32 $0x7, v3  }
0x4b4: {  	v3 =	vor.u32 v3, v4  }
0x4b5: {  	v4 =	vperm.xlane v3, v0;
	_ =	sdelay $0x1  }
0x4b6: {  	v4 =	vadd.s32 v1, v4;
	_ =	sdelay $0x3  }
0x4b7: {  	s18 =	simm.s32 $0x3800;
	v3 =	vperm.xlane v3, v2  }
0x4b8: {  	[tilespmem:s18], [sflag:$0x1] =	stream.indirect_vreg.gather [hbm4b:s1+s3], $0x80, v4, vm0, $0xb8;
	[tilespmem:$0x1B800] =	vst v63  }
0x4b9: {  	s8 =	simm.s32 $0x4000;
	v3 =	vadd.s32 v1, v3  }
0x4ba: {  	[tilespmem:s8], [sflag:$0x1] =	stream.indirect_vreg.gather [hbm4b:s5+s3], $0x80, v4, vm0, $0xb8;
	[tilespmem:$0x1B800] =	vst v63  }
0x4bb: {  	s9 =	simm.s32 $0x4800  }
0x4bc: {  	[tilespmem:s9], [sflag:$0x1] =	stream.indirect_vreg.gather [hbm4b:s6+s3], $0x80, v4, vm0, $0xb8;
	[tilespmem:$0x1B800] =	vst v63  }
0x4bd: {  	s10 =	simm.s32 $0x5000  }
0x4be: {  	[tilespmem:s10], [sflag:$0x1] =	stream.indirect_vreg.gather [hbm4b:s1+s3], $0x80, v3, vm0, $0xb8;
	[tilespmem:$0x1B800] =	vst v63  }
0x4bf: {  	s19 =	simm.s32 $0x5800  }
0x4c0: {  	[tilespmem:s19], [sflag:$0x1] =	stream.indirect_vreg.gather [hbm4b:s5+s3], $0x80, v3, vm0, $0xb8;
	[tilespmem:$0x1B800] =	vst v63  }
0x4c1: {  	s20 =	simm.s32 $0x6000  }
0x4c2: {  	[tilespmem:s20], [sflag:$0x1] =	stream.indirect_vreg.gather [hbm4b:s6+s3], $0x80, v3, vm0, $0xb8;
	[tilespmem:$0x1B800] =	vst v63  }
0x4c3: {  	v3 =	vld [tilespmem:$0x620];
	_ =	sdelay $0x4  }
0x4c4: {  	v46 =	vshrl.u32 v3, $0x3  }
0x4c5: {  	v4 =	vmul.u32 $0x30, v46  }
0x4c6: {  	v3 =	vand.u32 $0x7, v3  }
0x4c7: {  	v3 =	vor.u32 v3, v4  }
0x4c8: {  	v4 =	vperm.xlane v3, v0;
	_ =	sdelay $0x1  }
0x4c9: {  	v4 =	vadd.s32 v1, v4;
	_ =	sdelay $0x3  }
0x4ca: {  	s21 =	simm.s32 $0x6800;
	v3 =	vperm.xlane v3, v2  }
0x4cb: {  	[tilespmem:s21], [sflag:$0x1] =	stream.indirect_vreg.gather [hbm4b:s1+s3], $0x80, v4, vm0, $0xb8;
	[tilespmem:$0x1B800] =	vst v63  }
0x4cc: {  	s24 =	simm.s32 $0x7000;
	v3 =	vadd.s32 v1, v3  }
0x4cd: {  	[tilespmem:s24], [sflag:$0x1] =	stream.indirect_vreg.gather [hbm4b:s5+s3], $0x80, v4, vm0, $0xb8;
	[tilespmem:$0x1B800] =	vst v63  }
0x4ce: {  	s22 =	simm.s32 $0x7800  }
0x4cf: {  	[tilespmem:s22], [sflag:$0x1] =	stream.indirect_vreg.gather [hbm4b:s6+s3], $0x80, v4, vm0, $0xb8;
	[tilespmem:$0x1B800] =	vst v63  }
0x4d0: {  	s25 =	simm.s32 $0x8000  }
0x4d1: {  	[tilespmem:s25], [sflag:$0x1] =	stream.indirect_vreg.gather [hbm4b:s1+s3], $0x80, v3, vm0, $0xb8;
	[tilespmem:$0x1B800] =	vst v63  }
0x4d2: {  	s26 =	simm.s32 $0x8800  }
0x4d3: {  	[tilespmem:s26], [sflag:$0x1] =	stream.indirect_vreg.gather [hbm4b:s5+s3], $0x80, v3, vm0, $0xb8;
	[tilespmem:$0x1B800] =	vst v63  }
0x4d4: {  	s25 =	simm.s32 $0x9000  }
0x4d5: {  	[tilespmem:s25], [sflag:$0x1] =	stream.indirect_vreg.gather [hbm4b:s6+s3], $0x80, v3, vm0, $0xb8;
	[tilespmem:$0x1B800] =	vst v63  }
0x4d6: {  	v3 =	vld [tilespmem:$0x630];
	_ =	sdelay $0x4  }
0x4d7: {  	v47 =	vshrl.u32 v3, $0x3  }
0x4d8: {  	v4 =	vmul.u32 $0x30, v47  }
0x4d9: {  	v3 =	vand.u32 $0x7, v3  }
0x4da: {  	v3 =	vor.u32 v3, v4  }
0x4db: {  	v4 =	vperm.xlane v3, v0;
	_ =	sdelay $0x1  }
0x4dc: {  	v4 =	vadd.s32 v1, v4;
	_ =	sdelay $0x3  }
0x4dd: {  	s26 =	simm.s32 $0x9800;
	v3 =	vperm.xlane v3, v2  }
0x4de: {  	[tilespmem:s26], [sflag:$0x1] =	stream.indirect_vreg.gather [hbm4b:s1+s3], $0x80, v4, vm0, $0xb8;
	[tilespmem:$0x1B800] =	vst v63  }
0x4df: {  	s28 =	simm.s32 $0xA000;
	v3 =	vadd.s32 v1, v3  }
0x4e0: {  	[tilespmem:s28], [sflag:$0x1] =	stream.indirect_vreg.gather [hbm4b:s5+s3], $0x80, v4, vm0, $0xb8;
	[tilespmem:$0x1B800] =	vst v63  }
0x4e1: {  	s28 =	simm.s32 $0xA800  }
0x4e2: {  	[tilespmem:s28], [sflag:$0x1] =	stream.indirect_vreg.gather [hbm4b:s6+s3], $0x80, v4, vm0, $0xb8;
	[tilespmem:$0x1B800] =	vst v63  }
0x4e3: {  	s29 =	simm.s32 $0xB000  }
0x4e4: {  	[tilespmem:s29], [sflag:$0x1] =	stream.indirect_vreg.gather [hbm4b:s1+s3], $0x80, v3, vm0, $0xb8;
	[tilespmem:$0x1B800] =	vst v63  }
0x4e5: {  	s30 =	simm.s32 $0xB800  }
0x4e6: {  	[tilespmem:s30], [sflag:$0x1] =	stream.indirect_vreg.gather [hbm4b:s5+s3], $0x80, v3, vm0, $0xb8;
	[tilespmem:$0x1B800] =	vst v63  }
0x4e7: {  	s31 =	simm.s32 $0xC000  }
0x4e8: {  	[tilespmem:s31], [sflag:$0x1] =	stream.indirect_vreg.gather [hbm4b:s6+s3], $0x80, v3, vm0, $0xb8;
	[tilespmem:$0x1B800] =	vst v63  }
0x4e9: {  	v3 =	vld.msk [tilespmem:$0x640], $0xff;
	_ =	sdelay $0x4  }
0x4ea: {  	v48 =	vshrl.u32 v3, $0x3  }
0x4eb: {  	v4 =	vmul.u32 $0x30, v48  }
0x4ec: {  	v3 =	vand.u32 $0x7, v3  }
0x4ed: {  	v3 =	vor.u32 v3, v4  }
0x4ee: {  	v3 =	vperm.xlane v3, v0;
	_ =	sdelay $0x1  }
0x4ef: {  	v3 =	vadd.s32 v1, v3;
	_ =	sdelay $0x3  }
0x4f0: {  	s21 =	simm.s32 $0xC800  }
0x4f1: {  	[tilespmem:s21], [sflag:$0x1] =	stream.indirect_vreg.gather [hbm4b:s1+s3], $0x80, v3, vm0, $0xb8;
	[tilespmem:$0x1B800] =	vst v63  }
0x4f2: {  	s29 =	simm.s32 $0xD000  }
0x4f3: {  	[tilespmem:s29], [sflag:$0x1] =	stream.indirect_vreg.gather [hbm4b:s5+s3], $0x80, v3, vm0, $0xb8;
	[tilespmem:$0x1B800] =	vst v63  }
0x4f4: {  	s30 =	simm.s32 $0xD800  }
0x4f5: {  	[tilespmem:s30], [sflag:$0x1] =	stream.indirect_vreg.gather [hbm4b:s6+s3], $0x80, v3, vm0, $0xb8;
	[tilespmem:$0x1B800] =	vst v63  }
0x4f6: {  	_ =	swait.ge [sflag:s16], $0xD800  }
0x4f7: {  	[sflag:s16] =	ssyncset.done $0x0  }
0x4f8: {  	s31 =	rddreg [dreg:$0xf];
	[sflag:s16] =	ssyncadd.s32 $0xFFFF2800  }
0x4f9: {  	[hbm4b:s31+s3] =	stream.linear.scatter [tilespmem:s11], [sflag:$0x4], $0xD800, $0x38;
	[tilespmem:$0x1B800] =	vst v63  }
0x4fa: {  	_ =	swait.ge [sflag:s17], $0xD800  }
0x4fb: {  	[sflag:s17] =	ssyncset.done $0x0  }
0x4fc: {  	[sflag:s17] =	ssyncadd.s32 $0xFFFF2800  }
0x4fd: {  	v3 =	vld [tilespmem:$0x680];
	_ =	sdelay $0x4  }
0x4fe: {  	v49 =	vshrl.u32 v3, $0x3  }
0x4ff: {  	v4 =	vmul.u32 $0x30, v49  }
0x500: {  	v3 =	vand.u32 $0x7, v3  }
0x501: {  	v3 =	vor.u32 v3, v4  }
0x502: {  	v4 =	vperm.xlane v3, v0;
	_ =	sdelay $0x1  }
0x503: {  	v4 =	vadd.s32 v1, v4;
	_ =	sdelay $0x3  }
0x504: {  	v3 =	vperm.xlane v3, v2  }
0x505: {  	[tilespmem:s11], [sflag:$0x2] =	stream.indirect_vreg.gather [hbm4b:s1+s3], $0x80, v4, vm0, $0xb8;
	[tilespmem:$0x1B800] =	vst v63  }
0x506: {  	s30 =	simm.s32 $0xE800;
	v3 =	vadd.s32 v1, v3  }
0x507: {  	[tilespmem:s30], [sflag:$0x2] =	stream.indirect_vreg.gather [hbm4b:s5+s3], $0x80, v4, vm0, $0xb8;
	[tilespmem:$0x1B800] =	vst v63  }
0x508: {  	s31 =	simm.s32 $0xF000  }
0x509: {  	[tilespmem:s31], [sflag:$0x2] =	stream.indirect_vreg.gather [hbm4b:s6+s3], $0x80, v4, vm0, $0xb8;
	[tilespmem:$0x1B800] =	vst v63  }
0x50a: {  	s18 =	simm.s32 $0xF800  }
0x50b: {  	[tilespmem:s18], [sflag:$0x2] =	stream.indirect_vreg.gather [hbm4b:s1+s3], $0x80, v3, vm0, $0xb8;
	[tilespmem:$0x1B800] =	vst v63  }
0x50c: {  	s18 =	simm.s32 $0x10000  }
0x50d: {  	[tilespmem:s18], [sflag:$0x2] =	stream.indirect_vreg.gather [hbm4b:s5+s3], $0x80, v3, vm0, $0xb8;
	[tilespmem:$0x1B800] =	vst v63  }
0x50e: {  	s18 =	simm.s32 $0x10800  }
0x50f: {  	[tilespmem:s18], [sflag:$0x2] =	stream.indirect_vreg.gather [hbm4b:s6+s3], $0x80, v3, vm0, $0xb8;
	[tilespmem:$0x1B800] =	vst v63  }
0x510: {  	v3 =	vld [tilespmem:$0x690];
	_ =	sdelay $0x4  }
0x511: {  	v50 =	vshrl.u32 v3, $0x3  }
0x512: {  	v4 =	vmul.u32 $0x30, v50  }
0x513: {  	v3 =	vand.u32 $0x7, v3  }
0x514: {  	v3 =	vor.u32 v3, v4  }
0x515: {  	v4 =	vperm.xlane v3, v0;
	_ =	sdelay $0x1  }
0x516: {  	v4 =	vadd.s32 v1, v4;
	_ =	sdelay $0x3  }
0x517: {  	s18 =	simm.s32 $0x11000;
	v3 =	vperm.xlane v3, v2  }
0x518: {  	[tilespmem:s18], [sflag:$0x2] =	stream.indirect_vreg.gather [hbm4b:s1+s3], $0x80, v4, vm0, $0xb8;
	[tilespmem:$0x1B800] =	vst v63  }
0x519: {  	v3 =	vadd.s32 v1, v3;
	s18 =	simm.s32 $0x11800  }
0x51a: {  	[tilespmem:s18], [sflag:$0x2] =	stream.indirect_vreg.gather [hbm4b:s5+s3], $0x80, v4, vm0, $0xb8;
	[tilespmem:$0x1B800] =	vst v63  }
0x51b: {  	s18 =	simm.s32 $0x12000  }
0x51c: {  	[tilespmem:s18], [sflag:$0x2] =	stream.indirect_vreg.gather [hbm4b:s6+s3], $0x80, v4, vm0, $0xb8;
	[tilespmem:$0x1B800] =	vst v63  }
0x51d: {  	s18 =	simm.s32 $0x12800  }
0x51e: {  	[tilespmem:s18], [sflag:$0x2] =	stream.indirect_vreg.gather [hbm4b:s1+s3], $0x80, v3, vm0, $0xb8;
	[tilespmem:$0x1B800] =	vst v63  }
0x51f: {  	s18 =	simm.s32 $0x13000  }
0x520: {  	[tilespmem:s18], [sflag:$0x2] =	stream.indirect_vreg.gather [hbm4b:s5+s3], $0x80, v3, vm0, $0xb8;
	[tilespmem:$0x1B800] =	vst v63  }
0x521: {  	s18 =	simm.s32 $0x13800  }
0x522: {  	[tilespmem:s18], [sflag:$0x2] =	stream.indirect_vreg.gather [hbm4b:s6+s3], $0x80, v3, vm0, $0xb8;
	[tilespmem:$0x1B800] =	vst v63  }
0x523: {  	v3 =	vld [tilespmem:$0x6A0];
	_ =	sdelay $0x4  }
0x524: {  	v51 =	vshrl.u32 v3, $0x3  }
0x525: {  	v4 =	vmul.u32 $0x30, v51  }
0x526: {  	v3 =	vand.u32 $0x7, v3  }
0x527: {  	v3 =	vor.u32 v3, v4  }
0x528: {  	v4 =	vperm.xlane v3, v0;
	_ =	sdelay $0x1  }
0x529: {  	v4 =	vadd.s32 v1, v4;
	_ =	sdelay $0x3  }
0x52a: {  	s18 =	simm.s32 $0x14000;
	v3 =	vperm.xlane v3, v2  }
0x52b: {  	[tilespmem:s18], [sflag:$0x2] =	stream.indirect_vreg.gather [hbm4b:s1+s3], $0x80, v4, vm0, $0xb8;
	[tilespmem:$0x1B800] =	vst v63  }
0x52c: {  	v3 =	vadd.s32 v1, v3;
	s18 =	simm.s32 $0x14800  }
0x52d: {  	[tilespmem:s18], [sflag:$0x2] =	stream.indirect_vreg.gather [hbm4b:s5+s3], $0x80, v4, vm0, $0xb8;
	[tilespmem:$0x1B800] =	vst v63  }
0x52e: {  	s18 =	simm.s32 $0x15000  }
0x52f: {  	[tilespmem:s18], [sflag:$0x2] =	stream.indirect_vreg.gather [hbm4b:s6+s3], $0x80, v4, vm0, $0xb8;
	[tilespmem:$0x1B800] =	vst v63  }
0x530: {  	s18 =	simm.s32 $0x15800  }
0x531: {  	[tilespmem:s18], [sflag:$0x2] =	stream.indirect_vreg.gather [hbm4b:s1+s3], $0x80, v3, vm0, $0xb8;
	[tilespmem:$0x1B800] =	vst v63  }
0x532: {  	s18 =	simm.s32 $0x16000  }
0x533: {  	[tilespmem:s18], [sflag:$0x2] =	stream.indirect_vreg.gather [hbm4b:s5+s3], $0x80, v3, vm0, $0xb8;
	[tilespmem:$0x1B800] =	vst v63  }
0x534: {  	s18 =	simm.s32 $0x16800  }
0x535: {  	[tilespmem:s18], [sflag:$0x2] =	stream.indirect_vreg.gather [hbm4b:s6+s3], $0x80, v3, vm0, $0xb8;
	[tilespmem:$0x1B800] =	vst v63  }
0x536: {  	v3 =	vld [tilespmem:$0x6B0];
	_ =	sdelay $0x4  }
0x537: {  	v52 =	vshrl.u32 v3, $0x3  }
0x538: {  	v4 =	vmul.u32 $0x30, v52  }
0x539: {  	v3 =	vand.u32 $0x7, v3  }
0x53a: {  	v3 =	vor.u32 v3, v4  }
0x53b: {  	v4 =	vperm.xlane v3, v0;
	_ =	sdelay $0x1  }
0x53c: {  	v4 =	vadd.s32 v1, v4;
	_ =	sdelay $0x3  }
0x53d: {  	s18 =	simm.s32 $0x17000;
	v3 =	vperm.xlane v3, v2  }
0x53e: {  	[tilespmem:s18], [sflag:$0x2] =	stream.indirect_vreg.gather [hbm4b:s1+s3], $0x80, v4, vm0, $0xb8;
	[tilespmem:$0x1B800] =	vst v63  }
0x53f: {  	v3 =	vadd.s32 v1, v3;
	s18 =	simm.s32 $0x17800  }
0x540: {  	[tilespmem:s18], [sflag:$0x2] =	stream.indirect_vreg.gather [hbm4b:s5+s3], $0x80, v4, vm0, $0xb8;
	[tilespmem:$0x1B800] =	vst v63  }
0x541: {  	s18 =	simm.s32 $0x18000  }
0x542: {  	[tilespmem:s18], [sflag:$0x2] =	stream.indirect_vreg.gather [hbm4b:s6+s3], $0x80, v4, vm0, $0xb8;
	[tilespmem:$0x1B800] =	vst v63  }
0x543: {  	s18 =	simm.s32 $0x18800  }
0x544: {  	[tilespmem:s18], [sflag:$0x2] =	stream.indirect_vreg.gather [hbm4b:s1+s3], $0x80, v3, vm0, $0xb8;
	[tilespmem:$0x1B800] =	vst v63  }
0x545: {  	s18 =	simm.s32 $0x19000  }
0x546: {  	[tilespmem:s18], [sflag:$0x2] =	stream.indirect_vreg.gather [hbm4b:s5+s3], $0x80, v3, vm0, $0xb8;
	[tilespmem:$0x1B800] =	vst v63  }
0x547: {  	s18 =	simm.s32 $0x19800  }
0x548: {  	[tilespmem:s18], [sflag:$0x2] =	stream.indirect_vreg.gather [hbm4b:s6+s3], $0x80, v3, vm0, $0xb8;
	[tilespmem:$0x1B800] =	vst v63  }
0x549: {  	v3 =	vld.msk [tilespmem:$0x6C0], $0xff;
	_ =	sdelay $0x4  }
0x54a: {  	v53 =	vshrl.u32 v3, $0x3  }
0x54b: {  	v4 =	vmul.u32 $0x30, v53  }
0x54c: {  	v3 =	vand.u32 $0x7, v3  }
0x54d: {  	v3 =	vor.u32 v3, v4  }
0x54e: {  	v3 =	vperm.xlane v3, v0;
	_ =	sdelay $0x1  }
0x54f: {  	v3 =	vadd.s32 v1, v3;
	_ =	sdelay $0x3  }
0x550: {  	s18 =	simm.s32 $0x1A000  }
0x551: {  	[tilespmem:s18], [sflag:$0x2] =	stream.indirect_vreg.gather [hbm4b:s1+s3], $0x80, v3, vm0, $0xb8;
	[tilespmem:$0x1B800] =	vst v63  }
0x552: {  	s18 =	simm.s32 $0x1A800  }
0x553: {  	[tilespmem:s18], [sflag:$0x2] =	stream.indirect_vreg.gather [hbm4b:s5+s3], $0x80, v3, vm0, $0xb8;
	[tilespmem:$0x1B800] =	vst v63  }
0x554: {  	s18 =	simm.s32 $0x1B000  }
0x555: {  	[tilespmem:s18], [sflag:$0x2] =	stream.indirect_vreg.gather [hbm4b:s6+s3], $0x80, v3, vm0, $0xb8;
	[tilespmem:$0x1B800] =	vst v63  }
0x556: {  	_ =	swait.ge [sflag:s14], $0xD800  }
0x557: {  	[sflag:s14] =	ssyncset.done $0x0  }
0x558: {  	s18 =	rddreg [dreg:$0x10];
	[sflag:s14] =	ssyncadd.s32 $0xFFFF2800  }
0x559: {  	[hbm4b:s18+s3] =	stream.linear.scatter [tilespmem:s23], [sflag:$0x3], $0xD800, $0x38;
	[tilespmem:$0x1B800] =	vst v63  }
0x55a: {  	_ =	swait.ge [sflag:s15], $0xD800  }
0x55b: {  	[sflag:s15] =	ssyncset.done $0x0  }
0x55c: {  	[sflag:s15] =	ssyncadd.s32 $0xFFFF2800  }
0x55d: {  	v3 =	vld [tilespmem:$0x700];
	_ =	sdelay $0x4  }
0x55e: {  	v54 =	vshrl.u32 v3, $0x3  }
0x55f: {  	v4 =	vmul.u32 $0x30, v54  }
0x560: {  	v3 =	vand.u32 $0x7, v3  }
0x561: {  	v3 =	vor.u32 v3, v4  }
0x562: {  	v4 =	vperm.xlane v3, v0;
	_ =	sdelay $0x1  }
0x563: {  	v4 =	vadd.s32 v1, v4;
	_ =	sdelay $0x3  }
0x564: {  	v3 =	vperm.xlane v3, v2  }
0x565: {  	[tilespmem:s23], [sflag:$0x1] =	stream.indirect_vreg.gather [hbm4b:s1+s3], $0x80, v4, vm0, $0xb8;
	[tilespmem:$0x1B800] =	vst v63  }
0x566: {  	s0 =	simm.s32 $0x1000;
	v3 =	vadd.s32 v1, v3  }
0x567: {  	[tilespmem:s0], [sflag:$0x1] =	stream.indirect_vreg.gather [hbm4b:s5+s3], $0x80, v4, vm0, $0xb8;
	[tilespmem:$0x1B800] =	vst v63  }
0x568: {  	s2 =	simm.s32 $0x1800  }
0x569: {  	[tilespmem:s2], [sflag:$0x1] =	stream.indirect_vreg.gather [hbm4b:s6+s3], $0x80, v4, vm0, $0xb8;
	[tilespmem:$0x1B800] =	vst v63  }
0x56a: {  	s4 =	simm.s32 $0x2000  }
0x56b: {  	[tilespmem:s4], [sflag:$0x1] =	stream.indirect_vreg.gather [hbm4b:s1+s3], $0x80, v3, vm0, $0xb8;
	[tilespmem:$0x1B800] =	vst v63  }
0x56c: {  	s7 =	simm.s32 $0x2800  }
0x56d: {  	[tilespmem:s7], [sflag:$0x1] =	stream.indirect_vreg.gather [hbm4b:s5+s3], $0x80, v3, vm0, $0xb8;
	[tilespmem:$0x1B800] =	vst v63  }
0x56e: {  	s4 =	simm.s32 $0x3000  }
0x56f: {  	[tilespmem:s4], [sflag:$0x1] =	stream.indirect_vreg.gather [hbm4b:s6+s3], $0x80, v3, vm0, $0xb8;
	[tilespmem:$0x1B800] =	vst v63  }
0x570: {  	v3 =	vld [tilespmem:$0x710];
	_ =	sdelay $0x4  }
0x571: {  	v55 =	vshrl.u32 v3, $0x3  }
0x572: {  	v4 =	vmul.u32 $0x30, v55  }
0x573: {  	v3 =	vand.u32 $0x7, v3  }
0x574: {  	v3 =	vor.u32 v3, v4  }
0x575: {  	v4 =	vperm.xlane v3, v0;
	_ =	sdelay $0x1  }
0x576: {  	v4 =	vadd.s32 v1, v4;
	_ =	sdelay $0x3  }
0x577: {  	s7 =	simm.s32 $0x3800;
	v3 =	vperm.xlane v3, v2  }
0x578: {  	[tilespmem:s7], [sflag:$0x1] =	stream.indirect_vreg.gather [hbm4b:s1+s3], $0x80, v4, vm0, $0xb8;
	[tilespmem:$0x1B800] =	vst v63  }
0x579: {  	s8 =	simm.s32 $0x4000;
	v3 =	vadd.s32 v1, v3  }
0x57a: {  	[tilespmem:s8], [sflag:$0x1] =	stream.indirect_vreg.gather [hbm4b:s5+s3], $0x80, v4, vm0, $0xb8;
	[tilespmem:$0x1B800] =	vst v63  }
0x57b: {  	s9 =	simm.s32 $0x4800  }
0x57c: {  	[tilespmem:s9], [sflag:$0x1] =	stream.indirect_vreg.gather [hbm4b:s6+s3], $0x80, v4, vm0, $0xb8;
	[tilespmem:$0x1B800] =	vst v63  }
0x57d: {  	s10 =	simm.s32 $0x5000  }
0x57e: {  	[tilespmem:s10], [sflag:$0x1] =	stream.indirect_vreg.gather [hbm4b:s1+s3], $0x80, v3, vm0, $0xb8;
	[tilespmem:$0x1B800] =	vst v63  }
0x57f: {  	s12 =	simm.s32 $0x5800  }
0x580: {  	[tilespmem:s12], [sflag:$0x1] =	stream.indirect_vreg.gather [hbm4b:s5+s3], $0x80, v3, vm0, $0xb8;
	[tilespmem:$0x1B800] =	vst v63  }
0x581: {  	s10 =	simm.s32 $0x6000  }
0x582: {  	[tilespmem:s10], [sflag:$0x1] =	stream.indirect_vreg.gather [hbm4b:s6+s3], $0x80, v3, vm0, $0xb8;
	[tilespmem:$0x1B800] =	vst v63  }
0x583: {  	v3 =	vld [tilespmem:$0x720];
	_ =	sdelay $0x4  }
0x584: {  	v56 =	vshrl.u32 v3, $0x3  }
0x585: {  	v4 =	vmul.u32 $0x30, v56  }
0x586: {  	v3 =	vand.u32 $0x7, v3  }
0x587: {  	v3 =	vor.u32 v3, v4  }
0x588: {  	v4 =	vperm.xlane v3, v0;
	_ =	sdelay $0x1  }
0x589: {  	v4 =	vadd.s32 v1, v4;
	_ =	sdelay $0x3  }
0x58a: {  	s12 =	simm.s32 $0x6800;
	v3 =	vperm.xlane v3, v2  }
0x58b: {  	[tilespmem:s12], [sflag:$0x1] =	stream.indirect_vreg.gather [hbm4b:s1+s3], $0x80, v4, vm0, $0xb8;
	[tilespmem:$0x1B800] =	vst v63  }
0x58c: {  	s19 =	simm.s32 $0x7000;
	v3 =	vadd.s32 v1, v3  }
0x58d: {  	[tilespmem:s19], [sflag:$0x1] =	stream.indirect_vreg.gather [hbm4b:s5+s3], $0x80, v4, vm0, $0xb8;
	[tilespmem:$0x1B800] =	vst v63  }
0x58e: {  	s13 =	simm.s32 $0x7800  }
0x58f: {  	[tilespmem:s13], [sflag:$0x1] =	stream.indirect_vreg.gather [hbm4b:s6+s3], $0x80, v4, vm0, $0xb8;
	[tilespmem:$0x1B800] =	vst v63  }
0x590: {  	s22 =	simm.s32 $0x8000  }
0x591: {  	[tilespmem:s22], [sflag:$0x1] =	stream.indirect_vreg.gather [hbm4b:s1+s3], $0x80, v3, vm0, $0xb8;
	[tilespmem:$0x1B800] =	vst v63  }
0x592: {  	s24 =	simm.s32 $0x8800  }
0x593: {  	[tilespmem:s24], [sflag:$0x1] =	stream.indirect_vreg.gather [hbm4b:s5+s3], $0x80, v3, vm0, $0xb8;
	[tilespmem:$0x1B800] =	vst v63  }
0x594: {  	s18 =	simm.s32 $0x9000  }
0x595: {  	[tilespmem:s18], [sflag:$0x1] =	stream.indirect_vreg.gather [hbm4b:s6+s3], $0x80, v3, vm0, $0xb8;
	[tilespmem:$0x1B800] =	vst v63  }
0x596: {  	v3 =	vld [tilespmem:$0x730];
	_ =	sdelay $0x4  }
0x597: {  	v57 =	vshrl.u32 v3, $0x3  }
0x598: {  	v4 =	vmul.u32 $0x30, v57  }
0x599: {  	v3 =	vand.u32 $0x7, v3  }
0x59a: {  	v3 =	vor.u32 v3, v4  }
0x59b: {  	v4 =	vperm.xlane v3, v0;
	_ =	sdelay $0x1  }
0x59c: {  	v4 =	vadd.s32 v1, v4;
	_ =	sdelay $0x3  }
0x59d: {  	s19 =	simm.s32 $0x9800;
	v3 =	vperm.xlane v3, v2  }
0x59e: {  	[tilespmem:s19], [sflag:$0x1] =	stream.indirect_vreg.gather [hbm4b:s1+s3], $0x80, v4, vm0, $0xb8;
	[tilespmem:$0x1B800] =	vst v63  }
0x59f: {  	s25 =	simm.s32 $0xA000;
	v3 =	vadd.s32 v1, v3  }
0x5a0: {  	[tilespmem:s25], [sflag:$0x1] =	stream.indirect_vreg.gather [hbm4b:s5+s3], $0x80, v4, vm0, $0xb8;
	[tilespmem:$0x1B800] =	vst v63  }
0x5a1: {  	s26 =	simm.s32 $0xA800  }
0x5a2: {  	[tilespmem:s26], [sflag:$0x1] =	stream.indirect_vreg.gather [hbm4b:s6+s3], $0x80, v4, vm0, $0xb8;
	[tilespmem:$0x1B800] =	vst v63  }
0x5a3: {  	s28 =	simm.s32 $0xB000  }
0x5a4: {  	[tilespmem:s28], [sflag:$0x1] =	stream.indirect_vreg.gather [hbm4b:s1+s3], $0x80, v3, vm0, $0xb8;
	[tilespmem:$0x1B800] =	vst v63  }
0x5a5: {  	s20 =	simm.s32 $0xB800  }
0x5a6: {  	[tilespmem:s20], [sflag:$0x1] =	stream.indirect_vreg.gather [hbm4b:s5+s3], $0x80, v3, vm0, $0xb8;
	[tilespmem:$0x1B800] =	vst v63  }
0x5a7: {  	s20 =	simm.s32 $0xC000  }
0x5a8: {  	[tilespmem:s20], [sflag:$0x1] =	stream.indirect_vreg.gather [hbm4b:s6+s3], $0x80, v3, vm0, $0xb8;
	[tilespmem:$0x1B800] =	vst v63  }
0x5a9: {  	v3 =	vld.msk [tilespmem:$0x740], $0xff;
	_ =	sdelay $0x4  }
0x5aa: {  	v58 =	vshrl.u32 v3, $0x3  }
0x5ab: {  	v4 =	vmul.u32 $0x30, v58  }
0x5ac: {  	v3 =	vand.u32 $0x7, v3  }
0x5ad: {  	v3 =	vor.u32 v3, v4  }
0x5ae: {  	v3 =	vperm.xlane v3, v0;
	_ =	sdelay $0x1  }
0x5af: {  	v3 =	vadd.s32 v1, v3;
	_ =	sdelay $0x3  }
0x5b0: {  	s21 =	simm.s32 $0xC800  }
0x5b1: {  	[tilespmem:s21], [sflag:$0x1] =	stream.indirect_vreg.gather [hbm4b:s1+s3], $0x80, v3, vm0, $0xb8;
	[tilespmem:$0x1B800] =	vst v63  }
0x5b2: {  	s29 =	simm.s32 $0xD000  }
0x5b3: {  	[tilespmem:s29], [sflag:$0x1] =	stream.indirect_vreg.gather [hbm4b:s5+s3], $0x80, v3, vm0, $0xb8;
	[tilespmem:$0x1B800] =	vst v63  }
0x5b4: {  	s21 =	simm.s32 $0xD800  }
0x5b5: {  	[tilespmem:s21], [sflag:$0x1] =	stream.indirect_vreg.gather [hbm4b:s6+s3], $0x80, v3, vm0, $0xb8;
	[tilespmem:$0x1B800] =	vst v63  }
0x5b6: {  	_ =	swait.ge [sflag:s16], $0xD800  }
0x5b7: {  	[sflag:s16] =	ssyncset.done $0x0  }
0x5b8: {  	s22 =	rddreg [dreg:$0x11];
	[sflag:s16] =	ssyncadd.s32 $0xFFFF2800  }
0x5b9: {  	[hbm4b:s22+s3] =	stream.linear.scatter [tilespmem:s11], [sflag:$0x4], $0xD800, $0x38;
	[tilespmem:$0x1B800] =	vst v63  }
0x5ba: {  	_ =	swait.ge [sflag:s17], $0xD800  }
0x5bb: {  	[sflag:s17] =	ssyncset.done $0x0  }
0x5bc: {  	[sflag:s17] =	ssyncadd.s32 $0xFFFF2800  }
0x5bd: {  	v3 =	vld [tilespmem:$0x780];
	_ =	sdelay $0x4  }
0x5be: {  	v59 =	vshrl.u32 v3, $0x3  }
0x5bf: {  	v4 =	vmul.u32 $0x30, v59  }
0x5c0: {  	v3 =	vand.u32 $0x7, v3  }
0x5c1: {  	v3 =	vor.u32 v3, v4  }
0x5c2: {  	v4 =	vperm.xlane v3, v0;
	_ =	sdelay $0x1  }
0x5c3: {  	v4 =	vadd.s32 v1, v4;
	_ =	sdelay $0x3  }
0x5c4: {  	v3 =	vperm.xlane v3, v2  }
0x5c5: {  	[tilespmem:s11], [sflag:$0x2] =	stream.indirect_vreg.gather [hbm4b:s1+s3], $0x80, v4, vm0, $0xb8;
	[tilespmem:$0x1B800] =	vst v63  }
0x5c6: {  	s30 =	simm.s32 $0xE800;
	v3 =	vadd.s32 v1, v3  }
0x5c7: {  	[tilespmem:s30], [sflag:$0x2] =	stream.indirect_vreg.gather [hbm4b:s5+s3], $0x80, v4, vm0, $0xb8;
	[tilespmem:$0x1B800] =	vst v63  }
0x5c8: {  	s31 =	simm.s32 $0xF000  }
0x5c9: {  	[tilespmem:s31], [sflag:$0x2] =	stream.indirect_vreg.gather [hbm4b:s6+s3], $0x80, v4, vm0, $0xb8;
	[tilespmem:$0x1B800] =	vst v63  }
0x5ca: {  	s24 =	simm.s32 $0xF800  }
0x5cb: {  	[tilespmem:s24], [sflag:$0x2] =	stream.indirect_vreg.gather [hbm4b:s1+s3], $0x80, v3, vm0, $0xb8;
	[tilespmem:$0x1B800] =	vst v63  }
0x5cc: {  	s25 =	simm.s32 $0x10000  }
0x5cd: {  	[tilespmem:s25], [sflag:$0x2] =	stream.indirect_vreg.gather [hbm4b:s5+s3], $0x80, v3, vm0, $0xb8;
	[tilespmem:$0x1B800] =	vst v63  }
0x5ce: {  	s26 =	simm.s32 $0x10800  }
0x5cf: {  	[tilespmem:s26], [sflag:$0x2] =	stream.indirect_vreg.gather [hbm4b:s6+s3], $0x80, v3, vm0, $0xb8;
	[tilespmem:$0x1B800] =	vst v63  }
0x5d0: {  	v3 =	vld [tilespmem:$0x790];
	_ =	sdelay $0x4  }
0x5d1: {  	v60 =	vshrl.u32 v3, $0x3  }
0x5d2: {  	v4 =	vmul.u32 $0x30, v60  }
0x5d3: {  	v3 =	vand.u32 $0x7, v3  }
0x5d4: {  	v3 =	vor.u32 v3, v4  }
0x5d5: {  	v4 =	vperm.xlane v3, v0;
	_ =	sdelay $0x1  }
0x5d6: {  	v4 =	vadd.s32 v1, v4;
	_ =	sdelay $0x3  }
0x5d7: {  	s28 =	simm.s32 $0x11000;
	v3 =	vperm.xlane v3, v2  }
0x5d8: {  	[tilespmem:s28], [sflag:$0x2] =	stream.indirect_vreg.gather [hbm4b:s1+s3], $0x80, v4, vm0, $0xb8;
	[tilespmem:$0x1B800] =	vst v63  }
0x5d9: {  	s29 =	simm.s32 $0x11800;
	v3 =	vadd.s32 v1, v3  }
0x5da: {  	[tilespmem:s29], [sflag:$0x2] =	stream.indirect_vreg.gather [hbm4b:s5+s3], $0x80, v4, vm0, $0xb8;
	[tilespmem:$0x1B800] =	vst v63  }
0x5db: {  	s30 =	simm.s32 $0x12000  }
0x5dc: {  	[tilespmem:s30], [sflag:$0x2] =	stream.indirect_vreg.gather [hbm4b:s6+s3], $0x80, v4, vm0, $0xb8;
	[tilespmem:$0x1B800] =	vst v63  }
0x5dd: {  	s31 =	simm.s32 $0x12800  }
0x5de: {  	[tilespmem:s31], [sflag:$0x2] =	stream.indirect_vreg.gather [hbm4b:s1+s3], $0x80, v3, vm0, $0xb8;
	[tilespmem:$0x1B800] =	vst v63  }
0x5df: {  	s4 =	simm.s32 $0x13000  }
0x5e0: {  	[tilespmem:s4], [sflag:$0x2] =	stream.indirect_vreg.gather [hbm4b:s5+s3], $0x80, v3, vm0, $0xb8;
	[tilespmem:$0x1B800] =	vst v63  }
0x5e1: {  	s7 =	simm.s32 $0x13800  }
0x5e2: {  	[tilespmem:s7], [sflag:$0x2] =	stream.indirect_vreg.gather [hbm4b:s6+s3], $0x80, v3, vm0, $0xb8;
	[tilespmem:$0x1B800] =	vst v63  }
0x5e3: {  	v3 =	vld [tilespmem:$0x7A0];
	_ =	sdelay $0x4  }
0x5e4: {  	v61 =	vshrl.u32 v3, $0x3  }
0x5e5: {  	v4 =	vmul.u32 $0x30, v61  }
0x5e6: {  	v3 =	vand.u32 $0x7, v3  }
0x5e7: {  	v3 =	vor.u32 v3, v4  }
0x5e8: {  	v4 =	vperm.xlane v3, v0;
	_ =	sdelay $0x1  }
0x5e9: {  	v4 =	vadd.s32 v1, v4;
	_ =	sdelay $0x3  }
0x5ea: {  	s8 =	simm.s32 $0x14000;
	v3 =	vperm.xlane v3, v2  }
0x5eb: {  	[tilespmem:s8], [sflag:$0x2] =	stream.indirect_vreg.gather [hbm4b:s1+s3], $0x80, v4, vm0, $0xb8;
	[tilespmem:$0x1B800] =	vst v63  }
0x5ec: {  	s9 =	simm.s32 $0x14800;
	v3 =	vadd.s32 v1, v3  }
0x5ed: {  	[tilespmem:s9], [sflag:$0x2] =	stream.indirect_vreg.gather [hbm4b:s5+s3], $0x80, v4, vm0, $0xb8;
	[tilespmem:$0x1B800] =	vst v63  }
0x5ee: {  	s10 =	simm.s32 $0x15000  }
0x5ef: {  	[tilespmem:s10], [sflag:$0x2] =	stream.indirect_vreg.gather [hbm4b:s6+s3], $0x80, v4, vm0, $0xb8;
	[tilespmem:$0x1B800] =	vst v63  }
0x5f0: {  	s12 =	simm.s32 $0x15800  }
0x5f1: {  	[tilespmem:s12], [sflag:$0x2] =	stream.indirect_vreg.gather [hbm4b:s1+s3], $0x80, v3, vm0, $0xb8;
	[tilespmem:$0x1B800] =	vst v63  }
0x5f2: {  	s13 =	simm.s32 $0x16000  }
0x5f3: {  	[tilespmem:s13], [sflag:$0x2] =	stream.indirect_vreg.gather [hbm4b:s5+s3], $0x80, v3, vm0, $0xb8;
	[tilespmem:$0x1B800] =	vst v63  }
0x5f4: {  	s18 =	simm.s32 $0x16800  }
0x5f5: {  	[tilespmem:s18], [sflag:$0x2] =	stream.indirect_vreg.gather [hbm4b:s6+s3], $0x80, v3, vm0, $0xb8;
	[tilespmem:$0x1B800] =	vst v63  }
0x5f6: {  	v3 =	vld [tilespmem:$0x7B0];
	_ =	sdelay $0x4  }
0x5f7: {  	v62 =	vshrl.u32 v3, $0x3  }
0x5f8: {  	v4 =	vmul.u32 $0x30, v62  }
0x5f9: {  	v3 =	vand.u32 $0x7, v3  }
0x5fa: {  	v3 =	vor.u32 v3, v4  }
0x5fb: {  	v4 =	vperm.xlane v3, v0;
	_ =	sdelay $0x1  }
0x5fc: {  	v4 =	vadd.s32 v1, v4;
	_ =	sdelay $0x3  }
0x5fd: {  	s19 =	simm.s32 $0x17000;
	v3 =	vperm.xlane v3, v2  }
0x5fe: {  	[tilespmem:s19], [sflag:$0x2] =	stream.indirect_vreg.gather [hbm4b:s1+s3], $0x80, v4, vm0, $0xb8;
	[tilespmem:$0x1B800] =	vst v63  }
0x5ff: {  	s20 =	simm.s32 $0x17800;
	v3 =	vadd.s32 v1, v3  }
0x600: {  	[tilespmem:s20], [sflag:$0x2] =	stream.indirect_vreg.gather [hbm4b:s5+s3], $0x80, v4, vm0, $0xb8;
	[tilespmem:$0x1B800] =	vst v63  }
0x601: {  	s21 =	simm.s32 $0x18000  }
0x602: {  	[tilespmem:s21], [sflag:$0x2] =	stream.indirect_vreg.gather [hbm4b:s6+s3], $0x80, v4, vm0, $0xb8;
	[tilespmem:$0x1B800] =	vst v63  }
0x603: {  	s22 =	simm.s32 $0x18800  }
0x604: {  	[tilespmem:s22], [sflag:$0x2] =	stream.indirect_vreg.gather [hbm4b:s1+s3], $0x80, v3, vm0, $0xb8;
	[tilespmem:$0x1B800] =	vst v63  }
0x605: {  	s24 =	simm.s32 $0x19000  }
0x606: {  	[tilespmem:s24], [sflag:$0x2] =	stream.indirect_vreg.gather [hbm4b:s5+s3], $0x80, v3, vm0, $0xb8;
	[tilespmem:$0x1B800] =	vst v63  }
0x607: {  	s25 =	simm.s32 $0x19800  }
0x608: {  	[tilespmem:s25], [sflag:$0x2] =	stream.indirect_vreg.gather [hbm4b:s6+s3], $0x80, v3, vm0, $0xb8;
	[tilespmem:$0x1B800] =	vst v63  }
0x609: {  	v3 =	vld.msk [tilespmem:$0x7C0], $0xff;
	_ =	sdelay $0x4  }
0x60a: {  	v63 =	vshrl.u32 v3, $0x3  }
0x60b: {  	v4 =	vmul.u32 $0x30, v63  }
0x60c: {  	v3 =	vand.u32 $0x7, v3  }
0x60d: {  	v3 =	vor.u32 v3, v4  }
0x60e: {  	v3 =	vperm.xlane v3, v0;
	_ =	sdelay $0x1  }
0x60f: {  	v3 =	vadd.s32 v1, v3;
	_ =	sdelay $0x3  }
0x610: {  	s26 =	simm.s32 $0x1A000  }
0x611: {  	[tilespmem:s26], [sflag:$0x2] =	stream.indirect_vreg.gather [hbm4b:s1+s3], $0x80, v3, vm0, $0xb8;
	[tilespmem:$0x1B800] =	vst v63  }
0x612: {  	s28 =	simm.s32 $0x1A800  }
0x613: {  	[tilespmem:s28], [sflag:$0x2] =	stream.indirect_vreg.gather [hbm4b:s5+s3], $0x80, v3, vm0, $0xb8;
	[tilespmem:$0x1B800] =	vst v63  }
0x614: {  	s29 =	simm.s32 $0x1B000  }
0x615: {  	[tilespmem:s29], [sflag:$0x2] =	stream.indirect_vreg.gather [hbm4b:s6+s3], $0x80, v3, vm0, $0xb8;
	[tilespmem:$0x1B800] =	vst v63  }
0x616: {  	s0 =	rddreg [dreg:$0x15];
	_ =	swait.ge [sflag:s14], $0xD800  }
0x617: {  	[sflag:s14] =	ssyncset.done $0x0  }
0x618: {  	s30 =	rddreg [dreg:$0x12];
	[sflag:s14] =	ssyncadd.s32 $0xFFFF2800  }
0x619: {  	[hbm4b:s30+s3] =	stream.linear.scatter [tilespmem:s23], [sflag:$0x3], $0xD800, $0x38;
	[tilespmem:$0x1B800] =	vst v63  }
0x61a: {  	_ =	swait.ge [sflag:s16], $0xD800  }
0x61b: {  	[sflag:s16] =	ssyncset.done $0x0  }
0x61c: {  	s31 =	rddreg [dreg:$0x13];
	[sflag:s16] =	ssyncadd.s32 $0xFFFF2800  }
0x61d: {  	[hbm4b:s31+s3] =	stream.linear.scatter [tilespmem:s11], [sflag:$0x4], $0xD800, $0x38;
	[tilespmem:$0x1B800] =	vst v63  }
0x61e: {  	p0 =	sne.s32 s0, $0x1;
	_ =	swait.ge [sflag:s15], $0xD800  }
.Ltmp0:
0x61f: {  	[sflag:s15] =	ssyncset.done $0x0;
	(pc) =	sbr.rel @p0 .LBB2_1-.Ltmp0, $4  }
0x620: {  	[sflag:s15] =	ssyncadd.s32 $0xFFFF2800  }
0x621: {  	_ =	swait.ge [sflag:s17], $0xD800  }
0x622: {  	[sflag:s17] =	ssyncset.done $0x0  }
0x623: {  	s0 =	sadd.s32 $0xFFFFFFFF, s0;
	[sflag:s17] =	ssyncadd.s32 $0xFFFF2800  }
0x624: {  	_ =	sfence.sel $0x180000  }
0x625: {  	[bflag:$0x0] =	sbarrier.arrive $0xFFFF  }
0x626: {  	_ =	strace $0x90000047  }
0x627: {  	s0 =	stileid.u32;
	[bflag:$0x2] =	sbarrier.arrive $0xFFFF  }
0x628: {  	p0 =	sne.s32 s0, $0x0;
	s0 =	rddreg [dreg:$0x3]  }
0x629: {  	s0 =	sadd.s32 @!p0 $0x100000, s0  }
0x62a: {  	[sflag:s0] =	ssyncadd.tile.s32 @!p0 $0x1;
	_ =	shalt  }
.Lfunc_end2:
_tile_overlayer_lowered:
.L_overlay_start_2:
0x62b: {  	(tag) =	ssettag $0x2  }
0x62c: {  	s0 =	rddreg [dreg:$0x0];
	s2 =	stileid.u32  }
0x62d: {  	s1 =	rddreg [dreg:$0x1];
	p0 =	sne.s32 s2, $0x0  }
0x62e: {  	s3 =	rddreg [dreg:$0x2];
	[bflag:$0x3] =	sbarrier.arrive $0xFFFF;
	s2 =	simm.s32 @!p0 $0x1C05  }
0x62f: {  	[timem:s3], [sflag:s2] =	dma.local @!p0 [hbm:s0], s1  }
0x630: {  	s0 =	simm.s32 @!p0 $0x5  }
0x631: {  	_ =	swait.ge @!p0 [sflag:s0], s1  }
0x632: {  	s1 =	ssub.s32 @!p0 $0x0, s1;
	[sflag:s0] =	ssyncset.done @!p0 $0x0  }
0x633: {  	[sflag:s0] =	ssyncadd.s32 @!p0 s1  }
0x634: {  	[bflag:$0x3] =	sbarrier.arrive $0xFFFF  }
0x635: {  	_ =	shalt  }

</sc_bundles>
